<compile_context>
chip_gen: v7x
topology: tpu7x:2x2x1
jax: 0.10.2.dev20260603
libtpu: 0.0.44.dev20260713+nightly
codegen_flags: <defaults>
</compile_context>

<pallas_src>
import functools

import jax
import jax.numpy as jnp
from jax import lax
from jax.experimental import pallas as pl
from jax.experimental.pallas import tpu as pltpu
from jax.experimental.pallas import tpu_sc as plsc

_NC = 10000
_NU = 4096
_D = 128
_E = 320000
_R = 15
_RP = 16

_NW = 32
_BP = 128
_PW = 10240
_EP = _NW * _PW
_NS1 = _PW // _BP
_SC2 = 10
_B2 = 64
_NS2 = _PW // (_SC2 * _B2)
_RING = 4
_NZ = 10240
_STRIPE = _NZ // 16


def _tables_body(emb_ref, w_ref, a_ref, t_ref):
    k = pl.program_id(0)

    @pl.when(k == 0)
    def _():
        e2 = emb_ref[...] * emb_ref[...]
        w2 = w_ref[...] * w_ref[...]
        a_ref[...] = lax.dot_general(
            e2, w2, (((1,), (1,)), ((), ())),
            preferred_element_type=jnp.float32)

    wrow = w_ref[pl.ds(k, 1), :]
    t_ref[...] = (emb_ref[...] * wrow)[None]


def _make_tables(emb, wpad):
    return pl.pallas_call(
        _tables_body,
        grid=(_R,),
        in_specs=[
            pl.BlockSpec((_NC, _D), lambda k: (0, 0)),
            pl.BlockSpec((_RP, _D), lambda k: (0, 0)),
        ],
        out_specs=[
            pl.BlockSpec((_NC, _RP), lambda k: (0, 0)),
            pl.BlockSpec((1, _NC, _D), lambda k: (k, 0, 0)),
        ],
        out_shape=[
            jax.ShapeDtypeStruct((_NC, _RP), jnp.float32),
            jax.ShapeDtypeStruct((_R, _NC, _D), jnp.float32),
        ],
    )(emb, wpad)


def _user_body(im_ref, emb_ref, ue_ref, w_ref, out_ref):
    agg = lax.dot_general(
        im_ref[...], emb_ref[...], (((1,), (0,)), ((), ())),
        preferred_element_type=jnp.float32)
    logits = lax.dot_general(
        ue_ref[...], w_ref[...], (((1,), (1,)), ((), ())),
        preferred_element_type=jnp.float32)
    col = lax.broadcasted_iota(jnp.int32, logits.shape, 1)
    logits = jnp.where(col < _R, logits, -1e30)
    m = jnp.max(logits, axis=-1, keepdims=True)
    ex = jnp.exp(logits - m)
    score = ex / jnp.sum(ex, axis=-1, keepdims=True)
    corr = lax.dot_general(
        score, w_ref[...], (((1,), (0,)), ((), ())),
        preferred_element_type=jnp.float32)
    out_ref[...] = agg + corr * agg


def _make_user(interact_mat, emb, user_emb, wpad):
    bu = 256
    return pl.pallas_call(
        _user_body,
        grid=(_NU // bu,),
        in_specs=[
            pl.BlockSpec((bu, _NC), lambda i: (i, 0)),
            pl.BlockSpec((_NC, _D), lambda i: (0, 0)),
            pl.BlockSpec((bu, _D), lambda i: (i, 0)),
            pl.BlockSpec((_RP, _D), lambda i: (0, 0)),
        ],
        out_specs=pl.BlockSpec((bu, _D), lambda i: (i, 0)),
        out_shape=jax.ShapeDtypeStruct((_NU, _D), jnp.float32),
    )(interact_mat, emb, user_emb, wpad)


def _combine_body(in_ref, out_ref):
    out_ref[...] = in_ref[0] + in_ref[1]


def _make_combine(catpart):
    br = 1000
    return pl.pallas_call(
        _combine_body,
        grid=(_NC // br,),
        in_specs=[pl.BlockSpec((2, br, _D), lambda i: (0, i, 0))],
        out_specs=pl.BlockSpec((br, _D), lambda i: (i, 0)),
        out_shape=jax.ShapeDtypeStruct((_NC, _D), jnp.float32),
    )(catpart)


@functools.partial(
    pl.kernel,
    mesh=plsc.VectorSubcoreMesh(core_axis_name="c", subcore_axis_name="s"),
    compiler_params=pltpu.CompilerParams(needs_layout_passes=False),
    out_type=[
        jax.ShapeDtypeStruct((_NW, _NS1, _BP), jnp.float32),
        jax.ShapeDtypeStruct((2, _NZ), jnp.float32),
    ],
    scratch_types=[
        pltpu.VMEM((_NS1, _BP), jnp.int32),
        pltpu.VMEM((_NS1, _BP), jnp.int32),
        pltpu.VMEM((_NS1, _BP), jnp.int32),
        pltpu.VMEM((_NS1, _BP), jnp.int32),
        pltpu.VMEM((_NS1, _BP), jnp.int32),
        pltpu.VMEM((_NS1, _BP), jnp.float32),
        pltpu.VMEM((_NS1, _BP), jnp.float32),
        pltpu.VMEM((_STRIPE,), jnp.float32),
        pltpu.VMEM_SHARED((_NZ,), jnp.float32),
        pltpu.SemaphoreType.DMA,
        pltpu.SemaphoreType.DMA,
    ],
)
def _s1(head_hbm, tail_hbm, ktype_hbm, aflat_hbm, exps_hbm, zpart_hbm,
        hv, tv, kv, ih, it, ah, at, zb, zs, gsem, ssem):
    c = lax.axis_index("c")
    s = lax.axis_index("s")
    wid = s * 2 + c

    def _zfill(i, carry):
        zb[pl.ds(i * 16, 16)] = jnp.zeros((16,), jnp.float32)
        return carry
    lax.fori_loop(0, _STRIPE // 16, _zfill, 0)
    pltpu.sync_copy(zb, zs.at[pl.ds(s * _STRIPE, _STRIPE)])
    plsc.subcore_barrier()

    pltpu.sync_copy(head_hbm.at[wid], hv)
    pltpu.sync_copy(tail_hbm.at[wid], tv)
    pltpu.sync_copy(ktype_hbm.at[wid], kv)

    def _idx(j, cy):
        for i in range(_BP // 16):
            sl = pl.ds(i * 16, 16)
            k16 = kv[j, sl] - 1
            ih[j, sl] = hv[j, sl] * _RP + k16
            it[j, sl] = tv[j, sl] * _RP + k16
        return cy
    lax.fori_loop(0, _NS1, _idx, 0)

    def _fire(j, cy):
        pltpu.async_copy(aflat_hbm.at[ih.at[j]], ah.at[j], gsem)
        pltpu.async_copy(aflat_hbm.at[it.at[j]], at.at[j], gsem)
        return cy
    lax.fori_loop(0, _NS1, _fire, 0)
    pltpu.make_async_copy(exps_hbm.at[0], ah, gsem).wait()
    pltpu.make_async_copy(exps_hbm.at[0], at, gsem).wait()

    def _exp(j, cy):
        for i in range(_BP // 16):
            sl = pl.ds(i * 16, 16)
            ah[j, sl] = jnp.exp(ah[j, sl] * at[j, sl])
        return cy
    lax.fori_loop(0, _NS1, _exp, 0)

    pltpu.sync_copy(ah, exps_hbm.at[wid])

    def _scat(j, cy):
        pltpu.async_copy(ah.at[j], zs.at[hv.at[j]], ssem, add=True)
        return cy
    lax.fori_loop(0, _NS1, _scat, 0)
    pltpu.make_async_copy(exps_hbm.at[0], ah, ssem).wait()
    plsc.subcore_barrier()

    pltpu.sync_copy(zs.at[pl.ds(s * _STRIPE, _STRIPE)], zb)
    pltpu.sync_copy(zb, zpart_hbm.at[c, pl.ds(s * _STRIPE, _STRIPE)])


@functools.partial(
    pl.kernel,
    mesh=plsc.VectorSubcoreMesh(core_axis_name="c", subcore_axis_name="s"),
    compiler_params=pltpu.CompilerParams(needs_layout_passes=False),
    out_type=[
        jax.ShapeDtypeStruct((2, _NZ, _D), jnp.float32),
    ],
    scratch_types=[
        pltpu.VMEM((_NS2, _B2), jnp.int32),
        pltpu.VMEM((_NS2 * _B2,), jnp.int32),
        pltpu.VMEM((_NS2 * _B2,), jnp.int32),
        pltpu.VMEM((_NS2 * _B2,), jnp.float32),
        pltpu.VMEM((_NZ,), jnp.float32),
        pltpu.VMEM((_RING, _B2, _D), jnp.float32),
        pltpu.VMEM_SHARED((_NZ, _D), jnp.float32),
        pltpu.SemaphoreType.DMA,
        pltpu.SemaphoreType.DMA,
    ],
)
def _s2(head2_hbm, tail_hbm, ktype_hbm, exps_hbm, zpart_hbm,
        tflat_hbm, cat_hbm, hv, kv, idx, wv, zv, rows, cat_s, gsem, ssem):
    c = lax.axis_index("c")
    s = lax.axis_index("s")
    wid = s * 2 + c

    def _zrow(i, carry):
        for j in range(_D // 16):
            rows[0, i, pl.ds(j * 16, 16)] = jnp.zeros((16,), jnp.float32)
        return carry
    lax.fori_loop(0, _B2, _zrow, 0)

    def _zcat(i, carry):
        pltpu.sync_copy(rows.at[0],
                        cat_s.at[pl.ds(s * _STRIPE + i * _B2, _B2)])
        return carry
    lax.fori_loop(0, _STRIPE // _B2, _zcat, 0)
    plsc.subcore_barrier()

    pltpu.sync_copy(zpart_hbm.at[0], zv)

    def _zld(i, carry):
        pltpu.sync_copy(zpart_hbm.at[1, pl.ds(i * 1024, 1024)], wv)

        def _za(g, c2):
            zv[pl.ds(i * 1024 + g * 16, 16)] = (
                zv[pl.ds(i * 1024 + g * 16, 16)] + wv[pl.ds(g * 16, 16)])
            return c2
        lax.fori_loop(0, 1024 // 16, _za, 0)
        return carry
    lax.fori_loop(0, _NZ // 1024, _zld, 0)

    def _super(sc, cy0):
        pltpu.sync_copy(head2_hbm.at[wid, sc], hv)
        pltpu.sync_copy(tail_hbm.at[wid, sc], idx)
        pltpu.sync_copy(ktype_hbm.at[wid, sc], kv)
        pltpu.sync_copy(exps_hbm.at[wid, sc], wv)

        def _prep(j, cy):
            for i in range(_B2 // 16):
                fl = pl.ds(j * _B2 + i * 16, 16)
                sl = pl.ds(i * 16, 16)
                idx[fl] = (kv[fl] - 1) * _NC + idx[fl]
                zg = plsc.load_gather(zv, [hv[j, sl]])
                wv[fl] = wv[fl] / (zg + 1e-16)
            return cy
        lax.fori_loop(0, _NS2, _prep, 0)

        pltpu.async_copy(
            tflat_hbm.at[idx.at[pl.ds(0, _B2)]], rows.at[0], gsem)
        pltpu.async_copy(
            tflat_hbm.at[idx.at[pl.ds(_B2, _B2)]], rows.at[1], gsem)

        def _main(j, cy):
            slot = lax.rem(j, _RING)

            @pl.when(j + 2 < _NS2)
            def _():
                @pl.when(j >= 2)
                def _():
                    pltpu.make_async_copy(
                        tflat_hbm.at[pl.ds(0, _B2)], rows.at[0], ssem).wait()
                pltpu.async_copy(
                    tflat_hbm.at[idx.at[pl.ds((j + 2) * _B2, _B2)]],
                    rows.at[lax.rem(j + 2, _RING)], gsem)

            pltpu.make_async_copy(
                tflat_hbm.at[pl.ds(0, _B2)], rows.at[0], gsem).wait()

            def _scale(e, cy2):
                wsp = plsc.load_gather(
                    wv, [jnp.full((16,), j * _B2, jnp.int32) + e])
                for i in range(_D // 16):
                    sl = pl.ds(i * 16, 16)
                    rows[slot, e, sl] = rows[slot, e, sl] * wsp
                return cy2
            lax.fori_loop(0, _B2, _scale, 0)

            pltpu.async_copy(rows.at[slot], cat_s.at[hv.at[j]], ssem, add=True)
            return cy
        lax.fori_loop(0, _NS2, _main, 0)
        for _i in range(_RING):
            pltpu.make_async_copy(
                tflat_hbm.at[pl.ds(0, _B2)], rows.at[0], ssem).wait()
        return cy0
    lax.fori_loop(0, _SC2, _super, 0)
    plsc.subcore_barrier()

    def _out(i, carry):
        r0 = s * _STRIPE + i * _B2
        pltpu.sync_copy(cat_s.at[pl.ds(r0, _B2)], rows.at[0])
        pltpu.sync_copy(rows.at[0], cat_hbm.at[c, pl.ds(r0, _B2)])
        return carry
    lax.fori_loop(0, _STRIPE // _B2, _out, 0)


def kernel(category_emb, user_emb, edge_index, edge_type, interact_mat, weight):
    npad = _PW - _E // _NW
    padh = jnp.broadcast_to(
        _NC + jnp.arange(npad, dtype=jnp.int32), (_NW, npad))
    head = jnp.concatenate(
        [edge_index[0].astype(jnp.int32).reshape(_NW, -1), padh], axis=1)
    tail = jnp.concatenate(
        [edge_index[1].astype(jnp.int32).reshape(_NW, -1),
         jnp.zeros((_NW, npad), jnp.int32)], axis=1)
    ktype = jnp.concatenate(
        [edge_type.astype(jnp.int32).reshape(_NW, -1),
         jnp.ones((_NW, npad), jnp.int32)], axis=1)
    head1 = head.reshape(_NW, _NS1, _BP)
    tail1 = tail.reshape(_NW, _NS1, _BP)
    ktype1 = ktype.reshape(_NW, _NS1, _BP)
    head2 = head.reshape(_NW, _SC2, _NS2, _B2)
    tail2 = tail.reshape(_NW, _SC2, _NS2 * _B2)
    ktype2 = ktype.reshape(_NW, _SC2, _NS2 * _B2)
    wpad = jnp.pad(weight, ((0, _RP - _R), (0, 0)))

    a, t = _make_tables(category_emb, wpad)
    aflat = jnp.pad(a.reshape(_NC * _RP), (0, (_NZ - _NC) * _RP))
    tflat = t.reshape(_R * _NC, _D)

    exps, zpart = _s1(head1, tail1, ktype1, aflat)
    exps2 = exps.reshape(_NW, _SC2, _NS2 * _B2)
    (catpart,) = _s2(head2, tail2, ktype2, exps2, zpart, tflat)
    category_agg = _make_combine(catpart)

    user_agg = _make_user(interact_mat, category_emb, user_emb, wpad)
    return (category_agg, user_agg)

# --- scband reference (transcript-rebuilt; emitter-appended) ---
"""Pipeline reference for scband-recommender-8796093022752 (READ-ONLY COPY).

The authoritative reference and input builder live on the scoring server;
editing this copy changes nothing except your own understanding.
"""

import jax, jax.numpy as jnp
import numpy as np


def setup_inputs(seed: int = 0) -> dict:
    key = jax.random.key(seed)
    ks = jax.random.split(key, 6)
    n_categories, n_users, channel = 10000, 4096, 128
    n_edges, n_relations = 320000, 16
    category_emb = jax.random.normal(ks[0], (n_categories, channel), dtype=jnp.float32)
    user_emb = jax.random.normal(ks[1], (n_users, channel), dtype=jnp.float32)
    edge_index = jax.random.randint(ks[2], (2, n_edges), 0, n_categories, dtype=jnp.int32)
    # edge_type in [1, n_relations-1] so that (edge_type - 1) is a valid row of weight
    edge_type = jax.random.randint(ks[3], (n_edges,), 1, n_relations, dtype=jnp.int32)
    # sparse user-category interaction matrix, materialized dense (density ~0.002)
    interact_mat = (jax.random.uniform(ks[4], (n_users, n_categories)) < 0.002).astype(jnp.float32)
    weight = jax.random.normal(ks[5], (n_relations - 1, channel), dtype=jnp.float32) * 0.05
    return {
        'category_emb': category_emb,
        'user_emb': user_emb,
        'edge_index': edge_index,
        'edge_type': edge_type,
        'interact_mat': interact_mat,
        'weight': weight,
    }


def _scatter_softmax(src, index, num_segments):
    # softmax over groups (along dim 0) defined by index, like torch_scatter.scatter_softmax
    seg_max = jax.ops.segment_max(src, index, num_segments=num_segments)
    seg_max = jnp.where(jnp.isfinite(seg_max), seg_max, 0.0)
    shifted = src - seg_max[index]
    exp = jnp.exp(shifted)
    seg_sum = jax.ops.segment_sum(exp, index, num_segments=num_segments)
    return exp / (seg_sum[index] + 1e-16)


def reference(category_emb, user_emb, edge_index, edge_type, interact_mat, weight):
    n_categories = category_emb.shape[0]
    head = edge_index[0].astype(jnp.int32)
    tail = edge_index[1].astype(jnp.int32)
    edge_relation_emb = weight[edge_type.astype(jnp.int32) - 1]          # [E, d] gather
    cat_tail = category_emb[tail]                                        # [E, d] gather
    cat_head = category_emb[head]                                        # [E, d] gather
    neigh_relation_emb = cat_tail * edge_relation_emb                    # [E, d]
    # calculate_sim_hrt
    tail_rel = jnp.linalg.norm(cat_tail * edge_relation_emb, ord=2, axis=1, keepdims=True)  # [E,1]
    head_rel = jnp.linalg.norm(cat_head * edge_relation_emb, ord=2, axis=1, keepdims=True)  # [E,1]
    att = (head_rel * tail_rel) ** 2                                     # [E,1]
    att = jnp.broadcast_to(att, neigh_relation_emb.shape)                # [E, d]
    # scatter softmax grouped by head node (intended semantics of the original)
    att_w = _scatter_softmax(att, head, n_categories)                    # [E, d]
    neigh_relation_emb = att_w * neigh_relation_emb                      # [E, d]
    category_agg = jax.ops.segment_sum(neigh_relation_emb, head, num_segments=n_categories)  # [Nc, d]
    # user aggregation: sparse mm done densely
    user_agg = interact_mat @ category_emb                               # [Nu, d]
    score = jax.nn.softmax(user_emb @ weight.T, axis=-1)                 # [Nu, R-1]
    user_agg = user_agg + (score @ weight) * user_agg                    # [Nu, d]
    return (category_agg, user_agg)

if __name__ == "__main__":
    import jax
    _d = setup_inputs()
    print(jax.jit(kernel)(*tuple(_d.values())))

</pallas_src>

<mosaic_0001>
#map = affine_map<(d0, d1) -> (0, 0, 0)>
#map1 = affine_map<(d0, d1) -> (0)>
#map2 = affine_map<(d0, d1) -> (0, 0)>
module attributes {stable_mosaic.version = 14 : i64} {
  func.func @_s1(%arg0: i32, %arg1: i32, %arg2: memref<32x80x128xi32, #tpu.memory_space<hbm>>, %arg3: memref<32x80x128xi32, #tpu.memory_space<hbm>>, %arg4: memref<32x80x128xi32, #tpu.memory_space<hbm>>, %arg5: memref<163840xf32, #tpu.memory_space<hbm>>, %arg6: memref<32x80x128xf32, #tpu.memory_space<hbm>>, %arg7: memref<2x10240xf32, #tpu.memory_space<hbm>>, %arg8: memref<80x128xi32, #tpu.memory_space<vmem>>, %arg9: memref<80x128xi32, #tpu.memory_space<vmem>>, %arg10: memref<80x128xi32, #tpu.memory_space<vmem>>, %arg11: memref<80x128xi32, #tpu.memory_space<vmem>>, %arg12: memref<80x128xi32, #tpu.memory_space<vmem>>, %arg13: memref<80x128xf32, #tpu.memory_space<vmem>>, %arg14: memref<80x128xf32, #tpu.memory_space<vmem>>, %arg15: memref<640xf32, #tpu.memory_space<vmem>>, %arg16: memref<10240xf32, #tpu.memory_space<vmem_shared>>, %arg17: memref<!tpu.dma_semaphore, #tpu.memory_space<semaphore_mem>>, %arg18: memref<!tpu.dma_semaphore, #tpu.memory_space<semaphore_mem>>) attributes {dimension_semantics = [#tpu.dimension_semantics<core_parallel>, #tpu.dimension_semantics<subcore_parallel>], iteration_bounds = array<i64: 2, 16>, scalar_prefetch = 0 : i64, scratch_operands = 11 : i64, tpu.core_type = #tpu.core_type<sc_vector_subcore>, window_params = [{transform_indices = #map}, {transform_indices = #map}, {transform_indices = #map}, {transform_indices = #map1}, {transform_indices = #map}, {transform_indices = #map2}]} {
    %mul3A = arith.constant 2 : i32
    %mul3A_0 = arith.muli %arg1, %mul3A : i32
    %add3A = arith.addi %mul3A_0, %arg0 : i32
    %scan3A = arith.constant 0 : i32
    %scan3A_1 = arith.constant 0 : i32
    %scan3A_2 = arith.constant 40 : i32
    %scan3A_3 = arith.addi %scan3A_1, %scan3A_2 : i32
    %scan3A_4 = arith.constant 1 : i32
    scf.for %scan3A_63 = %scan3A_1 to %scan3A_3 step %scan3A_4  : i32 {
      %broadcast_in_dim3A = arith.constant 0.000000e+00 : f32
      %broadcast_in_dim3A_64 = vector.broadcast %broadcast_in_dim3A : f32 to vector<16xf32>
      %mul3A_65 = arith.constant 16 : i32
      %mul3A_66 = arith.muli %scan3A_63, %mul3A_65 : i32
      %swap3A = arith.index_cast %mul3A_66 : i32 to index
      %swap3A_67 = tpu.vector_load %arg15[%swap3A] {strides = array<i32>} : memref<640xf32, #tpu.memory_space<vmem>>, vector<16xf32>,
      tpu.vector_store %arg15[%swap3A], %broadcast_in_dim3A_64 {strides = array<i32>} : memref<640xf32, #tpu.memory_space<vmem>>, vector<16xf32>,
    }
    %scan3A_5 = arith.constant 40 : i32
    %mul3A_6 = arith.constant 640 : i32
    %mul3A_7 = arith.muli %arg1, %mul3A_6 : i32
    "tpu.region"() ({
      %run_scoped3A = tpu.sem_alloc : memref<!tpu.dma_semaphore, #tpu.memory_space<semaphore_mem>>
      %dma_start3A = tpu.memref_slice %arg16[%mul3A_7] : memref<10240xf32, #tpu.memory_space<vmem_shared>> -> memref<640xf32, #tpu.memory_space<vmem_shared>>
      %dma_start3A_63 = tpu.memref_slice %arg16[%mul3A_7] : memref<10240xf32, #tpu.memory_space<vmem_shared>> -> memref<640xf32, #tpu.memory_space<vmem_shared>>
      tpu.enqueue_dma source(%arg15 : memref<640xf32, #tpu.memory_space<vmem>>) target(%dma_start3A_63 : memref<640xf32, #tpu.memory_space<vmem_shared>>) target_semaphore(%run_scoped3A : memref<!tpu.dma_semaphore, #tpu.memory_space<semaphore_mem>>)
      %dma_wait3A_64 = tpu.memref_slice %arg16[%mul3A_7] : memref<10240xf32, #tpu.memory_space<vmem_shared>> -> memref<640xf32, #tpu.memory_space<vmem_shared>>
      %dma_wait3A_65 = tpu.memref_slice %arg16[%mul3A_7] : memref<10240xf32, #tpu.memory_space<vmem_shared>> -> memref<640xf32, #tpu.memory_space<vmem_shared>>
      tpu.wait_dma2 semaphore(%run_scoped3A : memref<!tpu.dma_semaphore, #tpu.memory_space<semaphore_mem>>) src(%arg15 : memref<640xf32, #tpu.memory_space<vmem>>) dst(%dma_wait3A_65 : memref<640xf32, #tpu.memory_space<vmem_shared>>)
      tpu.yield
    }) : () -> ()
    %barrier3A = arith.constant 0 : index
    tpu.barrier barrier_id(%barrier3A)
    "tpu.region"() ({
      %run_scoped3A = tpu.sem_alloc : memref<!tpu.dma_semaphore, #tpu.memory_space<semaphore_mem>>
      %dma_start3A = arith.constant 0 : i32
      %dma_start3A_63 = arith.constant 0 : i32
      %dma_start3A_64 = tpu.memref_slice %arg2[%add3A, %dma_start3A, %dma_start3A_63] : memref<32x80x128xi32, #tpu.memory_space<hbm>> -> memref<1x80x128xi32, #tpu.memory_space<hbm>>
      %dma_start3A_65 = tpu.memref_squeeze %dma_start3A_64 : memref<1x80x128xi32, #tpu.memory_space<hbm>> -> memref<80x128xi32, #tpu.memory_space<hbm>>
      %dma_start3A_66 = arith.constant 0 : i32
      %dma_start3A_67 = arith.constant 0 : i32
      %dma_start3A_68 = tpu.memref_slice %arg2[%add3A, %dma_start3A_66, %dma_start3A_67] : memref<32x80x128xi32, #tpu.memory_space<hbm>> -> memref<1x80x128xi32, #tpu.memory_space<hbm>>
      %dma_start3A_69 = tpu.memref_squeeze %dma_start3A_68 : memref<1x80x128xi32, #tpu.memory_space<hbm>> -> memref<80x128xi32, #tpu.memory_space<hbm>>
      tpu.enqueue_dma source(%dma_start3A_69 : memref<80x128xi32, #tpu.memory_space<hbm>>) target(%arg8 : memref<80x128xi32, #tpu.memory_space<vmem>>) target_semaphore(%run_scoped3A : memref<!tpu.dma_semaphore, #tpu.memory_space<semaphore_mem>>)
      %dma_wait3A_70 = arith.constant 0 : i32
      %dma_wait3A_71 = arith.constant 0 : i32
      %dma_wait3A_72 = tpu.memref_slice %arg2[%add3A, %dma_wait3A_70, %dma_wait3A_71] : memref<32x80x128xi32, #tpu.memory_space<hbm>> -> memref<1x80x128xi32, #tpu.memory_space<hbm>>
      %dma_wait3A_73 = tpu.memref_squeeze %dma_wait3A_72 : memref<1x80x128xi32, #tpu.memory_space<hbm>> -> memref<80x128xi32, #tpu.memory_space<hbm>>
      %dma_wait3A_74 = arith.constant 0 : i32
      %dma_wait3A_75 = arith.constant 0 : i32
      %dma_wait3A_76 = tpu.memref_slice %arg2[%add3A, %dma_wait3A_74, %dma_wait3A_75] : memref<32x80x128xi32, #tpu.memory_space<hbm>> -> memref<1x80x128xi32, #tpu.memory_space<hbm>>
      %dma_wait3A_77 = tpu.memref_squeeze %dma_wait3A_76 : memref<1x80x128xi32, #tpu.memory_space<hbm>> -> memref<80x128xi32, #tpu.memory_space<hbm>>
      tpu.wait_dma2 semaphore(%run_scoped3A : memref<!tpu.dma_semaphore, #tpu.memory_space<semaphore_mem>>) src(%dma_wait3A_77 : memref<80x128xi32, #tpu.memory_space<hbm>>) dst(%arg8 : memref<80x128xi32, #tpu.memory_space<vmem>>)
      tpu.yield
    }) : () -> ()
    "tpu.region"() ({
      %run_scoped3A = tpu.sem_alloc : memref<!tpu.dma_semaphore, #tpu.memory_space<semaphore_mem>>
      %dma_start3A = arith.constant 0 : i32
      %dma_start3A_63 = arith.constant 0 : i32
      %dma_start3A_64 = tpu.memref_slice %arg3[%add3A, %dma_start3A, %dma_start3A_63] : memref<32x80x128xi32, #tpu.memory_space<hbm>> -> memref<1x80x128xi32, #tpu.memory_space<hbm>>
      %dma_start3A_65 = tpu.memref_squeeze %dma_start3A_64 : memref<1x80x128xi32, #tpu.memory_space<hbm>> -> memref<80x128xi32, #tpu.memory_space<hbm>>
      %dma_start3A_66 = arith.constant 0 : i32
      %dma_start3A_67 = arith.constant 0 : i32
      %dma_start3A_68 = tpu.memref_slice %arg3[%add3A, %dma_start3A_66, %dma_start3A_67] : memref<32x80x128xi32, #tpu.memory_space<hbm>> -> memref<1x80x128xi32, #tpu.memory_space<hbm>>
      %dma_start3A_69 = tpu.memref_squeeze %dma_start3A_68 : memref<1x80x128xi32, #tpu.memory_space<hbm>> -> memref<80x128xi32, #tpu.memory_space<hbm>>
      tpu.enqueue_dma source(%dma_start3A_69 : memref<80x128xi32, #tpu.memory_space<hbm>>) target(%arg9 : memref<80x128xi32, #tpu.memory_space<vmem>>) target_semaphore(%run_scoped3A : memref<!tpu.dma_semaphore, #tpu.memory_space<semaphore_mem>>)
      %dma_wait3A_70 = arith.constant 0 : i32
      %dma_wait3A_71 = arith.constant 0 : i32
      %dma_wait3A_72 = tpu.memref_slice %arg3[%add3A, %dma_wait3A_70, %dma_wait3A_71] : memref<32x80x128xi32, #tpu.memory_space<hbm>> -> memref<1x80x128xi32, #tpu.memory_space<hbm>>
      %dma_wait3A_73 = tpu.memref_squeeze %dma_wait3A_72 : memref<1x80x128xi32, #tpu.memory_space<hbm>> -> memref<80x128xi32, #tpu.memory_space<hbm>>
      %dma_wait3A_74 = arith.constant 0 : i32
      %dma_wait3A_75 = arith.constant 0 : i32
      %dma_wait3A_76 = tpu.memref_slice %arg3[%add3A, %dma_wait3A_74, %dma_wait3A_75] : memref<32x80x128xi32, #tpu.memory_space<hbm>> -> memref<1x80x128xi32, #tpu.memory_space<hbm>>
      %dma_wait3A_77 = tpu.memref_squeeze %dma_wait3A_76 : memref<1x80x128xi32, #tpu.memory_space<hbm>> -> memref<80x128xi32, #tpu.memory_space<hbm>>
      tpu.wait_dma2 semaphore(%run_scoped3A : memref<!tpu.dma_semaphore, #tpu.memory_space<semaphore_mem>>) src(%dma_wait3A_77 : memref<80x128xi32, #tpu.memory_space<hbm>>) dst(%arg9 : memref<80x128xi32, #tpu.memory_space<vmem>>)
      tpu.yield
    }) : () -> ()
    "tpu.region"() ({
      %run_scoped3A = tpu.sem_alloc : memref<!tpu.dma_semaphore, #tpu.memory_space<semaphore_mem>>
      %dma_start3A = arith.constant 0 : i32
      %dma_start3A_63 = arith.constant 0 : i32
      %dma_start3A_64 = tpu.memref_slice %arg4[%add3A, %dma_start3A, %dma_start3A_63] : memref<32x80x128xi32, #tpu.memory_space<hbm>> -> memref<1x80x128xi32, #tpu.memory_space<hbm>>
      %dma_start3A_65 = tpu.memref_squeeze %dma_start3A_64 : memref<1x80x128xi32, #tpu.memory_space<hbm>> -> memref<80x128xi32, #tpu.memory_space<hbm>>
      %dma_start3A_66 = arith.constant 0 : i32
      %dma_start3A_67 = arith.constant 0 : i32
      %dma_start3A_68 = tpu.memref_slice %arg4[%add3A, %dma_start3A_66, %dma_start3A_67] : memref<32x80x128xi32, #tpu.memory_space<hbm>> -> memref<1x80x128xi32, #tpu.memory_space<hbm>>
      %dma_start3A_69 = tpu.memref_squeeze %dma_start3A_68 : memref<1x80x128xi32, #tpu.memory_space<hbm>> -> memref<80x128xi32, #tpu.memory_space<hbm>>
      tpu.enqueue_dma source(%dma_start3A_69 : memref<80x128xi32, #tpu.memory_space<hbm>>) target(%arg10 : memref<80x128xi32, #tpu.memory_space<vmem>>) target_semaphore(%run_scoped3A : memref<!tpu.dma_semaphore, #tpu.memory_space<semaphore_mem>>)
      %dma_wait3A_70 = arith.constant 0 : i32
      %dma_wait3A_71 = arith.constant 0 : i32
      %dma_wait3A_72 = tpu.memref_slice %arg4[%add3A, %dma_wait3A_70, %dma_wait3A_71] : memref<32x80x128xi32, #tpu.memory_space<hbm>> -> memref<1x80x128xi32, #tpu.memory_space<hbm>>
      %dma_wait3A_73 = tpu.memref_squeeze %dma_wait3A_72 : memref<1x80x128xi32, #tpu.memory_space<hbm>> -> memref<80x128xi32, #tpu.memory_space<hbm>>
      %dma_wait3A_74 = arith.constant 0 : i32
      %dma_wait3A_75 = arith.constant 0 : i32
      %dma_wait3A_76 = tpu.memref_slice %arg4[%add3A, %dma_wait3A_74, %dma_wait3A_75] : memref<32x80x128xi32, #tpu.memory_space<hbm>> -> memref<1x80x128xi32, #tpu.memory_space<hbm>>
      %dma_wait3A_77 = tpu.memref_squeeze %dma_wait3A_76 : memref<1x80x128xi32, #tpu.memory_space<hbm>> -> memref<80x128xi32, #tpu.memory_space<hbm>>
      tpu.wait_dma2 semaphore(%run_scoped3A : memref<!tpu.dma_semaphore, #tpu.memory_space<semaphore_mem>>) src(%dma_wait3A_77 : memref<80x128xi32, #tpu.memory_space<hbm>>) dst(%arg10 : memref<80x128xi32, #tpu.memory_space<vmem>>)
      tpu.yield
    }) : () -> ()
    %scan3A_8 = arith.constant 0 : i32
    %scan3A_9 = arith.constant 0 : i32
    %scan3A_10 = arith.constant 80 : i32
    %scan3A_11 = arith.addi %scan3A_9, %scan3A_10 : i32
    %scan3A_12 = arith.constant 1 : i32
    scf.for %scan3A_63 = %scan3A_9 to %scan3A_11 step %scan3A_12  : i32 {
      %get3A = arith.index_cast %scan3A_63 : i32 to index
      %get3A_64 = arith.constant 0 : index
      %get3A_65 = tpu.vector_load %arg10[%get3A, %get3A_64] {strides = array<i32>} : memref<80x128xi32, #tpu.memory_space<vmem>>, vector<16xi32>,
      %sub3A = arith.constant 1 : i32
      %sub3A_66 = vector.broadcast %sub3A : i32 to vector<16xi32>
      %sub3A_67 = arith.subi %get3A_65, %sub3A_66 : vector<16xi32>
      %get3A_68 = arith.index_cast %scan3A_63 : i32 to index
      %get3A_69 = arith.constant 0 : index
      %get3A_70 = tpu.vector_load %arg8[%get3A_68, %get3A_69] {strides = array<i32>} : memref<80x128xi32, #tpu.memory_space<vmem>>, vector<16xi32>,
      %mul3A_71 = arith.constant 16 : i32
      %mul3A_72 = vector.broadcast %mul3A_71 : i32 to vector<16xi32>
      %mul3A_73 = arith.muli %get3A_70, %mul3A_72 : vector<16xi32>
      %add3A_74 = arith.addi %mul3A_73, %sub3A_67 : vector<16xi32>
      %swap3A = arith.index_cast %scan3A_63 : i32 to index
      %swap3A_75 = arith.constant 0 : index
      %swap3A_76 = tpu.vector_load %arg11[%swap3A, %swap3A_75] {strides = array<i32>} : memref<80x128xi32, #tpu.memory_space<vmem>>, vector<16xi32>,
      tpu.vector_store %arg11[%swap3A, %swap3A_75], %add3A_74 {strides = array<i32>} : memref<80x128xi32, #tpu.memory_space<vmem>>, vector<16xi32>,
      %get3A_77 = arith.index_cast %scan3A_63 : i32 to index
      %get3A_78 = arith.constant 0 : index
      %get3A_79 = tpu.vector_load %arg9[%get3A_77, %get3A_78] {strides = array<i32>} : memref<80x128xi32, #tpu.memory_space<vmem>>, vector<16xi32>,
      %mul3A_80 = arith.constant 16 : i32
      %mul3A_81 = vector.broadcast %mul3A_80 : i32 to vector<16xi32>
      %mul3A_82 = arith.muli %get3A_79, %mul3A_81 : vector<16xi32>
      %add3A_83 = arith.addi %mul3A_82, %sub3A_67 : vector<16xi32>
      %swap3A_84 = arith.index_cast %scan3A_63 : i32 to index
      %swap3A_85 = arith.constant 0 : index
      %swap3A_86 = tpu.vector_load %arg12[%swap3A_84, %swap3A_85] {strides = array<i32>} : memref<80x128xi32, #tpu.memory_space<vmem>>, vector<16xi32>,
      tpu.vector_store %arg12[%swap3A_84, %swap3A_85], %add3A_83 {strides = array<i32>} : memref<80x128xi32, #tpu.memory_space<vmem>>, vector<16xi32>,
      %get3A_87 = arith.index_cast %scan3A_63 : i32 to index
      %get3A_88 = arith.constant 16 : index
      %get3A_89 = tpu.vector_load %arg10[%get3A_87, %get3A_88] {strides = array<i32>} : memref<80x128xi32, #tpu.memory_space<vmem>>, vector<16xi32>,
      %sub3A_90 = arith.constant 1 : i32
      %sub3A_91 = vector.broadcast %sub3A_90 : i32 to vector<16xi32>
      %sub3A_92 = arith.subi %get3A_89, %sub3A_91 : vector<16xi32>
      %get3A_93 = arith.index_cast %scan3A_63 : i32 to index
      %get3A_94 = arith.constant 16 : index
      %get3A_95 = tpu.vector_load %arg8[%get3A_93, %get3A_94] {strides = array<i32>} : memref<80x128xi32, #tpu.memory_space<vmem>>, vector<16xi32>,
      %mul3A_96 = arith.constant 16 : i32
      %mul3A_97 = vector.broadcast %mul3A_96 : i32 to vector<16xi32>
      %mul3A_98 = arith.muli %get3A_95, %mul3A_97 : vector<16xi32>
      %add3A_99 = arith.addi %mul3A_98, %sub3A_92 : vector<16xi32>
      %swap3A_100 = arith.index_cast %scan3A_63 : i32 to index
      %swap3A_101 = arith.constant 16 : index
      %swap3A_102 = tpu.vector_load %arg11[%swap3A_100, %swap3A_101] {strides = array<i32>} : memref<80x128xi32, #tpu.memory_space<vmem>>, vector<16xi32>,
      tpu.vector_store %arg11[%swap3A_100, %swap3A_101], %add3A_99 {strides = array<i32>} : memref<80x128xi32, #tpu.memory_space<vmem>>, vector<16xi32>,
      %get3A_103 = arith.index_cast %scan3A_63 : i32 to index
      %get3A_104 = arith.constant 16 : index
      %get3A_105 = tpu.vector_load %arg9[%get3A_103, %get3A_104] {strides = array<i32>} : memref<80x128xi32, #tpu.memory_space<vmem>>, vector<16xi32>,
      %mul3A_106 = arith.constant 16 : i32
      %mul3A_107 = vector.broadcast %mul3A_106 : i32 to vector<16xi32>
      %mul3A_108 = arith.muli %get3A_105, %mul3A_107 : vector<16xi32>
      %add3A_109 = arith.addi %mul3A_108, %sub3A_92 : vector<16xi32>
      %swap3A_110 = arith.index_cast %scan3A_63 : i32 to index
      %swap3A_111 = arith.constant 16 : index
      %swap3A_112 = tpu.vector_load %arg12[%swap3A_110, %swap3A_111] {strides = array<i32>} : memref<80x128xi32, #tpu.memory_space<vmem>>, vector<16xi32>,
      tpu.vector_store %arg12[%swap3A_110, %swap3A_111], %add3A_109 {strides = array<i32>} : memref<80x128xi32, #tpu.memory_space<vmem>>, vector<16xi32>,
      %get3A_113 = arith.index_cast %scan3A_63 : i32 to index
      %get3A_114 = arith.constant 32 : index
      %get3A_115 = tpu.vector_load %arg10[%get3A_113, %get3A_114] {strides = array<i32>} : memref<80x128xi32, #tpu.memory_space<vmem>>, vector<16xi32>,
      %sub3A_116 = arith.constant 1 : i32
      %sub3A_117 = vector.broadcast %sub3A_116 : i32 to vector<16xi32>
      %sub3A_118 = arith.subi %get3A_115, %sub3A_117 : vector<16xi32>
      %get3A_119 = arith.index_cast %scan3A_63 : i32 to index
      %get3A_120 = arith.constant 32 : index
      %get3A_121 = tpu.vector_load %arg8[%get3A_119, %get3A_120] {strides = array<i32>} : memref<80x128xi32, #tpu.memory_space<vmem>>, vector<16xi32>,
      %mul3A_122 = arith.constant 16 : i32
      %mul3A_123 = vector.broadcast %mul3A_122 : i32 to vector<16xi32>
      %mul3A_124 = arith.muli %get3A_121, %mul3A_123 : vector<16xi32>
      %add3A_125 = arith.addi %mul3A_124, %sub3A_118 : vector<16xi32>
      %swap3A_126 = arith.index_cast %scan3A_63 : i32 to index
      %swap3A_127 = arith.constant 32 : index
      %swap3A_128 = tpu.vector_load %arg11[%swap3A_126, %swap3A_127] {strides = array<i32>} : memref<80x128xi32, #tpu.memory_space<vmem>>, vector<16xi32>,
      tpu.vector_store %arg11[%swap3A_126, %swap3A_127], %add3A_125 {strides = array<i32>} : memref<80x128xi32, #tpu.memory_space<vmem>>, vector<16xi32>,
      %get3A_129 = arith.index_cast %scan3A_63 : i32 to index
      %get3A_130 = arith.constant 32 : index
      %get3A_131 = tpu.vector_load %arg9[%get3A_129, %get3A_130] {strides = array<i32>} : memref<80x128xi32, #tpu.memory_space<vmem>>, vector<16xi32>,
      %mul3A_132 = arith.constant 16 : i32
      %mul3A_133 = vector.broadcast %mul3A_132 : i32 to vector<16xi32>
      %mul3A_134 = arith.muli %get3A_131, %mul3A_133 : vector<16xi32>
      %add3A_135 = arith.addi %mul3A_134, %sub3A_118 : vector<16xi32>
      %swap3A_136 = arith.index_cast %scan3A_63 : i32 to index
      %swap3A_137 = arith.constant 32 : index
      %swap3A_138 = tpu.vector_load %arg12[%swap3A_136, %swap3A_137] {strides = array<i32>} : memref<80x128xi32, #tpu.memory_space<vmem>>, vector<16xi32>,
      tpu.vector_store %arg12[%swap3A_136, %swap3A_137], %add3A_135 {strides = array<i32>} : memref<80x128xi32, #tpu.memory_space<vmem>>, vector<16xi32>,
      %get3A_139 = arith.index_cast %scan3A_63 : i32 to index
      %get3A_140 = arith.constant 48 : index
      %get3A_141 = tpu.vector_load %arg10[%get3A_139, %get3A_140] {strides = array<i32>} : memref<80x128xi32, #tpu.memory_space<vmem>>, vector<16xi32>,
      %sub3A_142 = arith.constant 1 : i32
      %sub3A_143 = vector.broadcast %sub3A_142 : i32 to vector<16xi32>
      %sub3A_144 = arith.subi %get3A_141, %sub3A_143 : vector<16xi32>
      %get3A_145 = arith.index_cast %scan3A_63 : i32 to index
      %get3A_146 = arith.constant 48 : index
      %get3A_147 = tpu.vector_load %arg8[%get3A_145, %get3A_146] {strides = array<i32>} : memref<80x128xi32, #tpu.memory_space<vmem>>, vector<16xi32>,
      %mul3A_148 = arith.constant 16 : i32
      %mul3A_149 = vector.broadcast %mul3A_148 : i32 to vector<16xi32>
      %mul3A_150 = arith.muli %get3A_147, %mul3A_149 : vector<16xi32>
      %add3A_151 = arith.addi %mul3A_150, %sub3A_144 : vector<16xi32>
      %swap3A_152 = arith.index_cast %scan3A_63 : i32 to index
      %swap3A_153 = arith.constant 48 : index
      %swap3A_154 = tpu.vector_load %arg11[%swap3A_152, %swap3A_153] {strides = array<i32>} : memref<80x128xi32, #tpu.memory_space<vmem>>, vector<16xi32>,
      tpu.vector_store %arg11[%swap3A_152, %swap3A_153], %add3A_151 {strides = array<i32>} : memref<80x128xi32, #tpu.memory_space<vmem>>, vector<16xi32>,
      %get3A_155 = arith.index_cast %scan3A_63 : i32 to index
      %get3A_156 = arith.constant 48 : index
      %get3A_157 = tpu.vector_load %arg9[%get3A_155, %get3A_156] {strides = array<i32>} : memref<80x128xi32, #tpu.memory_space<vmem>>, vector<16xi32>,
      %mul3A_158 = arith.constant 16 : i32
      %mul3A_159 = vector.broadcast %mul3A_158 : i32 to vector<16xi32>
      %mul3A_160 = arith.muli %get3A_157, %mul3A_159 : vector<16xi32>
      %add3A_161 = arith.addi %mul3A_160, %sub3A_144 : vector<16xi32>
      %swap3A_162 = arith.index_cast %scan3A_63 : i32 to index
      %swap3A_163 = arith.constant 48 : index
      %swap3A_164 = tpu.vector_load %arg12[%swap3A_162, %swap3A_163] {strides = array<i32>} : memref<80x128xi32, #tpu.memory_space<vmem>>, vector<16xi32>,
      tpu.vector_store %arg12[%swap3A_162, %swap3A_163], %add3A_161 {strides = array<i32>} : memref<80x128xi32, #tpu.memory_space<vmem>>, vector<16xi32>,
      %get3A_165 = arith.index_cast %scan3A_63 : i32 to index
      %get3A_166 = arith.constant 64 : index
      %get3A_167 = tpu.vector_load %arg10[%get3A_165, %get3A_166] {strides = array<i32>} : memref<80x128xi32, #tpu.memory_space<vmem>>, vector<16xi32>,
      %sub3A_168 = arith.constant 1 : i32
      %sub3A_169 = vector.broadcast %sub3A_168 : i32 to vector<16xi32>
      %sub3A_170 = arith.subi %get3A_167, %sub3A_169 : vector<16xi32>
      %get3A_171 = arith.index_cast %scan3A_63 : i32 to index
      %get3A_172 = arith.constant 64 : index
      %get3A_173 = tpu.vector_load %arg8[%get3A_171, %get3A_172] {strides = array<i32>} : memref<80x128xi32, #tpu.memory_space<vmem>>, vector<16xi32>,
      %mul3A_174 = arith.constant 16 : i32
      %mul3A_175 = vector.broadcast %mul3A_174 : i32 to vector<16xi32>
      %mul3A_176 = arith.muli %get3A_173, %mul3A_175 : vector<16xi32>
      %add3A_177 = arith.addi %mul3A_176, %sub3A_170 : vector<16xi32>
      %swap3A_178 = arith.index_cast %scan3A_63 : i32 to index
      %swap3A_179 = arith.constant 64 : index
      %swap3A_180 = tpu.vector_load %arg11[%swap3A_178, %swap3A_179] {strides = array<i32>} : memref<80x128xi32, #tpu.memory_space<vmem>>, vector<16xi32>,
      tpu.vector_store %arg11[%swap3A_178, %swap3A_179], %add3A_177 {strides = array<i32>} : memref<80x128xi32, #tpu.memory_space<vmem>>, vector<16xi32>,
      %get3A_181 = arith.index_cast %scan3A_63 : i32 to index
      %get3A_182 = arith.constant 64 : index
      %get3A_183 = tpu.vector_load %arg9[%get3A_181, %get3A_182] {strides = array<i32>} : memref<80x128xi32, #tpu.memory_space<vmem>>, vector<16xi32>,
      %mul3A_184 = arith.constant 16 : i32
      %mul3A_185 = vector.broadcast %mul3A_184 : i32 to vector<16xi32>
      %mul3A_186 = arith.muli %get3A_183, %mul3A_185 : vector<16xi32>
      %add3A_187 = arith.addi %mul3A_186, %sub3A_170 : vector<16xi32>
      %swap3A_188 = arith.index_cast %scan3A_63 : i32 to index
      %swap3A_189 = arith.constant 64 : index
      %swap3A_190 = tpu.vector_load %arg12[%swap3A_188, %swap3A_189] {strides = array<i32>} : memref<80x128xi32, #tpu.memory_space<vmem>>, vector<16xi32>,
      tpu.vector_store %arg12[%swap3A_188, %swap3A_189], %add3A_187 {strides = array<i32>} : memref<80x128xi32, #tpu.memory_space<vmem>>, vector<16xi32>,
      %get3A_191 = arith.index_cast %scan3A_63 : i32 to index
      %get3A_192 = arith.constant 80 : index
      %get3A_193 = tpu.vector_load %arg10[%get3A_191, %get3A_192] {strides = array<i32>} : memref<80x128xi32, #tpu.memory_space<vmem>>, vector<16xi32>,
      %sub3A_194 = arith.constant 1 : i32
      %sub3A_195 = vector.broadcast %sub3A_194 : i32 to vector<16xi32>
      %sub3A_196 = arith.subi %get3A_193, %sub3A_195 : vector<16xi32>
      %get3A_197 = arith.index_cast %scan3A_63 : i32 to index
      %get3A_198 = arith.constant 80 : index
      %get3A_199 = tpu.vector_load %arg8[%get3A_197, %get3A_198] {strides = array<i32>} : memref<80x128xi32, #tpu.memory_space<vmem>>, vector<16xi32>,
      %mul3A_200 = arith.constant 16 : i32
      %mul3A_201 = vector.broadcast %mul3A_200 : i32 to vector<16xi32>
      %mul3A_202 = arith.muli %get3A_199, %mul3A_201 : vector<16xi32>
      %add3A_203 = arith.addi %mul3A_202, %sub3A_196 : vector<16xi32>
      %swap3A_204 = arith.index_cast %scan3A_63 : i32 to index
      %swap3A_205 = arith.constant 80 : index
      %swap3A_206 = tpu.vector_load %arg11[%swap3A_204, %swap3A_205] {strides = array<i32>} : memref<80x128xi32, #tpu.memory_space<vmem>>, vector<16xi32>,
      tpu.vector_store %arg11[%swap3A_204, %swap3A_205], %add3A_203 {strides = array<i32>} : memref<80x128xi32, #tpu.memory_space<vmem>>, vector<16xi32>,
      %get3A_207 = arith.index_cast %scan3A_63 : i32 to index
      %get3A_208 = arith.constant 80 : index
      %get3A_209 = tpu.vector_load %arg9[%get3A_207, %get3A_208] {strides = array<i32>} : memref<80x128xi32, #tpu.memory_space<vmem>>, vector<16xi32>,
      %mul3A_210 = arith.constant 16 : i32
      %mul3A_211 = vector.broadcast %mul3A_210 : i32 to vector<16xi32>
      %mul3A_212 = arith.muli %get3A_209, %mul3A_211 : vector<16xi32>
      %add3A_213 = arith.addi %mul3A_212, %sub3A_196 : vector<16xi32>
      %swap3A_214 = arith.index_cast %scan3A_63 : i32 to index
      %swap3A_215 = arith.constant 80 : index
      %swap3A_216 = tpu.vector_load %arg12[%swap3A_214, %swap3A_215] {strides = array<i32>} : memref<80x128xi32, #tpu.memory_space<vmem>>, vector<16xi32>,
      tpu.vector_store %arg12[%swap3A_214, %swap3A_215], %add3A_213 {strides = array<i32>} : memref<80x128xi32, #tpu.memory_space<vmem>>, vector<16xi32>,
      %get3A_217 = arith.index_cast %scan3A_63 : i32 to index
      %get3A_218 = arith.constant 96 : index
      %get3A_219 = tpu.vector_load %arg10[%get3A_217, %get3A_218] {strides = array<i32>} : memref<80x128xi32, #tpu.memory_space<vmem>>, vector<16xi32>,
      %sub3A_220 = arith.constant 1 : i32
      %sub3A_221 = vector.broadcast %sub3A_220 : i32 to vector<16xi32>
      %sub3A_222 = arith.subi %get3A_219, %sub3A_221 : vector<16xi32>
      %get3A_223 = arith.index_cast %scan3A_63 : i32 to index
      %get3A_224 = arith.constant 96 : index
      %get3A_225 = tpu.vector_load %arg8[%get3A_223, %get3A_224] {strides = array<i32>} : memref<80x128xi32, #tpu.memory_space<vmem>>, vector<16xi32>,
      %mul3A_226 = arith.constant 16 : i32
      %mul3A_227 = vector.broadcast %mul3A_226 : i32 to vector<16xi32>
      %mul3A_228 = arith.muli %get3A_225, %mul3A_227 : vector<16xi32>
      %add3A_229 = arith.addi %mul3A_228, %sub3A_222 : vector<16xi32>
      %swap3A_230 = arith.index_cast %scan3A_63 : i32 to index
      %swap3A_231 = arith.constant 96 : index
      %swap3A_232 = tpu.vector_load %arg11[%swap3A_230, %swap3A_231] {strides = array<i32>} : memref<80x128xi32, #tpu.memory_space<vmem>>, vector<16xi32>,
      tpu.vector_store %arg11[%swap3A_230, %swap3A_231], %add3A_229 {strides = array<i32>} : memref<80x128xi32, #tpu.memory_space<vmem>>, vector<16xi32>,
      %get3A_233 = arith.index_cast %scan3A_63 : i32 to index
      %get3A_234 = arith.constant 96 : index
      %get3A_235 = tpu.vector_load %arg9[%get3A_233, %get3A_234] {strides = array<i32>} : memref<80x128xi32, #tpu.memory_space<vmem>>, vector<16xi32>,
      %mul3A_236 = arith.constant 16 : i32
      %mul3A_237 = vector.broadcast %mul3A_236 : i32 to vector<16xi32>
      %mul3A_238 = arith.muli %get3A_235, %mul3A_237 : vector<16xi32>
      %add3A_239 = arith.addi %mul3A_238, %sub3A_222 : vector<16xi32>
      %swap3A_240 = arith.index_cast %scan3A_63 : i32 to index
      %swap3A_241 = arith.constant 96 : index
      %swap3A_242 = tpu.vector_load %arg12[%swap3A_240, %swap3A_241] {strides = array<i32>} : memref<80x128xi32, #tpu.memory_space<vmem>>, vector<16xi32>,
      tpu.vector_store %arg12[%swap3A_240, %swap3A_241], %add3A_239 {strides = array<i32>} : memref<80x128xi32, #tpu.memory_space<vmem>>, vector<16xi32>,
      %get3A_243 = arith.index_cast %scan3A_63 : i32 to index
      %get3A_244 = arith.constant 112 : index
      %get3A_245 = tpu.vector_load %arg10[%get3A_243, %get3A_244] {strides = array<i32>} : memref<80x128xi32, #tpu.memory_space<vmem>>, vector<16xi32>,
      %sub3A_246 = arith.constant 1 : i32
      %sub3A_247 = vector.broadcast %sub3A_246 : i32 to vector<16xi32>
      %sub3A_248 = arith.subi %get3A_245, %sub3A_247 : vector<16xi32>
      %get3A_249 = arith.index_cast %scan3A_63 : i32 to index
      %get3A_250 = arith.constant 112 : index
      %get3A_251 = tpu.vector_load %arg8[%get3A_249, %get3A_250] {strides = array<i32>} : memref<80x128xi32, #tpu.memory_space<vmem>>, vector<16xi32>,
      %mul3A_252 = arith.constant 16 : i32
      %mul3A_253 = vector.broadcast %mul3A_252 : i32 to vector<16xi32>
      %mul3A_254 = arith.muli %get3A_251, %mul3A_253 : vector<16xi32>
      %add3A_255 = arith.addi %mul3A_254, %sub3A_248 : vector<16xi32>
      %swap3A_256 = arith.index_cast %scan3A_63 : i32 to index
      %swap3A_257 = arith.constant 112 : index
      %swap3A_258 = tpu.vector_load %arg11[%swap3A_256, %swap3A_257] {strides = array<i32>} : memref<80x128xi32, #tpu.memory_space<vmem>>, vector<16xi32>,
      tpu.vector_store %arg11[%swap3A_256, %swap3A_257], %add3A_255 {strides = array<i32>} : memref<80x128xi32, #tpu.memory_space<vmem>>, vector<16xi32>,
      %get3A_259 = arith.index_cast %scan3A_63 : i32 to index
      %get3A_260 = arith.constant 112 : index
      %get3A_261 = tpu.vector_load %arg9[%get3A_259, %get3A_260] {strides = array<i32>} : memref<80x128xi32, #tpu.memory_space<vmem>>, vector<16xi32>,
      %mul3A_262 = arith.constant 16 : i32
      %mul3A_263 = vector.broadcast %mul3A_262 : i32 to vector<16xi32>
      %mul3A_264 = arith.muli %get3A_261, %mul3A_263 : vector<16xi32>
      %add3A_265 = arith.addi %mul3A_264, %sub3A_248 : vector<16xi32>
      %swap3A_266 = arith.index_cast %scan3A_63 : i32 to index
      %swap3A_267 = arith.constant 112 : index
      %swap3A_268 = tpu.vector_load %arg12[%swap3A_266, %swap3A_267] {strides = array<i32>} : memref<80x128xi32, #tpu.memory_space<vmem>>, vector<16xi32>,
      tpu.vector_store %arg12[%swap3A_266, %swap3A_267], %add3A_265 {strides = array<i32>} : memref<80x128xi32, #tpu.memory_space<vmem>>, vector<16xi32>,
    }
    %scan3A_13 = arith.constant 80 : i32
    %scan3A_14 = arith.constant 0 : i32
    %scan3A_15 = arith.constant 0 : i32
    %scan3A_16 = arith.constant 80 : i32
    %scan3A_17 = arith.addi %scan3A_15, %scan3A_16 : i32
    %scan3A_18 = arith.constant 1 : i32
    scf.for %scan3A_63 = %scan3A_15 to %scan3A_17 step %scan3A_18  : i32 {
      %dma_start3A = arith.constant 0 : i32
      %dma_start3A_64 = tpu.memref_slice %arg13[%scan3A_63, %dma_start3A] : memref<80x128xf32, #tpu.memory_space<vmem>> -> memref<1x128xf32, #tpu.memory_space<vmem>>
      %dma_start3A_65 = tpu.memref_squeeze %dma_start3A_64 : memref<1x128xf32, #tpu.memory_space<vmem>> -> memref<128xf32, #tpu.memory_space<vmem>>
      %dma_start3A_66 = arith.constant 0 : i32
      %dma_start3A_67 = tpu.memref_slice %arg11[%scan3A_63, %dma_start3A_66] : memref<80x128xi32, #tpu.memory_space<vmem>> -> memref<1x128xi32, #tpu.memory_space<vmem>>
      %dma_start3A_68 = tpu.memref_squeeze %dma_start3A_67 : memref<1x128xi32, #tpu.memory_space<vmem>> -> memref<128xi32, #tpu.memory_space<vmem>>
      %dma_start3A_69 = arith.constant 0 : i32
      %dma_start3A_70 = tpu.memref_slice %arg5[%dma_start3A_69] : memref<163840xf32, #tpu.memory_space<hbm>> -> memref<163840xf32, #tpu.memory_space<hbm>>
      tpu.enqueue_indirect_dma source(%dma_start3A_70 : memref<163840xf32, #tpu.memory_space<hbm>>) target(%dma_start3A_65 : memref<128xf32, #tpu.memory_space<vmem>>) offsets(%dma_start3A_68 : memref<128xi32, #tpu.memory_space<vmem>>) semaphore(%arg17 : memref<!tpu.dma_semaphore, #tpu.memory_space<semaphore_mem>>)
      %dma_start3A_71 = arith.constant 0 : i32
      %dma_start3A_72 = tpu.memref_slice %arg14[%scan3A_63, %dma_start3A_71] : memref<80x128xf32, #tpu.memory_space<vmem>> -> memref<1x128xf32, #tpu.memory_space<vmem>>
      %dma_start3A_73 = tpu.memref_squeeze %dma_start3A_72 : memref<1x128xf32, #tpu.memory_space<vmem>> -> memref<128xf32, #tpu.memory_space<vmem>>
      %dma_start3A_74 = arith.constant 0 : i32
      %dma_start3A_75 = tpu.memref_slice %arg12[%scan3A_63, %dma_start3A_74] : memref<80x128xi32, #tpu.memory_space<vmem>> -> memref<1x128xi32, #tpu.memory_space<vmem>>
      %dma_start3A_76 = tpu.memref_squeeze %dma_start3A_75 : memref<1x128xi32, #tpu.memory_space<vmem>> -> memref<128xi32, #tpu.memory_space<vmem>>
      %dma_start3A_77 = arith.constant 0 : i32
      %dma_start3A_78 = tpu.memref_slice %arg5[%dma_start3A_77] : memref<163840xf32, #tpu.memory_space<hbm>> -> memref<163840xf32, #tpu.memory_space<hbm>>
      tpu.enqueue_indirect_dma source(%dma_start3A_78 : memref<163840xf32, #tpu.memory_space<hbm>>) target(%dma_start3A_73 : memref<128xf32, #tpu.memory_space<vmem>>) offsets(%dma_start3A_76 : memref<128xi32, #tpu.memory_space<vmem>>) semaphore(%arg17 : memref<!tpu.dma_semaphore, #tpu.memory_space<semaphore_mem>>)
    }
    %scan3A_19 = arith.constant 80 : i32
    %dma_wait3A = arith.constant 0 : i32
    %dma_wait3A_20 = arith.constant 0 : i32
    %dma_wait3A_21 = arith.constant 0 : i32
    %dma_wait3A_22 = tpu.memref_slice %arg6[%dma_wait3A, %dma_wait3A_20, %dma_wait3A_21] : memref<32x80x128xf32, #tpu.memory_space<hbm>> -> memref<1x80x128xf32, #tpu.memory_space<hbm>>
    %dma_wait3A_23 = tpu.memref_squeeze %dma_wait3A_22 : memref<1x80x128xf32, #tpu.memory_space<hbm>> -> memref<80x128xf32, #tpu.memory_space<hbm>>
    %dma_wait3A_24 = arith.constant 0 : i32
    %dma_wait3A_25 = arith.constant 0 : i32
    %dma_wait3A_26 = tpu.memref_slice %arg6[%dma_wait3A, %dma_wait3A_24, %dma_wait3A_25] : memref<32x80x128xf32, #tpu.memory_space<hbm>> -> memref<1x80x128xf32, #tpu.memory_space<hbm>>
    %dma_wait3A_27 = tpu.memref_squeeze %dma_wait3A_26 : memref<1x80x128xf32, #tpu.memory_space<hbm>> -> memref<80x128xf32, #tpu.memory_space<hbm>>
    tpu.wait_dma2 semaphore(%arg17 : memref<!tpu.dma_semaphore, #tpu.memory_space<semaphore_mem>>) src(%dma_wait3A_27 : memref<80x128xf32, #tpu.memory_space<hbm>>) dst(%arg13 : memref<80x128xf32, #tpu.memory_space<vmem>>)
    %dma_wait3A_28 = arith.constant 0 : i32
    %dma_wait3A_29 = arith.constant 0 : i32
    %dma_wait3A_30 = arith.constant 0 : i32
    %dma_wait3A_31 = tpu.memref_slice %arg6[%dma_wait3A_28, %dma_wait3A_29, %dma_wait3A_30] : memref<32x80x128xf32, #tpu.memory_space<hbm>> -> memref<1x80x128xf32, #tpu.memory_space<hbm>>
    %dma_wait3A_32 = tpu.memref_squeeze %dma_wait3A_31 : memref<1x80x128xf32, #tpu.memory_space<hbm>> -> memref<80x128xf32, #tpu.memory_space<hbm>>
    %dma_wait3A_33 = arith.constant 0 : i32
    %dma_wait3A_34 = arith.constant 0 : i32
    %dma_wait3A_35 = tpu.memref_slice %arg6[%dma_wait3A_28, %dma_wait3A_33, %dma_wait3A_34] : memref<32x80x128xf32, #tpu.memory_space<hbm>> -> memref<1x80x128xf32, #tpu.memory_space<hbm>>
    %dma_wait3A_36 = tpu.memref_squeeze %dma_wait3A_35 : memref<1x80x128xf32, #tpu.memory_space<hbm>> -> memref<80x128xf32, #tpu.memory_space<hbm>>
    tpu.wait_dma2 semaphore(%arg17 : memref<!tpu.dma_semaphore, #tpu.memory_space<semaphore_mem>>) src(%dma_wait3A_36 : memref<80x128xf32, #tpu.memory_space<hbm>>) dst(%arg14 : memref<80x128xf32, #tpu.memory_space<vmem>>)
    %scan3A_37 = arith.constant 0 : i32
    %scan3A_38 = arith.constant 0 : i32
    %scan3A_39 = arith.constant 80 : i32
    %scan3A_40 = arith.addi %scan3A_38, %scan3A_39 : i32
    %scan3A_41 = arith.constant 1 : i32
    scf.for %scan3A_63 = %scan3A_38 to %scan3A_40 step %scan3A_41  : i32 {
      %get3A = arith.index_cast %scan3A_63 : i32 to index
      %get3A_64 = arith.constant 0 : index
      %get3A_65 = tpu.vector_load %arg13[%get3A, %get3A_64] {strides = array<i32>} : memref<80x128xf32, #tpu.memory_space<vmem>>, vector<16xf32>,
      %get3A_66 = arith.index_cast %scan3A_63 : i32 to index
      %get3A_67 = arith.constant 0 : index
      %get3A_68 = tpu.vector_load %arg14[%get3A_66, %get3A_67] {strides = array<i32>} : memref<80x128xf32, #tpu.memory_space<vmem>>, vector<16xf32>,
      %mul3A_69 = arith.mulf %get3A_65, %get3A_68 : vector<16xf32>
      %exp3A = math.exp %mul3A_69 : vector<16xf32>
      %swap3A = arith.index_cast %scan3A_63 : i32 to index
      %swap3A_70 = arith.constant 0 : index
      %swap3A_71 = tpu.vector_load %arg13[%swap3A, %swap3A_70] {strides = array<i32>} : memref<80x128xf32, #tpu.memory_space<vmem>>, vector<16xf32>,
      tpu.vector_store %arg13[%swap3A, %swap3A_70], %exp3A {strides = array<i32>} : memref<80x128xf32, #tpu.memory_space<vmem>>, vector<16xf32>,
      %get3A_72 = arith.index_cast %scan3A_63 : i32 to index
      %get3A_73 = arith.constant 16 : index
      %get3A_74 = tpu.vector_load %arg13[%get3A_72, %get3A_73] {strides = array<i32>} : memref<80x128xf32, #tpu.memory_space<vmem>>, vector<16xf32>,
      %get3A_75 = arith.index_cast %scan3A_63 : i32 to index
      %get3A_76 = arith.constant 16 : index
      %get3A_77 = tpu.vector_load %arg14[%get3A_75, %get3A_76] {strides = array<i32>} : memref<80x128xf32, #tpu.memory_space<vmem>>, vector<16xf32>,
      %mul3A_78 = arith.mulf %get3A_74, %get3A_77 : vector<16xf32>
      %exp3A_79 = math.exp %mul3A_78 : vector<16xf32>
      %swap3A_80 = arith.index_cast %scan3A_63 : i32 to index
      %swap3A_81 = arith.constant 16 : index
      %swap3A_82 = tpu.vector_load %arg13[%swap3A_80, %swap3A_81] {strides = array<i32>} : memref<80x128xf32, #tpu.memory_space<vmem>>, vector<16xf32>,
      tpu.vector_store %arg13[%swap3A_80, %swap3A_81], %exp3A_79 {strides = array<i32>} : memref<80x128xf32, #tpu.memory_space<vmem>>, vector<16xf32>,
      %get3A_83 = arith.index_cast %scan3A_63 : i32 to index
      %get3A_84 = arith.constant 32 : index
      %get3A_85 = tpu.vector_load %arg13[%get3A_83, %get3A_84] {strides = array<i32>} : memref<80x128xf32, #tpu.memory_space<vmem>>, vector<16xf32>,
      %get3A_86 = arith.index_cast %scan3A_63 : i32 to index
      %get3A_87 = arith.constant 32 : index
      %get3A_88 = tpu.vector_load %arg14[%get3A_86, %get3A_87] {strides = array<i32>} : memref<80x128xf32, #tpu.memory_space<vmem>>, vector<16xf32>,
      %mul3A_89 = arith.mulf %get3A_85, %get3A_88 : vector<16xf32>
      %exp3A_90 = math.exp %mul3A_89 : vector<16xf32>
      %swap3A_91 = arith.index_cast %scan3A_63 : i32 to index
      %swap3A_92 = arith.constant 32 : index
      %swap3A_93 = tpu.vector_load %arg13[%swap3A_91, %swap3A_92] {strides = array<i32>} : memref<80x128xf32, #tpu.memory_space<vmem>>, vector<16xf32>,
      tpu.vector_store %arg13[%swap3A_91, %swap3A_92], %exp3A_90 {strides = array<i32>} : memref<80x128xf32, #tpu.memory_space<vmem>>, vector<16xf32>,
      %get3A_94 = arith.index_cast %scan3A_63 : i32 to index
      %get3A_95 = arith.constant 48 : index
      %get3A_96 = tpu.vector_load %arg13[%get3A_94, %get3A_95] {strides = array<i32>} : memref<80x128xf32, #tpu.memory_space<vmem>>, vector<16xf32>,
      %get3A_97 = arith.index_cast %scan3A_63 : i32 to index
      %get3A_98 = arith.constant 48 : index
      %get3A_99 = tpu.vector_load %arg14[%get3A_97, %get3A_98] {strides = array<i32>} : memref<80x128xf32, #tpu.memory_space<vmem>>, vector<16xf32>,
      %mul3A_100 = arith.mulf %get3A_96, %get3A_99 : vector<16xf32>
      %exp3A_101 = math.exp %mul3A_100 : vector<16xf32>
      %swap3A_102 = arith.index_cast %scan3A_63 : i32 to index
      %swap3A_103 = arith.constant 48 : index
      %swap3A_104 = tpu.vector_load %arg13[%swap3A_102, %swap3A_103] {strides = array<i32>} : memref<80x128xf32, #tpu.memory_space<vmem>>, vector<16xf32>,
      tpu.vector_store %arg13[%swap3A_102, %swap3A_103], %exp3A_101 {strides = array<i32>} : memref<80x128xf32, #tpu.memory_space<vmem>>, vector<16xf32>,
      %get3A_105 = arith.index_cast %scan3A_63 : i32 to index
      %get3A_106 = arith.constant 64 : index
      %get3A_107 = tpu.vector_load %arg13[%get3A_105, %get3A_106] {strides = array<i32>} : memref<80x128xf32, #tpu.memory_space<vmem>>, vector<16xf32>,
      %get3A_108 = arith.index_cast %scan3A_63 : i32 to index
      %get3A_109 = arith.constant 64 : index
      %get3A_110 = tpu.vector_load %arg14[%get3A_108, %get3A_109] {strides = array<i32>} : memref<80x128xf32, #tpu.memory_space<vmem>>, vector<16xf32>,
      %mul3A_111 = arith.mulf %get3A_107, %get3A_110 : vector<16xf32>
      %exp3A_112 = math.exp %mul3A_111 : vector<16xf32>
      %swap3A_113 = arith.index_cast %scan3A_63 : i32 to index
      %swap3A_114 = arith.constant 64 : index
      %swap3A_115 = tpu.vector_load %arg13[%swap3A_113, %swap3A_114] {strides = array<i32>} : memref<80x128xf32, #tpu.memory_space<vmem>>, vector<16xf32>,
      tpu.vector_store %arg13[%swap3A_113, %swap3A_114], %exp3A_112 {strides = array<i32>} : memref<80x128xf32, #tpu.memory_space<vmem>>, vector<16xf32>,
      %get3A_116 = arith.index_cast %scan3A_63 : i32 to index
      %get3A_117 = arith.constant 80 : index
      %get3A_118 = tpu.vector_load %arg13[%get3A_116, %get3A_117] {strides = array<i32>} : memref<80x128xf32, #tpu.memory_space<vmem>>, vector<16xf32>,
      %get3A_119 = arith.index_cast %scan3A_63 : i32 to index
      %get3A_120 = arith.constant 80 : index
      %get3A_121 = tpu.vector_load %arg14[%get3A_119, %get3A_120] {strides = array<i32>} : memref<80x128xf32, #tpu.memory_space<vmem>>, vector<16xf32>,
      %mul3A_122 = arith.mulf %get3A_118, %get3A_121 : vector<16xf32>
      %exp3A_123 = math.exp %mul3A_122 : vector<16xf32>
      %swap3A_124 = arith.index_cast %scan3A_63 : i32 to index
      %swap3A_125 = arith.constant 80 : index
      %swap3A_126 = tpu.vector_load %arg13[%swap3A_124, %swap3A_125] {strides = array<i32>} : memref<80x128xf32, #tpu.memory_space<vmem>>, vector<16xf32>,
      tpu.vector_store %arg13[%swap3A_124, %swap3A_125], %exp3A_123 {strides = array<i32>} : memref<80x128xf32, #tpu.memory_space<vmem>>, vector<16xf32>,
      %get3A_127 = arith.index_cast %scan3A_63 : i32 to index
      %get3A_128 = arith.constant 96 : index
      %get3A_129 = tpu.vector_load %arg13[%get3A_127, %get3A_128] {strides = array<i32>} : memref<80x128xf32, #tpu.memory_space<vmem>>, vector<16xf32>,
      %get3A_130 = arith.index_cast %scan3A_63 : i32 to index
      %get3A_131 = arith.constant 96 : index
      %get3A_132 = tpu.vector_load %arg14[%get3A_130, %get3A_131] {strides = array<i32>} : memref<80x128xf32, #tpu.memory_space<vmem>>, vector<16xf32>,
      %mul3A_133 = arith.mulf %get3A_129, %get3A_132 : vector<16xf32>
      %exp3A_134 = math.exp %mul3A_133 : vector<16xf32>
      %swap3A_135 = arith.index_cast %scan3A_63 : i32 to index
      %swap3A_136 = arith.constant 96 : index
      %swap3A_137 = tpu.vector_load %arg13[%swap3A_135, %swap3A_136] {strides = array<i32>} : memref<80x128xf32, #tpu.memory_space<vmem>>, vector<16xf32>,
      tpu.vector_store %arg13[%swap3A_135, %swap3A_136], %exp3A_134 {strides = array<i32>} : memref<80x128xf32, #tpu.memory_space<vmem>>, vector<16xf32>,
      %get3A_138 = arith.index_cast %scan3A_63 : i32 to index
      %get3A_139 = arith.constant 112 : index
      %get3A_140 = tpu.vector_load %arg13[%get3A_138, %get3A_139] {strides = array<i32>} : memref<80x128xf32, #tpu.memory_space<vmem>>, vector<16xf32>,
      %get3A_141 = arith.index_cast %scan3A_63 : i32 to index
      %get3A_142 = arith.constant 112 : index
      %get3A_143 = tpu.vector_load %arg14[%get3A_141, %get3A_142] {strides = array<i32>} : memref<80x128xf32, #tpu.memory_space<vmem>>, vector<16xf32>,
      %mul3A_144 = arith.mulf %get3A_140, %get3A_143 : vector<16xf32>
      %exp3A_145 = math.exp %mul3A_144 : vector<16xf32>
      %swap3A_146 = arith.index_cast %scan3A_63 : i32 to index
      %swap3A_147 = arith.constant 112 : index
      %swap3A_148 = tpu.vector_load %arg13[%swap3A_146, %swap3A_147] {strides = array<i32>} : memref<80x128xf32, #tpu.memory_space<vmem>>, vector<16xf32>,
      tpu.vector_store %arg13[%swap3A_146, %swap3A_147], %exp3A_145 {strides = array<i32>} : memref<80x128xf32, #tpu.memory_space<vmem>>, vector<16xf32>,
    }
    %scan3A_42 = arith.constant 80 : i32
    "tpu.region"() ({
      %run_scoped3A = tpu.sem_alloc : memref<!tpu.dma_semaphore, #tpu.memory_space<semaphore_mem>>
      %dma_start3A = arith.constant 0 : i32
      %dma_start3A_63 = arith.constant 0 : i32
      %dma_start3A_64 = tpu.memref_slice %arg6[%add3A, %dma_start3A, %dma_start3A_63] : memref<32x80x128xf32, #tpu.memory_space<hbm>> -> memref<1x80x128xf32, #tpu.memory_space<hbm>>
      %dma_start3A_65 = tpu.memref_squeeze %dma_start3A_64 : memref<1x80x128xf32, #tpu.memory_space<hbm>> -> memref<80x128xf32, #tpu.memory_space<hbm>>
      %dma_start3A_66 = arith.constant 0 : i32
      %dma_start3A_67 = arith.constant 0 : i32
      %dma_start3A_68 = tpu.memref_slice %arg6[%add3A, %dma_start3A_66, %dma_start3A_67] : memref<32x80x128xf32, #tpu.memory_space<hbm>> -> memref<1x80x128xf32, #tpu.memory_space<hbm>>
      %dma_start3A_69 = tpu.memref_squeeze %dma_start3A_68 : memref<1x80x128xf32, #tpu.memory_space<hbm>> -> memref<80x128xf32, #tpu.memory_space<hbm>>
      tpu.enqueue_dma source(%arg13 : memref<80x128xf32, #tpu.memory_space<vmem>>) target(%dma_start3A_69 : memref<80x128xf32, #tpu.memory_space<hbm>>) target_semaphore(%run_scoped3A : memref<!tpu.dma_semaphore, #tpu.memory_space<semaphore_mem>>)
      %dma_wait3A_70 = arith.constant 0 : i32
      %dma_wait3A_71 = arith.constant 0 : i32
      %dma_wait3A_72 = tpu.memref_slice %arg6[%add3A, %dma_wait3A_70, %dma_wait3A_71] : memref<32x80x128xf32, #tpu.memory_space<hbm>> -> memref<1x80x128xf32, #tpu.memory_space<hbm>>
      %dma_wait3A_73 = tpu.memref_squeeze %dma_wait3A_72 : memref<1x80x128xf32, #tpu.memory_space<hbm>> -> memref<80x128xf32, #tpu.memory_space<hbm>>
      %dma_wait3A_74 = arith.constant 0 : i32
      %dma_wait3A_75 = arith.constant 0 : i32
      %dma_wait3A_76 = tpu.memref_slice %arg6[%add3A, %dma_wait3A_74, %dma_wait3A_75] : memref<32x80x128xf32, #tpu.memory_space<hbm>> -> memref<1x80x128xf32, #tpu.memory_space<hbm>>
      %dma_wait3A_77 = tpu.memref_squeeze %dma_wait3A_76 : memref<1x80x128xf32, #tpu.memory_space<hbm>> -> memref<80x128xf32, #tpu.memory_space<hbm>>
      tpu.wait_dma2 semaphore(%run_scoped3A : memref<!tpu.dma_semaphore, #tpu.memory_space<semaphore_mem>>) src(%arg13 : memref<80x128xf32, #tpu.memory_space<vmem>>) dst(%dma_wait3A_77 : memref<80x128xf32, #tpu.memory_space<hbm>>)
      tpu.yield
    }) : () -> ()
    %scan3A_43 = arith.constant 0 : i32
    %scan3A_44 = arith.constant 0 : i32
    %scan3A_45 = arith.constant 80 : i32
    %scan3A_46 = arith.addi %scan3A_44, %scan3A_45 : i32
    %scan3A_47 = arith.constant 1 : i32
    scf.for %scan3A_63 = %scan3A_44 to %scan3A_46 step %scan3A_47  : i32 {
      %dma_start3A = arith.constant 0 : i32
      %dma_start3A_64 = tpu.memref_slice %arg13[%scan3A_63, %dma_start3A] : memref<80x128xf32, #tpu.memory_space<vmem>> -> memref<1x128xf32, #tpu.memory_space<vmem>>
      %dma_start3A_65 = tpu.memref_squeeze %dma_start3A_64 : memref<1x128xf32, #tpu.memory_space<vmem>> -> memref<128xf32, #tpu.memory_space<vmem>>
      %dma_start3A_66 = arith.constant 0 : i32
      %dma_start3A_67 = tpu.memref_slice %arg8[%scan3A_63, %dma_start3A_66] : memref<80x128xi32, #tpu.memory_space<vmem>> -> memref<1x128xi32, #tpu.memory_space<vmem>>
      %dma_start3A_68 = tpu.memref_squeeze %dma_start3A_67 : memref<1x128xi32, #tpu.memory_space<vmem>> -> memref<128xi32, #tpu.memory_space<vmem>>
      %dma_start3A_69 = arith.constant 0 : i32
      %dma_start3A_70 = tpu.memref_slice %arg16[%dma_start3A_69] : memref<10240xf32, #tpu.memory_space<vmem_shared>> -> memref<10240xf32, #tpu.memory_space<vmem_shared>>
      tpu.enqueue_indirect_dma source(%dma_start3A_65 : memref<128xf32, #tpu.memory_space<vmem>>) target(%dma_start3A_70 : memref<10240xf32, #tpu.memory_space<vmem_shared>>) offsets(%dma_start3A_68 : memref<128xi32, #tpu.memory_space<vmem>>) semaphore(%arg18 : memref<!tpu.dma_semaphore, #tpu.memory_space<semaphore_mem>>) {add = true}
    }
    %scan3A_48 = arith.constant 80 : i32
    %dma_wait3A_49 = arith.constant 0 : i32
    %dma_wait3A_50 = arith.constant 0 : i32
    %dma_wait3A_51 = arith.constant 0 : i32
    %dma_wait3A_52 = tpu.memref_slice %arg6[%dma_wait3A_49, %dma_wait3A_50, %dma_wait3A_51] : memref<32x80x128xf32, #tpu.memory_space<hbm>> -> memref<1x80x128xf32, #tpu.memory_space<hbm>>
    %dma_wait3A_53 = tpu.memref_squeeze %dma_wait3A_52 : memref<1x80x128xf32, #tpu.memory_space<hbm>> -> memref<80x128xf32, #tpu.memory_space<hbm>>
    %dma_wait3A_54 = arith.constant 0 : i32
    %dma_wait3A_55 = arith.constant 0 : i32
    %dma_wait3A_56 = tpu.memref_slice %arg6[%dma_wait3A_49, %dma_wait3A_54, %dma_wait3A_55] : memref<32x80x128xf32, #tpu.memory_space<hbm>> -> memref<1x80x128xf32, #tpu.memory_space<hbm>>
    %dma_wait3A_57 = tpu.memref_squeeze %dma_wait3A_56 : memref<1x80x128xf32, #tpu.memory_space<hbm>> -> memref<80x128xf32, #tpu.memory_space<hbm>>
    tpu.wait_dma2 semaphore(%arg18 : memref<!tpu.dma_semaphore, #tpu.memory_space<semaphore_mem>>) src(%dma_wait3A_57 : memref<80x128xf32, #tpu.memory_space<hbm>>) dst(%arg13 : memref<80x128xf32, #tpu.memory_space<vmem>>)
    %barrier3A_58 = arith.constant 0 : index
    tpu.barrier barrier_id(%barrier3A_58)
    %mul3A_59 = arith.constant 640 : i32
    %mul3A_60 = arith.muli %arg1, %mul3A_59 : i32
    "tpu.region"() ({
      %run_scoped3A = tpu.sem_alloc : memref<!tpu.dma_semaphore, #tpu.memory_space<semaphore_mem>>
      %dma_start3A = tpu.memref_slice %arg16[%mul3A_60] : memref<10240xf32, #tpu.memory_space<vmem_shared>> -> memref<640xf32, #tpu.memory_space<vmem_shared>>
      %dma_start3A_63 = tpu.memref_slice %arg16[%mul3A_60] : memref<10240xf32, #tpu.memory_space<vmem_shared>> -> memref<640xf32, #tpu.memory_space<vmem_shared>>
      tpu.enqueue_dma source(%dma_start3A_63 : memref<640xf32, #tpu.memory_space<vmem_shared>>) target(%arg15 : memref<640xf32, #tpu.memory_space<vmem>>) target_semaphore(%run_scoped3A : memref<!tpu.dma_semaphore, #tpu.memory_space<semaphore_mem>>)
      %dma_wait3A_64 = tpu.memref_slice %arg16[%mul3A_60] : memref<10240xf32, #tpu.memory_space<vmem_shared>> -> memref<640xf32, #tpu.memory_space<vmem_shared>>
      %dma_wait3A_65 = tpu.memref_slice %arg16[%mul3A_60] : memref<10240xf32, #tpu.memory_space<vmem_shared>> -> memref<640xf32, #tpu.memory_space<vmem_shared>>
      tpu.wait_dma2 semaphore(%run_scoped3A : memref<!tpu.dma_semaphore, #tpu.memory_space<semaphore_mem>>) src(%dma_wait3A_65 : memref<640xf32, #tpu.memory_space<vmem_shared>>) dst(%arg15 : memref<640xf32, #tpu.memory_space<vmem>>)
      tpu.yield
    }) : () -> ()
    %mul3A_61 = arith.constant 640 : i32
    %mul3A_62 = arith.muli %arg1, %mul3A_61 : i32
    "tpu.region"() ({
      %run_scoped3A = tpu.sem_alloc : memref<!tpu.dma_semaphore, #tpu.memory_space<semaphore_mem>>
      %dma_start3A = tpu.memref_slice %arg7[%arg0, %mul3A_62] : memref<2x10240xf32, #tpu.memory_space<hbm>> -> memref<1x640xf32, #tpu.memory_space<hbm>>
      %dma_start3A_63 = tpu.memref_squeeze %dma_start3A : memref<1x640xf32, #tpu.memory_space<hbm>> -> memref<640xf32, #tpu.memory_space<hbm>>
      %dma_start3A_64 = tpu.memref_slice %arg7[%arg0, %mul3A_62] : memref<2x10240xf32, #tpu.memory_space<hbm>> -> memref<1x640xf32, #tpu.memory_space<hbm>>
      %dma_start3A_65 = tpu.memref_squeeze %dma_start3A_64 : memref<1x640xf32, #tpu.memory_space<hbm>> -> memref<640xf32, #tpu.memory_space<hbm>>
      tpu.enqueue_dma source(%arg15 : memref<640xf32, #tpu.memory_space<vmem>>) target(%dma_start3A_65 : memref<640xf32, #tpu.memory_space<hbm>>) target_semaphore(%run_scoped3A : memref<!tpu.dma_semaphore, #tpu.memory_space<semaphore_mem>>)
      %dma_wait3A_66 = tpu.memref_slice %arg7[%arg0, %mul3A_62] : memref<2x10240xf32, #tpu.memory_space<hbm>> -> memref<1x640xf32, #tpu.memory_space<hbm>>
      %dma_wait3A_67 = tpu.memref_squeeze %dma_wait3A_66 : memref<1x640xf32, #tpu.memory_space<hbm>> -> memref<640xf32, #tpu.memory_space<hbm>>
      %dma_wait3A_68 = tpu.memref_slice %arg7[%arg0, %mul3A_62] : memref<2x10240xf32, #tpu.memory_space<hbm>> -> memref<1x640xf32, #tpu.memory_space<hbm>>
      %dma_wait3A_69 = tpu.memref_squeeze %dma_wait3A_68 : memref<1x640xf32, #tpu.memory_space<hbm>> -> memref<640xf32, #tpu.memory_space<hbm>>
      tpu.wait_dma2 semaphore(%run_scoped3A : memref<!tpu.dma_semaphore, #tpu.memory_space<semaphore_mem>>) src(%arg15 : memref<640xf32, #tpu.memory_space<vmem>>) dst(%dma_wait3A_69 : memref<640xf32, #tpu.memory_space<hbm>>)
      tpu.yield
    }) : () -> ()
    return
  }
}

#map = affine_map<(d0, d1) -> (0, 0, 0, 0)>
#map1 = affine_map<(d0, d1) -> (0, 0, 0)>
#map2 = affine_map<(d0, d1) -> (0, 0)>
module attributes {stable_mosaic.version = 14 : i64} {
  func.func @_s2(%arg0: i32, %arg1: i32, %arg2: memref<32x10x16x64xi32, #tpu.memory_space<hbm>>, %arg3: memref<32x10x1024xi32, #tpu.memory_space<hbm>>, %arg4: memref<32x10x1024xi32, #tpu.memory_space<hbm>>, %arg5: memref<32x10x1024xf32, #tpu.memory_space<hbm>>, %arg6: memref<2x10240xf32, #tpu.memory_space<hbm>>, %arg7: memref<150000x128xf32, #tpu.memory_space<hbm>>, %arg8: memref<2x10240x128xf32, #tpu.memory_space<hbm>>, %arg9: memref<16x64xi32, #tpu.memory_space<vmem>>, %arg10: memref<1024xi32, #tpu.memory_space<vmem>>, %arg11: memref<1024xi32, #tpu.memory_space<vmem>>, %arg12: memref<1024xf32, #tpu.memory_space<vmem>>, %arg13: memref<10240xf32, #tpu.memory_space<vmem>>, %arg14: memref<4x64x128xf32, #tpu.memory_space<vmem>>, %arg15: memref<10240x128xf32, #tpu.memory_space<vmem_shared>>, %arg16: memref<!tpu.dma_semaphore, #tpu.memory_space<semaphore_mem>>, %arg17: memref<!tpu.dma_semaphore, #tpu.memory_space<semaphore_mem>>) attributes {dimension_semantics = [#tpu.dimension_semantics<core_parallel>, #tpu.dimension_semantics<subcore_parallel>], iteration_bounds = array<i64: 2, 16>, scalar_prefetch = 0 : i64, scratch_operands = 9 : i64, tpu.core_type = #tpu.core_type<sc_vector_subcore>, window_params = [{transform_indices = #map}, {transform_indices = #map1}, {transform_indices = #map1}, {transform_indices = #map1}, {transform_indices = #map2}, {transform_indices = #map2}, {transform_indices = #map1}]} {
    %mul3A = arith.constant 2 : i32
    %mul3A_0 = arith.muli %arg1, %mul3A : i32
    %add3A = arith.addi %mul3A_0, %arg0 : i32
    %scan3A = arith.constant 0 : i32
    %scan3A_1 = arith.constant 0 : i32
    %scan3A_2 = arith.constant 64 : i32
    %scan3A_3 = arith.addi %scan3A_1, %scan3A_2 : i32
    %scan3A_4 = arith.constant 1 : i32
    scf.for %scan3A_31 = %scan3A_1 to %scan3A_3 step %scan3A_4  : i32 {
      %broadcast_in_dim3A = arith.constant 0.000000e+00 : f32
      %broadcast_in_dim3A_32 = vector.broadcast %broadcast_in_dim3A : f32 to vector<16xf32>
      %swap3A = arith.constant 0 : i32
      %swap3A_33 = arith.index_cast %swap3A : i32 to index
      %swap3A_34 = arith.index_cast %scan3A_31 : i32 to index
      %swap3A_35 = arith.constant 0 : index
      %swap3A_36 = tpu.vector_load %arg14[%swap3A_33, %swap3A_34, %swap3A_35] {strides = array<i32>} : memref<4x64x128xf32, #tpu.memory_space<vmem>>, vector<16xf32>,
      tpu.vector_store %arg14[%swap3A_33, %swap3A_34, %swap3A_35], %broadcast_in_dim3A_32 {strides = array<i32>} : memref<4x64x128xf32, #tpu.memory_space<vmem>>, vector<16xf32>,
      %broadcast_in_dim3A_37 = arith.constant 0.000000e+00 : f32
      %broadcast_in_dim3A_38 = vector.broadcast %broadcast_in_dim3A_37 : f32 to vector<16xf32>
      %swap3A_39 = arith.constant 0 : i32
      %swap3A_40 = arith.index_cast %swap3A_39 : i32 to index
      %swap3A_41 = arith.index_cast %scan3A_31 : i32 to index
      %swap3A_42 = arith.constant 16 : index
      %swap3A_43 = tpu.vector_load %arg14[%swap3A_40, %swap3A_41, %swap3A_42] {strides = array<i32>} : memref<4x64x128xf32, #tpu.memory_space<vmem>>, vector<16xf32>,
      tpu.vector_store %arg14[%swap3A_40, %swap3A_41, %swap3A_42], %broadcast_in_dim3A_38 {strides = array<i32>} : memref<4x64x128xf32, #tpu.memory_space<vmem>>, vector<16xf32>,
      %broadcast_in_dim3A_44 = arith.constant 0.000000e+00 : f32
      %broadcast_in_dim3A_45 = vector.broadcast %broadcast_in_dim3A_44 : f32 to vector<16xf32>
      %swap3A_46 = arith.constant 0 : i32
      %swap3A_47 = arith.index_cast %swap3A_46 : i32 to index
      %swap3A_48 = arith.index_cast %scan3A_31 : i32 to index
      %swap3A_49 = arith.constant 32 : index
      %swap3A_50 = tpu.vector_load %arg14[%swap3A_47, %swap3A_48, %swap3A_49] {strides = array<i32>} : memref<4x64x128xf32, #tpu.memory_space<vmem>>, vector<16xf32>,
      tpu.vector_store %arg14[%swap3A_47, %swap3A_48, %swap3A_49], %broadcast_in_dim3A_45 {strides = array<i32>} : memref<4x64x128xf32, #tpu.memory_space<vmem>>, vector<16xf32>,
      %broadcast_in_dim3A_51 = arith.constant 0.000000e+00 : f32
      %broadcast_in_dim3A_52 = vector.broadcast %broadcast_in_dim3A_51 : f32 to vector<16xf32>
      %swap3A_53 = arith.constant 0 : i32
      %swap3A_54 = arith.index_cast %swap3A_53 : i32 to index
      %swap3A_55 = arith.index_cast %scan3A_31 : i32 to index
      %swap3A_56 = arith.constant 48 : index
      %swap3A_57 = tpu.vector_load %arg14[%swap3A_54, %swap3A_55, %swap3A_56] {strides = array<i32>} : memref<4x64x128xf32, #tpu.memory_space<vmem>>, vector<16xf32>,
      tpu.vector_store %arg14[%swap3A_54, %swap3A_55, %swap3A_56], %broadcast_in_dim3A_52 {strides = array<i32>} : memref<4x64x128xf32, #tpu.memory_space<vmem>>, vector<16xf32>,
      %broadcast_in_dim3A_58 = arith.constant 0.000000e+00 : f32
      %broadcast_in_dim3A_59 = vector.broadcast %broadcast_in_dim3A_58 : f32 to vector<16xf32>
      %swap3A_60 = arith.constant 0 : i32
      %swap3A_61 = arith.index_cast %swap3A_60 : i32 to index
      %swap3A_62 = arith.index_cast %scan3A_31 : i32 to index
      %swap3A_63 = arith.constant 64 : index
      %swap3A_64 = tpu.vector_load %arg14[%swap3A_61, %swap3A_62, %swap3A_63] {strides = array<i32>} : memref<4x64x128xf32, #tpu.memory_space<vmem>>, vector<16xf32>,
      tpu.vector_store %arg14[%swap3A_61, %swap3A_62, %swap3A_63], %broadcast_in_dim3A_59 {strides = array<i32>} : memref<4x64x128xf32, #tpu.memory_space<vmem>>, vector<16xf32>,
      %broadcast_in_dim3A_65 = arith.constant 0.000000e+00 : f32
      %broadcast_in_dim3A_66 = vector.broadcast %broadcast_in_dim3A_65 : f32 to vector<16xf32>
      %swap3A_67 = arith.constant 0 : i32
      %swap3A_68 = arith.index_cast %swap3A_67 : i32 to index
      %swap3A_69 = arith.index_cast %scan3A_31 : i32 to index
      %swap3A_70 = arith.constant 80 : index
      %swap3A_71 = tpu.vector_load %arg14[%swap3A_68, %swap3A_69, %swap3A_70] {strides = array<i32>} : memref<4x64x128xf32, #tpu.memory_space<vmem>>, vector<16xf32>,
      tpu.vector_store %arg14[%swap3A_68, %swap3A_69, %swap3A_70], %broadcast_in_dim3A_66 {strides = array<i32>} : memref<4x64x128xf32, #tpu.memory_space<vmem>>, vector<16xf32>,
      %broadcast_in_dim3A_72 = arith.constant 0.000000e+00 : f32
      %broadcast_in_dim3A_73 = vector.broadcast %broadcast_in_dim3A_72 : f32 to vector<16xf32>
      %swap3A_74 = arith.constant 0 : i32
      %swap3A_75 = arith.index_cast %swap3A_74 : i32 to index
      %swap3A_76 = arith.index_cast %scan3A_31 : i32 to index
      %swap3A_77 = arith.constant 96 : index
      %swap3A_78 = tpu.vector_load %arg14[%swap3A_75, %swap3A_76, %swap3A_77] {strides = array<i32>} : memref<4x64x128xf32, #tpu.memory_space<vmem>>, vector<16xf32>,
      tpu.vector_store %arg14[%swap3A_75, %swap3A_76, %swap3A_77], %broadcast_in_dim3A_73 {strides = array<i32>} : memref<4x64x128xf32, #tpu.memory_space<vmem>>, vector<16xf32>,
      %broadcast_in_dim3A_79 = arith.constant 0.000000e+00 : f32
      %broadcast_in_dim3A_80 = vector.broadcast %broadcast_in_dim3A_79 : f32 to vector<16xf32>
      %swap3A_81 = arith.constant 0 : i32
      %swap3A_82 = arith.index_cast %swap3A_81 : i32 to index
      %swap3A_83 = arith.index_cast %scan3A_31 : i32 to index
      %swap3A_84 = arith.constant 112 : index
      %swap3A_85 = tpu.vector_load %arg14[%swap3A_82, %swap3A_83, %swap3A_84] {strides = array<i32>} : memref<4x64x128xf32, #tpu.memory_space<vmem>>, vector<16xf32>,
      tpu.vector_store %arg14[%swap3A_82, %swap3A_83, %swap3A_84], %broadcast_in_dim3A_80 {strides = array<i32>} : memref<4x64x128xf32, #tpu.memory_space<vmem>>, vector<16xf32>,
    }
    %scan3A_5 = arith.constant 64 : i32
    %scan3A_6 = arith.constant 0 : i32
    %scan3A_7 = arith.constant 0 : i32
    %scan3A_8 = arith.constant 10 : i32
    %scan3A_9 = arith.addi %scan3A_7, %scan3A_8 : i32
    %scan3A_10 = arith.constant 1 : i32
    scf.for %scan3A_31 = %scan3A_7 to %scan3A_9 step %scan3A_10  : i32 {
      %mul3A_32 = arith.constant 640 : i32
      %mul3A_33 = arith.muli %arg1, %mul3A_32 : i32
      %mul3A_34 = arith.constant 64 : i32
      %mul3A_35 = arith.muli %scan3A_31, %mul3A_34 : i32
      %add3A_36 = arith.addi %mul3A_33, %mul3A_35 : i32
      %run_scoped3A_37 = arith.constant 0 : i32
      "tpu.region"() ({
        %run_scoped3A_38 = tpu.sem_alloc : memref<!tpu.dma_semaphore, #tpu.memory_space<semaphore_mem>>
        %dma_start3A = arith.constant 0 : i32
        %dma_start3A_39 = arith.constant 0 : i32
        %dma_start3A_40 = tpu.memref_slice %arg14[%run_scoped3A_37, %dma_start3A, %dma_start3A_39] : memref<4x64x128xf32, #tpu.memory_space<vmem>> -> memref<1x64x128xf32, #tpu.memory_space<vmem>>
        %dma_start3A_41 = tpu.memref_squeeze %dma_start3A_40 : memref<1x64x128xf32, #tpu.memory_space<vmem>> -> memref<64x128xf32, #tpu.memory_space<vmem>>
        %dma_start3A_42 = arith.constant 0 : i32
        %dma_start3A_43 = tpu.memref_slice %arg15[%add3A_36, %dma_start3A_42] : memref<10240x128xf32, #tpu.memory_space<vmem_shared>> -> memref<64x128xf32, #tpu.memory_space<vmem_shared>>
        %dma_start3A_44 = arith.constant 0 : i32
        %dma_start3A_45 = tpu.memref_slice %arg15[%add3A_36, %dma_start3A_44] : memref<10240x128xf32, #tpu.memory_space<vmem_shared>> -> memref<64x128xf32, #tpu.memory_space<vmem_shared>>
        %dma_start3A_46 = arith.constant 0 : i32
        %dma_start3A_47 = arith.constant 0 : i32
        %dma_start3A_48 = tpu.memref_slice %arg14[%run_scoped3A_37, %dma_start3A_46, %dma_start3A_47] : memref<4x64x128xf32, #tpu.memory_space<vmem>> -> memref<1x64x128xf32, #tpu.memory_space<vmem>>
        %dma_start3A_49 = tpu.memref_squeeze %dma_start3A_48 : memref<1x64x128xf32, #tpu.memory_space<vmem>> -> memref<64x128xf32, #tpu.memory_space<vmem>>
        tpu.enqueue_dma source(%dma_start3A_49 : memref<64x128xf32, #tpu.memory_space<vmem>>) target(%dma_start3A_45 : memref<64x128xf32, #tpu.memory_space<vmem_shared>>) target_semaphore(%run_scoped3A_38 : memref<!tpu.dma_semaphore, #tpu.memory_space<semaphore_mem>>)
        %dma_wait3A = arith.constant 0 : i32
        %dma_wait3A_50 = arith.constant 0 : i32
        %dma_wait3A_51 = tpu.memref_slice %arg14[%run_scoped3A_37, %dma_wait3A, %dma_wait3A_50] : memref<4x64x128xf32, #tpu.memory_space<vmem>> -> memref<1x64x128xf32, #tpu.memory_space<vmem>>
        %dma_wait3A_52 = tpu.memref_squeeze %dma_wait3A_51 : memref<1x64x128xf32, #tpu.memory_space<vmem>> -> memref<64x128xf32, #tpu.memory_space<vmem>>
        %dma_wait3A_53 = arith.constant 0 : i32
        %dma_wait3A_54 = tpu.memref_slice %arg15[%add3A_36, %dma_wait3A_53] : memref<10240x128xf32, #tpu.memory_space<vmem_shared>> -> memref<64x128xf32, #tpu.memory_space<vmem_shared>>
        %dma_wait3A_55 = arith.constant 0 : i32
        %dma_wait3A_56 = tpu.memref_slice %arg15[%add3A_36, %dma_wait3A_55] : memref<10240x128xf32, #tpu.memory_space<vmem_shared>> -> memref<64x128xf32, #tpu.memory_space<vmem_shared>>
        %dma_wait3A_57 = arith.constant 0 : i32
        %dma_wait3A_58 = arith.constant 0 : i32
        %dma_wait3A_59 = tpu.memref_slice %arg14[%run_scoped3A_37, %dma_wait3A_57, %dma_wait3A_58] : memref<4x64x128xf32, #tpu.memory_space<vmem>> -> memref<1x64x128xf32, #tpu.memory_space<vmem>>
        %dma_wait3A_60 = tpu.memref_squeeze %dma_wait3A_59 : memref<1x64x128xf32, #tpu.memory_space<vmem>> -> memref<64x128xf32, #tpu.memory_space<vmem>>
        tpu.wait_dma2 semaphore(%run_scoped3A_38 : memref<!tpu.dma_semaphore, #tpu.memory_space<semaphore_mem>>) src(%dma_wait3A_60 : memref<64x128xf32, #tpu.memory_space<vmem>>) dst(%dma_wait3A_56 : memref<64x128xf32, #tpu.memory_space<vmem_shared>>)
        tpu.yield
      }) : () -> ()
    }
    %scan3A_11 = arith.constant 10 : i32
    %barrier3A = arith.constant 0 : index
    tpu.barrier barrier_id(%barrier3A)
    %run_scoped3A = arith.constant 0 : i32
    "tpu.region"() ({
      %run_scoped3A_31 = tpu.sem_alloc : memref<!tpu.dma_semaphore, #tpu.memory_space<semaphore_mem>>
      %dma_start3A = arith.constant 0 : i32
      %dma_start3A_32 = tpu.memref_slice %arg6[%run_scoped3A, %dma_start3A] : memref<2x10240xf32, #tpu.memory_space<hbm>> -> memref<1x10240xf32, #tpu.memory_space<hbm>>
      %dma_start3A_33 = tpu.memref_squeeze %dma_start3A_32 : memref<1x10240xf32, #tpu.memory_space<hbm>> -> memref<10240xf32, #tpu.memory_space<hbm>>
      %dma_start3A_34 = arith.constant 0 : i32
      %dma_start3A_35 = tpu.memref_slice %arg6[%run_scoped3A, %dma_start3A_34] : memref<2x10240xf32, #tpu.memory_space<hbm>> -> memref<1x10240xf32, #tpu.memory_space<hbm>>
      %dma_start3A_36 = tpu.memref_squeeze %dma_start3A_35 : memref<1x10240xf32, #tpu.memory_space<hbm>> -> memref<10240xf32, #tpu.memory_space<hbm>>
      tpu.enqueue_dma source(%dma_start3A_36 : memref<10240xf32, #tpu.memory_space<hbm>>) target(%arg13 : memref<10240xf32, #tpu.memory_space<vmem>>) target_semaphore(%run_scoped3A_31 : memref<!tpu.dma_semaphore, #tpu.memory_space<semaphore_mem>>)
      %dma_wait3A = arith.constant 0 : i32
      %dma_wait3A_37 = tpu.memref_slice %arg6[%run_scoped3A, %dma_wait3A] : memref<2x10240xf32, #tpu.memory_space<hbm>> -> memref<1x10240xf32, #tpu.memory_space<hbm>>
      %dma_wait3A_38 = tpu.memref_squeeze %dma_wait3A_37 : memref<1x10240xf32, #tpu.memory_space<hbm>> -> memref<10240xf32, #tpu.memory_space<hbm>>
      %dma_wait3A_39 = arith.constant 0 : i32
      %dma_wait3A_40 = tpu.memref_slice %arg6[%run_scoped3A, %dma_wait3A_39] : memref<2x10240xf32, #tpu.memory_space<hbm>> -> memref<1x10240xf32, #tpu.memory_space<hbm>>
      %dma_wait3A_41 = tpu.memref_squeeze %dma_wait3A_40 : memref<1x10240xf32, #tpu.memory_space<hbm>> -> memref<10240xf32, #tpu.memory_space<hbm>>
      tpu.wait_dma2 semaphore(%run_scoped3A_31 : memref<!tpu.dma_semaphore, #tpu.memory_space<semaphore_mem>>) src(%dma_wait3A_41 : memref<10240xf32, #tpu.memory_space<hbm>>) dst(%arg13 : memref<10240xf32, #tpu.memory_space<vmem>>)
      tpu.yield
    }) : () -> ()
    %scan3A_12 = arith.constant 0 : i32
    %scan3A_13 = arith.constant 0 : i32
    %scan3A_14 = arith.constant 10 : i32
    %scan3A_15 = arith.addi %scan3A_13, %scan3A_14 : i32
    %scan3A_16 = arith.constant 1 : i32
    scf.for %scan3A_31 = %scan3A_13 to %scan3A_15 step %scan3A_16  : i32 {
      %mul3A_32 = arith.constant 1024 : i32
      %mul3A_33 = arith.muli %scan3A_31, %mul3A_32 : i32
      %run_scoped3A_34 = arith.constant 1 : i32
      "tpu.region"() ({
        %run_scoped3A_41 = tpu.sem_alloc : memref<!tpu.dma_semaphore, #tpu.memory_space<semaphore_mem>>
        %dma_start3A = tpu.memref_slice %arg6[%run_scoped3A_34, %mul3A_33] : memref<2x10240xf32, #tpu.memory_space<hbm>> -> memref<1x1024xf32, #tpu.memory_space<hbm>>
        %dma_start3A_42 = tpu.memref_squeeze %dma_start3A : memref<1x1024xf32, #tpu.memory_space<hbm>> -> memref<1024xf32, #tpu.memory_space<hbm>>
        %dma_start3A_43 = tpu.memref_slice %arg6[%run_scoped3A_34, %mul3A_33] : memref<2x10240xf32, #tpu.memory_space<hbm>> -> memref<1x1024xf32, #tpu.memory_space<hbm>>
        %dma_start3A_44 = tpu.memref_squeeze %dma_start3A_43 : memref<1x1024xf32, #tpu.memory_space<hbm>> -> memref<1024xf32, #tpu.memory_space<hbm>>
        tpu.enqueue_dma source(%dma_start3A_44 : memref<1024xf32, #tpu.memory_space<hbm>>) target(%arg12 : memref<1024xf32, #tpu.memory_space<vmem>>) target_semaphore(%run_scoped3A_41 : memref<!tpu.dma_semaphore, #tpu.memory_space<semaphore_mem>>)
        %dma_wait3A = tpu.memref_slice %arg6[%run_scoped3A_34, %mul3A_33] : memref<2x10240xf32, #tpu.memory_space<hbm>> -> memref<1x1024xf32, #tpu.memory_space<hbm>>
        %dma_wait3A_45 = tpu.memref_squeeze %dma_wait3A : memref<1x1024xf32, #tpu.memory_space<hbm>> -> memref<1024xf32, #tpu.memory_space<hbm>>
        %dma_wait3A_46 = tpu.memref_slice %arg6[%run_scoped3A_34, %mul3A_33] : memref<2x10240xf32, #tpu.memory_space<hbm>> -> memref<1x1024xf32, #tpu.memory_space<hbm>>
        %dma_wait3A_47 = tpu.memref_squeeze %dma_wait3A_46 : memref<1x1024xf32, #tpu.memory_space<hbm>> -> memref<1024xf32, #tpu.memory_space<hbm>>
        tpu.wait_dma2 semaphore(%run_scoped3A_41 : memref<!tpu.dma_semaphore, #tpu.memory_space<semaphore_mem>>) src(%dma_wait3A_47 : memref<1024xf32, #tpu.memory_space<hbm>>) dst(%arg12 : memref<1024xf32, #tpu.memory_space<vmem>>)
        tpu.yield
      }) : () -> ()
      %scan3A_35 = arith.constant 0 : i32
      %scan3A_36 = arith.constant 0 : i32
      %scan3A_37 = arith.constant 64 : i32
      %scan3A_38 = arith.addi %scan3A_36, %scan3A_37 : i32
      %scan3A_39 = arith.constant 1 : i32
      scf.for %scan3A_41 = %scan3A_36 to %scan3A_38 step %scan3A_39  : i32 {
        %mul3A_42 = arith.constant 1024 : i32
        %mul3A_43 = arith.muli %scan3A_31, %mul3A_42 : i32
        %mul3A_44 = arith.constant 16 : i32
        %mul3A_45 = arith.muli %scan3A_41, %mul3A_44 : i32
        %add3A_46 = arith.addi %mul3A_43, %mul3A_45 : i32
        %get3A = arith.index_cast %add3A_46 : i32 to index
        %get3A_47 = tpu.vector_load %arg13[%get3A] {strides = array<i32>} : memref<10240xf32, #tpu.memory_space<vmem>>, vector<16xf32>,
        %mul3A_48 = arith.constant 16 : i32
        %mul3A_49 = arith.muli %scan3A_41, %mul3A_48 : i32
        %get3A_50 = arith.index_cast %mul3A_49 : i32 to index
        %get3A_51 = tpu.vector_load %arg12[%get3A_50] {strides = array<i32>} : memref<1024xf32, #tpu.memory_space<vmem>>, vector<16xf32>,
        %add3A_52 = arith.addf %get3A_47, %get3A_51 : vector<16xf32>
        %mul3A_53 = arith.constant 1024 : i32
        %mul3A_54 = arith.muli %scan3A_31, %mul3A_53 : i32
        %mul3A_55 = arith.constant 16 : i32
        %mul3A_56 = arith.muli %scan3A_41, %mul3A_55 : i32
        %add3A_57 = arith.addi %mul3A_54, %mul3A_56 : i32
        %swap3A = arith.index_cast %add3A_57 : i32 to index
        %swap3A_58 = tpu.vector_load %arg13[%swap3A] {strides = array<i32>} : memref<10240xf32, #tpu.memory_space<vmem>>, vector<16xf32>,
        tpu.vector_store %arg13[%swap3A], %add3A_52 {strides = array<i32>} : memref<10240xf32, #tpu.memory_space<vmem>>, vector<16xf32>,
      }
      %scan3A_40 = arith.constant 64 : i32
    }
    %scan3A_17 = arith.constant 10 : i32
    %scan3A_18 = arith.constant 0 : i32
    %scan3A_19 = arith.constant 0 : i32
    %scan3A_20 = arith.constant 10 : i32
    %scan3A_21 = arith.addi %scan3A_19, %scan3A_20 : i32
    %scan3A_22 = arith.constant 1 : i32
    scf.for %scan3A_31 = %scan3A_19 to %scan3A_21 step %scan3A_22  : i32 {
      "tpu.region"() ({
        %run_scoped3A_122 = tpu.sem_alloc : memref<!tpu.dma_semaphore, #tpu.memory_space<semaphore_mem>>
        %dma_start3A_123 = arith.constant 0 : i32
        %dma_start3A_124 = arith.constant 0 : i32
        %dma_start3A_125 = tpu.memref_slice %arg2[%add3A, %scan3A_31, %dma_start3A_123, %dma_start3A_124] : memref<32x10x16x64xi32, #tpu.memory_space<hbm>> -> memref<1x1x16x64xi32, #tpu.memory_space<hbm>>
        %dma_start3A_126 = tpu.memref_squeeze %dma_start3A_125 : memref<1x1x16x64xi32, #tpu.memory_space<hbm>> -> memref<16x64xi32, #tpu.memory_space<hbm>>
        %dma_start3A_127 = arith.constant 0 : i32
        %dma_start3A_128 = arith.constant 0 : i32
        %dma_start3A_129 = tpu.memref_slice %arg2[%add3A, %scan3A_31, %dma_start3A_127, %dma_start3A_128] : memref<32x10x16x64xi32, #tpu.memory_space<hbm>> -> memref<1x1x16x64xi32, #tpu.memory_space<hbm>>
        %dma_start3A_130 = tpu.memref_squeeze %dma_start3A_129 : memref<1x1x16x64xi32, #tpu.memory_space<hbm>> -> memref<16x64xi32, #tpu.memory_space<hbm>>
        tpu.enqueue_dma source(%dma_start3A_130 : memref<16x64xi32, #tpu.memory_space<hbm>>) target(%arg9 : memref<16x64xi32, #tpu.memory_space<vmem>>) target_semaphore(%run_scoped3A_122 : memref<!tpu.dma_semaphore, #tpu.memory_space<semaphore_mem>>)
        %dma_wait3A_131 = arith.constant 0 : i32
        %dma_wait3A_132 = arith.constant 0 : i32
        %dma_wait3A_133 = tpu.memref_slice %arg2[%add3A, %scan3A_31, %dma_wait3A_131, %dma_wait3A_132] : memref<32x10x16x64xi32, #tpu.memory_space<hbm>> -> memref<1x1x16x64xi32, #tpu.memory_space<hbm>>
        %dma_wait3A_134 = tpu.memref_squeeze %dma_wait3A_133 : memref<1x1x16x64xi32, #tpu.memory_space<hbm>> -> memref<16x64xi32, #tpu.memory_space<hbm>>
        %dma_wait3A_135 = arith.constant 0 : i32
        %dma_wait3A_136 = arith.constant 0 : i32
        %dma_wait3A_137 = tpu.memref_slice %arg2[%add3A, %scan3A_31, %dma_wait3A_135, %dma_wait3A_136] : memref<32x10x16x64xi32, #tpu.memory_space<hbm>> -> memref<1x1x16x64xi32, #tpu.memory_space<hbm>>
        %dma_wait3A_138 = tpu.memref_squeeze %dma_wait3A_137 : memref<1x1x16x64xi32, #tpu.memory_space<hbm>> -> memref<16x64xi32, #tpu.memory_space<hbm>>
        tpu.wait_dma2 semaphore(%run_scoped3A_122 : memref<!tpu.dma_semaphore, #tpu.memory_space<semaphore_mem>>) src(%dma_wait3A_138 : memref<16x64xi32, #tpu.memory_space<hbm>>) dst(%arg9 : memref<16x64xi32, #tpu.memory_space<vmem>>)
        tpu.yield
      }) : () -> ()
      "tpu.region"() ({
        %run_scoped3A_122 = tpu.sem_alloc : memref<!tpu.dma_semaphore, #tpu.memory_space<semaphore_mem>>
        %dma_start3A_123 = arith.constant 0 : i32
        %dma_start3A_124 = tpu.memref_slice %arg3[%add3A, %scan3A_31, %dma_start3A_123] : memref<32x10x1024xi32, #tpu.memory_space<hbm>> -> memref<1x1x1024xi32, #tpu.memory_space<hbm>>
        %dma_start3A_125 = tpu.memref_squeeze %dma_start3A_124 : memref<1x1x1024xi32, #tpu.memory_space<hbm>> -> memref<1024xi32, #tpu.memory_space<hbm>>
        %dma_start3A_126 = arith.constant 0 : i32
        %dma_start3A_127 = tpu.memref_slice %arg3[%add3A, %scan3A_31, %dma_start3A_126] : memref<32x10x1024xi32, #tpu.memory_space<hbm>> -> memref<1x1x1024xi32, #tpu.memory_space<hbm>>
        %dma_start3A_128 = tpu.memref_squeeze %dma_start3A_127 : memref<1x1x1024xi32, #tpu.memory_space<hbm>> -> memref<1024xi32, #tpu.memory_space<hbm>>
        tpu.enqueue_dma source(%dma_start3A_128 : memref<1024xi32, #tpu.memory_space<hbm>>) target(%arg11 : memref<1024xi32, #tpu.memory_space<vmem>>) target_semaphore(%run_scoped3A_122 : memref<!tpu.dma_semaphore, #tpu.memory_space<semaphore_mem>>)
        %dma_wait3A_129 = arith.constant 0 : i32
        %dma_wait3A_130 = tpu.memref_slice %arg3[%add3A, %scan3A_31, %dma_wait3A_129] : memref<32x10x1024xi32, #tpu.memory_space<hbm>> -> memref<1x1x1024xi32, #tpu.memory_space<hbm>>
        %dma_wait3A_131 = tpu.memref_squeeze %dma_wait3A_130 : memref<1x1x1024xi32, #tpu.memory_space<hbm>> -> memref<1024xi32, #tpu.memory_space<hbm>>
        %dma_wait3A_132 = arith.constant 0 : i32
        %dma_wait3A_133 = tpu.memref_slice %arg3[%add3A, %scan3A_31, %dma_wait3A_132] : memref<32x10x1024xi32, #tpu.memory_space<hbm>> -> memref<1x1x1024xi32, #tpu.memory_space<hbm>>
        %dma_wait3A_134 = tpu.memref_squeeze %dma_wait3A_133 : memref<1x1x1024xi32, #tpu.memory_space<hbm>> -> memref<1024xi32, #tpu.memory_space<hbm>>
        tpu.wait_dma2 semaphore(%run_scoped3A_122 : memref<!tpu.dma_semaphore, #tpu.memory_space<semaphore_mem>>) src(%dma_wait3A_134 : memref<1024xi32, #tpu.memory_space<hbm>>) dst(%arg11 : memref<1024xi32, #tpu.memory_space<vmem>>)
        tpu.yield
      }) : () -> ()
      "tpu.region"() ({
        %run_scoped3A_122 = tpu.sem_alloc : memref<!tpu.dma_semaphore, #tpu.memory_space<semaphore_mem>>
        %dma_start3A_123 = arith.constant 0 : i32
        %dma_start3A_124 = tpu.memref_slice %arg4[%add3A, %scan3A_31, %dma_start3A_123] : memref<32x10x1024xi32, #tpu.memory_space<hbm>> -> memref<1x1x1024xi32, #tpu.memory_space<hbm>>
        %dma_start3A_125 = tpu.memref_squeeze %dma_start3A_124 : memref<1x1x1024xi32, #tpu.memory_space<hbm>> -> memref<1024xi32, #tpu.memory_space<hbm>>
        %dma_start3A_126 = arith.constant 0 : i32
        %dma_start3A_127 = tpu.memref_slice %arg4[%add3A, %scan3A_31, %dma_start3A_126] : memref<32x10x1024xi32, #tpu.memory_space<hbm>> -> memref<1x1x1024xi32, #tpu.memory_space<hbm>>
        %dma_start3A_128 = tpu.memref_squeeze %dma_start3A_127 : memref<1x1x1024xi32, #tpu.memory_space<hbm>> -> memref<1024xi32, #tpu.memory_space<hbm>>
        tpu.enqueue_dma source(%dma_start3A_128 : memref<1024xi32, #tpu.memory_space<hbm>>) target(%arg10 : memref<1024xi32, #tpu.memory_space<vmem>>) target_semaphore(%run_scoped3A_122 : memref<!tpu.dma_semaphore, #tpu.memory_space<semaphore_mem>>)
        %dma_wait3A_129 = arith.constant 0 : i32
        %dma_wait3A_130 = tpu.memref_slice %arg4[%add3A, %scan3A_31, %dma_wait3A_129] : memref<32x10x1024xi32, #tpu.memory_space<hbm>> -> memref<1x1x1024xi32, #tpu.memory_space<hbm>>
        %dma_wait3A_131 = tpu.memref_squeeze %dma_wait3A_130 : memref<1x1x1024xi32, #tpu.memory_space<hbm>> -> memref<1024xi32, #tpu.memory_space<hbm>>
        %dma_wait3A_132 = arith.constant 0 : i32
        %dma_wait3A_133 = tpu.memref_slice %arg4[%add3A, %scan3A_31, %dma_wait3A_132] : memref<32x10x1024xi32, #tpu.memory_space<hbm>> -> memref<1x1x1024xi32, #tpu.memory_space<hbm>>
        %dma_wait3A_134 = tpu.memref_squeeze %dma_wait3A_133 : memref<1x1x1024xi32, #tpu.memory_space<hbm>> -> memref<1024xi32, #tpu.memory_space<hbm>>
        tpu.wait_dma2 semaphore(%run_scoped3A_122 : memref<!tpu.dma_semaphore, #tpu.memory_space<semaphore_mem>>) src(%dma_wait3A_134 : memref<1024xi32, #tpu.memory_space<hbm>>) dst(%arg10 : memref<1024xi32, #tpu.memory_space<vmem>>)
        tpu.yield
      }) : () -> ()
      "tpu.region"() ({
        %run_scoped3A_122 = tpu.sem_alloc : memref<!tpu.dma_semaphore, #tpu.memory_space<semaphore_mem>>
        %dma_start3A_123 = arith.constant 0 : i32
        %dma_start3A_124 = tpu.memref_slice %arg5[%add3A, %scan3A_31, %dma_start3A_123] : memref<32x10x1024xf32, #tpu.memory_space<hbm>> -> memref<1x1x1024xf32, #tpu.memory_space<hbm>>
        %dma_start3A_125 = tpu.memref_squeeze %dma_start3A_124 : memref<1x1x1024xf32, #tpu.memory_space<hbm>> -> memref<1024xf32, #tpu.memory_space<hbm>>
        %dma_start3A_126 = arith.constant 0 : i32
        %dma_start3A_127 = tpu.memref_slice %arg5[%add3A, %scan3A_31, %dma_start3A_126] : memref<32x10x1024xf32, #tpu.memory_space<hbm>> -> memref<1x1x1024xf32, #tpu.memory_space<hbm>>
        %dma_start3A_128 = tpu.memref_squeeze %dma_start3A_127 : memref<1x1x1024xf32, #tpu.memory_space<hbm>> -> memref<1024xf32, #tpu.memory_space<hbm>>
        tpu.enqueue_dma source(%dma_start3A_128 : memref<1024xf32, #tpu.memory_space<hbm>>) target(%arg12 : memref<1024xf32, #tpu.memory_space<vmem>>) target_semaphore(%run_scoped3A_122 : memref<!tpu.dma_semaphore, #tpu.memory_space<semaphore_mem>>)
        %dma_wait3A_129 = arith.constant 0 : i32
        %dma_wait3A_130 = tpu.memref_slice %arg5[%add3A, %scan3A_31, %dma_wait3A_129] : memref<32x10x1024xf32, #tpu.memory_space<hbm>> -> memref<1x1x1024xf32, #tpu.memory_space<hbm>>
        %dma_wait3A_131 = tpu.memref_squeeze %dma_wait3A_130 : memref<1x1x1024xf32, #tpu.memory_space<hbm>> -> memref<1024xf32, #tpu.memory_space<hbm>>
        %dma_wait3A_132 = arith.constant 0 : i32
        %dma_wait3A_133 = tpu.memref_slice %arg5[%add3A, %scan3A_31, %dma_wait3A_132] : memref<32x10x1024xf32, #tpu.memory_space<hbm>> -> memref<1x1x1024xf32, #tpu.memory_space<hbm>>
        %dma_wait3A_134 = tpu.memref_squeeze %dma_wait3A_133 : memref<1x1x1024xf32, #tpu.memory_space<hbm>> -> memref<1024xf32, #tpu.memory_space<hbm>>
        tpu.wait_dma2 semaphore(%run_scoped3A_122 : memref<!tpu.dma_semaphore, #tpu.memory_space<semaphore_mem>>) src(%dma_wait3A_134 : memref<1024xf32, #tpu.memory_space<hbm>>) dst(%arg12 : memref<1024xf32, #tpu.memory_space<vmem>>)
        tpu.yield
      }) : () -> ()
      %scan3A_32 = arith.constant 0 : i32
      %scan3A_33 = arith.constant 0 : i32
      %scan3A_34 = arith.constant 16 : i32
      %scan3A_35 = arith.addi %scan3A_33, %scan3A_34 : i32
      %scan3A_36 = arith.constant 1 : i32
      scf.for %scan3A_122 = %scan3A_33 to %scan3A_35 step %scan3A_36  : i32 {
        %mul3A_123 = arith.constant 64 : i32
        %mul3A_124 = arith.muli %scan3A_122, %mul3A_123 : i32
        %add3A_125 = arith.constant 0 : i32
        %add3A_126 = arith.addi %mul3A_124, %add3A_125 : i32
        %get3A = arith.index_cast %add3A_126 : i32 to index
        %get3A_127 = tpu.vector_load %arg10[%get3A] {strides = array<i32>} : memref<1024xi32, #tpu.memory_space<vmem>>, vector<16xi32>,
        %sub3A = arith.constant 1 : i32
        %sub3A_128 = vector.broadcast %sub3A : i32 to vector<16xi32>
        %sub3A_129 = arith.subi %get3A_127, %sub3A_128 : vector<16xi32>
        %mul3A_130 = arith.constant 10000 : i32
        %mul3A_131 = vector.broadcast %mul3A_130 : i32 to vector<16xi32>
        %mul3A_132 = arith.muli %sub3A_129, %mul3A_131 : vector<16xi32>
        %get3A_133 = arith.index_cast %add3A_126 : i32 to index
        %get3A_134 = tpu.vector_load %arg11[%get3A_133] {strides = array<i32>} : memref<1024xi32, #tpu.memory_space<vmem>>, vector<16xi32>,
        %add3A_135 = arith.addi %mul3A_132, %get3A_134 : vector<16xi32>
        %swap3A = arith.index_cast %add3A_126 : i32 to index
        %swap3A_136 = tpu.vector_load %arg11[%swap3A] {strides = array<i32>} : memref<1024xi32, #tpu.memory_space<vmem>>, vector<16xi32>,
        tpu.vector_store %arg11[%swap3A], %add3A_135 {strides = array<i32>} : memref<1024xi32, #tpu.memory_space<vmem>>, vector<16xi32>,
        %get3A_137 = arith.index_cast %scan3A_122 : i32 to index
        %get3A_138 = arith.constant 0 : index
        %get3A_139 = tpu.vector_load %arg9[%get3A_137, %get3A_138] {strides = array<i32>} : memref<16x64xi32, #tpu.memory_space<vmem>>, vector<16xi32>,
        %gather3A = tpu.vector_load_idx %arg13[%get3A_139] : memref<10240xf32, #tpu.memory_space<vmem>>[vector<16xi32>], vector<16xf32>,
        %get3A_140 = arith.index_cast %add3A_126 : i32 to index
        %get3A_141 = tpu.vector_load %arg12[%get3A_140] {strides = array<i32>} : memref<1024xf32, #tpu.memory_space<vmem>>, vector<16xf32>,
        %add3A_142 = arith.constant 1.000000e-16 : f32
        %add3A_143 = vector.broadcast %add3A_142 : f32 to vector<16xf32>
        %add3A_144 = arith.addf %gather3A, %add3A_143 : vector<16xf32>
        %div3A = arith.divf %get3A_141, %add3A_144 : vector<16xf32>
        %swap3A_145 = arith.index_cast %add3A_126 : i32 to index
        %swap3A_146 = tpu.vector_load %arg12[%swap3A_145] {strides = array<i32>} : memref<1024xf32, #tpu.memory_space<vmem>>, vector<16xf32>,
        tpu.vector_store %arg12[%swap3A_145], %div3A {strides = array<i32>} : memref<1024xf32, #tpu.memory_space<vmem>>, vector<16xf32>,
        %mul3A_147 = arith.constant 64 : i32
        %mul3A_148 = arith.muli %scan3A_122, %mul3A_147 : i32
        %add3A_149 = arith.constant 16 : i32
        %add3A_150 = arith.addi %mul3A_148, %add3A_149 : i32
        %get3A_151 = arith.index_cast %add3A_150 : i32 to index
        %get3A_152 = tpu.vector_load %arg10[%get3A_151] {strides = array<i32>} : memref<1024xi32, #tpu.memory_space<vmem>>, vector<16xi32>,
        %sub3A_153 = arith.constant 1 : i32
        %sub3A_154 = vector.broadcast %sub3A_153 : i32 to vector<16xi32>
        %sub3A_155 = arith.subi %get3A_152, %sub3A_154 : vector<16xi32>
        %mul3A_156 = arith.constant 10000 : i32
        %mul3A_157 = vector.broadcast %mul3A_156 : i32 to vector<16xi32>
        %mul3A_158 = arith.muli %sub3A_155, %mul3A_157 : vector<16xi32>
        %get3A_159 = arith.index_cast %add3A_150 : i32 to index
        %get3A_160 = tpu.vector_load %arg11[%get3A_159] {strides = array<i32>} : memref<1024xi32, #tpu.memory_space<vmem>>, vector<16xi32>,
        %add3A_161 = arith.addi %mul3A_158, %get3A_160 : vector<16xi32>
        %swap3A_162 = arith.index_cast %add3A_150 : i32 to index
        %swap3A_163 = tpu.vector_load %arg11[%swap3A_162] {strides = array<i32>} : memref<1024xi32, #tpu.memory_space<vmem>>, vector<16xi32>,
        tpu.vector_store %arg11[%swap3A_162], %add3A_161 {strides = array<i32>} : memref<1024xi32, #tpu.memory_space<vmem>>, vector<16xi32>,
        %get3A_164 = arith.index_cast %scan3A_122 : i32 to index
        %get3A_165 = arith.constant 16 : index
        %get3A_166 = tpu.vector_load %arg9[%get3A_164, %get3A_165] {strides = array<i32>} : memref<16x64xi32, #tpu.memory_space<vmem>>, vector<16xi32>,
        %gather3A_167 = tpu.vector_load_idx %arg13[%get3A_166] : memref<10240xf32, #tpu.memory_space<vmem>>[vector<16xi32>], vector<16xf32>,
        %get3A_168 = arith.index_cast %add3A_150 : i32 to index
        %get3A_169 = tpu.vector_load %arg12[%get3A_168] {strides = array<i32>} : memref<1024xf32, #tpu.memory_space<vmem>>, vector<16xf32>,
        %add3A_170 = arith.constant 1.000000e-16 : f32
        %add3A_171 = vector.broadcast %add3A_170 : f32 to vector<16xf32>
        %add3A_172 = arith.addf %gather3A_167, %add3A_171 : vector<16xf32>
        %div3A_173 = arith.divf %get3A_169, %add3A_172 : vector<16xf32>
        %swap3A_174 = arith.index_cast %add3A_150 : i32 to index
        %swap3A_175 = tpu.vector_load %arg12[%swap3A_174] {strides = array<i32>} : memref<1024xf32, #tpu.memory_space<vmem>>, vector<16xf32>,
        tpu.vector_store %arg12[%swap3A_174], %div3A_173 {strides = array<i32>} : memref<1024xf32, #tpu.memory_space<vmem>>, vector<16xf32>,
        %mul3A_176 = arith.constant 64 : i32
        %mul3A_177 = arith.muli %scan3A_122, %mul3A_176 : i32
        %add3A_178 = arith.constant 32 : i32
        %add3A_179 = arith.addi %mul3A_177, %add3A_178 : i32
        %get3A_180 = arith.index_cast %add3A_179 : i32 to index
        %get3A_181 = tpu.vector_load %arg10[%get3A_180] {strides = array<i32>} : memref<1024xi32, #tpu.memory_space<vmem>>, vector<16xi32>,
        %sub3A_182 = arith.constant 1 : i32
        %sub3A_183 = vector.broadcast %sub3A_182 : i32 to vector<16xi32>
        %sub3A_184 = arith.subi %get3A_181, %sub3A_183 : vector<16xi32>
        %mul3A_185 = arith.constant 10000 : i32
        %mul3A_186 = vector.broadcast %mul3A_185 : i32 to vector<16xi32>
        %mul3A_187 = arith.muli %sub3A_184, %mul3A_186 : vector<16xi32>
        %get3A_188 = arith.index_cast %add3A_179 : i32 to index
        %get3A_189 = tpu.vector_load %arg11[%get3A_188] {strides = array<i32>} : memref<1024xi32, #tpu.memory_space<vmem>>, vector<16xi32>,
        %add3A_190 = arith.addi %mul3A_187, %get3A_189 : vector<16xi32>
        %swap3A_191 = arith.index_cast %add3A_179 : i32 to index
        %swap3A_192 = tpu.vector_load %arg11[%swap3A_191] {strides = array<i32>} : memref<1024xi32, #tpu.memory_space<vmem>>, vector<16xi32>,
        tpu.vector_store %arg11[%swap3A_191], %add3A_190 {strides = array<i32>} : memref<1024xi32, #tpu.memory_space<vmem>>, vector<16xi32>,
        %get3A_193 = arith.index_cast %scan3A_122 : i32 to index
        %get3A_194 = arith.constant 32 : index
        %get3A_195 = tpu.vector_load %arg9[%get3A_193, %get3A_194] {strides = array<i32>} : memref<16x64xi32, #tpu.memory_space<vmem>>, vector<16xi32>,
        %gather3A_196 = tpu.vector_load_idx %arg13[%get3A_195] : memref<10240xf32, #tpu.memory_space<vmem>>[vector<16xi32>], vector<16xf32>,
        %get3A_197 = arith.index_cast %add3A_179 : i32 to index
        %get3A_198 = tpu.vector_load %arg12[%get3A_197] {strides = array<i32>} : memref<1024xf32, #tpu.memory_space<vmem>>, vector<16xf32>,
        %add3A_199 = arith.constant 1.000000e-16 : f32
        %add3A_200 = vector.broadcast %add3A_199 : f32 to vector<16xf32>
        %add3A_201 = arith.addf %gather3A_196, %add3A_200 : vector<16xf32>
        %div3A_202 = arith.divf %get3A_198, %add3A_201 : vector<16xf32>
        %swap3A_203 = arith.index_cast %add3A_179 : i32 to index
        %swap3A_204 = tpu.vector_load %arg12[%swap3A_203] {strides = array<i32>} : memref<1024xf32, #tpu.memory_space<vmem>>, vector<16xf32>,
        tpu.vector_store %arg12[%swap3A_203], %div3A_202 {strides = array<i32>} : memref<1024xf32, #tpu.memory_space<vmem>>, vector<16xf32>,
        %mul3A_205 = arith.constant 64 : i32
        %mul3A_206 = arith.muli %scan3A_122, %mul3A_205 : i32
        %add3A_207 = arith.constant 48 : i32
        %add3A_208 = arith.addi %mul3A_206, %add3A_207 : i32
        %get3A_209 = arith.index_cast %add3A_208 : i32 to index
        %get3A_210 = tpu.vector_load %arg10[%get3A_209] {strides = array<i32>} : memref<1024xi32, #tpu.memory_space<vmem>>, vector<16xi32>,
        %sub3A_211 = arith.constant 1 : i32
        %sub3A_212 = vector.broadcast %sub3A_211 : i32 to vector<16xi32>
        %sub3A_213 = arith.subi %get3A_210, %sub3A_212 : vector<16xi32>
        %mul3A_214 = arith.constant 10000 : i32
        %mul3A_215 = vector.broadcast %mul3A_214 : i32 to vector<16xi32>
        %mul3A_216 = arith.muli %sub3A_213, %mul3A_215 : vector<16xi32>
        %get3A_217 = arith.index_cast %add3A_208 : i32 to index
        %get3A_218 = tpu.vector_load %arg11[%get3A_217] {strides = array<i32>} : memref<1024xi32, #tpu.memory_space<vmem>>, vector<16xi32>,
        %add3A_219 = arith.addi %mul3A_216, %get3A_218 : vector<16xi32>
        %swap3A_220 = arith.index_cast %add3A_208 : i32 to index
        %swap3A_221 = tpu.vector_load %arg11[%swap3A_220] {strides = array<i32>} : memref<1024xi32, #tpu.memory_space<vmem>>, vector<16xi32>,
        tpu.vector_store %arg11[%swap3A_220], %add3A_219 {strides = array<i32>} : memref<1024xi32, #tpu.memory_space<vmem>>, vector<16xi32>,
        %get3A_222 = arith.index_cast %scan3A_122 : i32 to index
        %get3A_223 = arith.constant 48 : index
        %get3A_224 = tpu.vector_load %arg9[%get3A_222, %get3A_223] {strides = array<i32>} : memref<16x64xi32, #tpu.memory_space<vmem>>, vector<16xi32>,
        %gather3A_225 = tpu.vector_load_idx %arg13[%get3A_224] : memref<10240xf32, #tpu.memory_space<vmem>>[vector<16xi32>], vector<16xf32>,
        %get3A_226 = arith.index_cast %add3A_208 : i32 to index
        %get3A_227 = tpu.vector_load %arg12[%get3A_226] {strides = array<i32>} : memref<1024xf32, #tpu.memory_space<vmem>>, vector<16xf32>,
        %add3A_228 = arith.constant 1.000000e-16 : f32
        %add3A_229 = vector.broadcast %add3A_228 : f32 to vector<16xf32>
        %add3A_230 = arith.addf %gather3A_225, %add3A_229 : vector<16xf32>
        %div3A_231 = arith.divf %get3A_227, %add3A_230 : vector<16xf32>
        %swap3A_232 = arith.index_cast %add3A_208 : i32 to index
        %swap3A_233 = tpu.vector_load %arg12[%swap3A_232] {strides = array<i32>} : memref<1024xf32, #tpu.memory_space<vmem>>, vector<16xf32>,
        tpu.vector_store %arg12[%swap3A_232], %div3A_231 {strides = array<i32>} : memref<1024xf32, #tpu.memory_space<vmem>>, vector<16xf32>,
      }
      %scan3A_37 = arith.constant 16 : i32
      %dma_start3A = arith.constant 0 : i32
      %dma_start3A_38 = arith.constant 0 : i32
      %dma_start3A_39 = arith.constant 0 : i32
      %dma_start3A_40 = tpu.memref_slice %arg14[%dma_start3A, %dma_start3A_38, %dma_start3A_39] : memref<4x64x128xf32, #tpu.memory_space<vmem>> -> memref<1x64x128xf32, #tpu.memory_space<vmem>>
      %dma_start3A_41 = tpu.memref_squeeze %dma_start3A_40 : memref<1x64x128xf32, #tpu.memory_space<vmem>> -> memref<64x128xf32, #tpu.memory_space<vmem>>
      %dma_start3A_42 = arith.constant 0 : i32
      %dma_start3A_43 = tpu.memref_slice %arg11[%dma_start3A_42] : memref<1024xi32, #tpu.memory_space<vmem>> -> memref<64xi32, #tpu.memory_space<vmem>>
      %dma_start3A_44 = arith.constant 0 : i32
      %dma_start3A_45 = arith.constant 0 : i32
      %dma_start3A_46 = tpu.memref_slice %arg7[%dma_start3A_44, %dma_start3A_45] : memref<150000x128xf32, #tpu.memory_space<hbm>> -> memref<150000x128xf32, #tpu.memory_space<hbm>>
      tpu.enqueue_indirect_dma source(%dma_start3A_46 : memref<150000x128xf32, #tpu.memory_space<hbm>>) target(%dma_start3A_41 : memref<64x128xf32, #tpu.memory_space<vmem>>) offsets(%dma_start3A_43 : memref<64xi32, #tpu.memory_space<vmem>>) semaphore(%arg16 : memref<!tpu.dma_semaphore, #tpu.memory_space<semaphore_mem>>)
      %dma_start3A_47 = arith.constant 1 : i32
      %dma_start3A_48 = arith.constant 0 : i32
      %dma_start3A_49 = arith.constant 0 : i32
      %dma_start3A_50 = tpu.memref_slice %arg14[%dma_start3A_47, %dma_start3A_48, %dma_start3A_49] : memref<4x64x128xf32, #tpu.memory_space<vmem>> -> memref<1x64x128xf32, #tpu.memory_space<vmem>>
      %dma_start3A_51 = tpu.memref_squeeze %dma_start3A_50 : memref<1x64x128xf32, #tpu.memory_space<vmem>> -> memref<64x128xf32, #tpu.memory_space<vmem>>
      %dma_start3A_52 = arith.constant 64 : i32
      %dma_start3A_53 = tpu.memref_slice %arg11[%dma_start3A_52] : memref<1024xi32, #tpu.memory_space<vmem>> -> memref<64xi32, #tpu.memory_space<vmem>>
      %dma_start3A_54 = arith.constant 0 : i32
      %dma_start3A_55 = arith.constant 0 : i32
      %dma_start3A_56 = tpu.memref_slice %arg7[%dma_start3A_54, %dma_start3A_55] : memref<150000x128xf32, #tpu.memory_space<hbm>> -> memref<150000x128xf32, #tpu.memory_space<hbm>>
      tpu.enqueue_indirect_dma source(%dma_start3A_56 : memref<150000x128xf32, #tpu.memory_space<hbm>>) target(%dma_start3A_51 : memref<64x128xf32, #tpu.memory_space<vmem>>) offsets(%dma_start3A_53 : memref<64xi32, #tpu.memory_space<vmem>>) semaphore(%arg16 : memref<!tpu.dma_semaphore, #tpu.memory_space<semaphore_mem>>)
      %scan3A_57 = arith.constant 0 : i32
      %scan3A_58 = arith.constant 0 : i32
      %scan3A_59 = arith.constant 16 : i32
      %scan3A_60 = arith.addi %scan3A_58, %scan3A_59 : i32
      %scan3A_61 = arith.constant 1 : i32
      scf.for %scan3A_122 = %scan3A_58 to %scan3A_60 step %scan3A_61  : i32 {
        %rem3A = arith.constant 4 : i32
        %rem3A_123 = arith.remsi %scan3A_122, %rem3A : i32
        %add3A_124 = arith.constant 2 : i32
        %add3A_125 = arith.addi %scan3A_122, %add3A_124 : i32
        %lt3A = arith.constant 16 : i32
        %lt3A_126 = arith.cmpi slt, %add3A_125, %lt3A : i32
        %convert_element_type3A = arith.extui %lt3A_126 : i1 to i32
        %cond3A = arith.constant 0 : i32
        %cond3A_127 = arith.cmpi ne, %convert_element_type3A, %cond3A : i32
        scf.if %cond3A_127 {
          %ge3A = arith.constant 2 : i32
          %ge3A_159 = arith.cmpi sge, %scan3A_122, %ge3A : i32
          %convert_element_type3A_160 = arith.extui %ge3A_159 : i1 to i32
          %cond3A_161 = arith.constant 0 : i32
          %cond3A_162 = arith.cmpi ne, %convert_element_type3A_160, %cond3A_161 : i32
          scf.if %cond3A_162 {
            %dma_wait3A_179 = arith.constant 0 : i32
            %dma_wait3A_180 = arith.constant 0 : i32
            %dma_wait3A_181 = arith.constant 0 : i32
            %dma_wait3A_182 = tpu.memref_slice %arg14[%dma_wait3A_179, %dma_wait3A_180, %dma_wait3A_181] : memref<4x64x128xf32, #tpu.memory_space<vmem>> -> memref<1x64x128xf32, #tpu.memory_space<vmem>>
            %dma_wait3A_183 = tpu.memref_squeeze %dma_wait3A_182 : memref<1x64x128xf32, #tpu.memory_space<vmem>> -> memref<64x128xf32, #tpu.memory_space<vmem>>
            %dma_wait3A_184 = arith.constant 0 : i32
            %dma_wait3A_185 = arith.constant 0 : i32
            %dma_wait3A_186 = tpu.memref_slice %arg7[%dma_wait3A_184, %dma_wait3A_185] : memref<150000x128xf32, #tpu.memory_space<hbm>> -> memref<64x128xf32, #tpu.memory_space<hbm>>
            %dma_wait3A_187 = arith.constant 0 : i32
            %dma_wait3A_188 = arith.constant 0 : i32
            %dma_wait3A_189 = tpu.memref_slice %arg14[%dma_wait3A_179, %dma_wait3A_187, %dma_wait3A_188] : memref<4x64x128xf32, #tpu.memory_space<vmem>> -> memref<1x64x128xf32, #tpu.memory_space<vmem>>
            %dma_wait3A_190 = tpu.memref_squeeze %dma_wait3A_189 : memref<1x64x128xf32, #tpu.memory_space<vmem>> -> memref<64x128xf32, #tpu.memory_space<vmem>>
            %dma_wait3A_191 = arith.constant 0 : i32
            %dma_wait3A_192 = arith.constant 0 : i32
            %dma_wait3A_193 = tpu.memref_slice %arg7[%dma_wait3A_191, %dma_wait3A_192] : memref<150000x128xf32, #tpu.memory_space<hbm>> -> memref<64x128xf32, #tpu.memory_space<hbm>>
            tpu.wait_dma2 semaphore(%arg17 : memref<!tpu.dma_semaphore, #tpu.memory_space<semaphore_mem>>) src(%dma_wait3A_193 : memref<64x128xf32, #tpu.memory_space<hbm>>) dst(%dma_wait3A_190 : memref<64x128xf32, #tpu.memory_space<vmem>>)
          } else {
          }
          %add3A_163 = arith.constant 2 : i32
          %add3A_164 = arith.addi %scan3A_122, %add3A_163 : i32
          %mul3A_165 = arith.constant 64 : i32
          %mul3A_166 = arith.muli %add3A_164, %mul3A_165 : i32
          %add3A_167 = arith.constant 2 : i32
          %add3A_168 = arith.addi %scan3A_122, %add3A_167 : i32
          %rem3A_169 = arith.constant 4 : i32
          %rem3A_170 = arith.remsi %add3A_168, %rem3A_169 : i32
          %dma_start3A_171 = arith.constant 0 : i32
          %dma_start3A_172 = arith.constant 0 : i32
          %dma_start3A_173 = tpu.memref_slice %arg14[%rem3A_170, %dma_start3A_171, %dma_start3A_172] : memref<4x64x128xf32, #tpu.memory_space<vmem>> -> memref<1x64x128xf32, #tpu.memory_space<vmem>>
          %dma_start3A_174 = tpu.memref_squeeze %dma_start3A_173 : memref<1x64x128xf32, #tpu.memory_space<vmem>> -> memref<64x128xf32, #tpu.memory_space<vmem>>
          %dma_start3A_175 = tpu.memref_slice %arg11[%mul3A_166] : memref<1024xi32, #tpu.memory_space<vmem>> -> memref<64xi32, #tpu.memory_space<vmem>>
          %dma_start3A_176 = arith.constant 0 : i32
          %dma_start3A_177 = arith.constant 0 : i32
          %dma_start3A_178 = tpu.memref_slice %arg7[%dma_start3A_176, %dma_start3A_177] : memref<150000x128xf32, #tpu.memory_space<hbm>> -> memref<150000x128xf32, #tpu.memory_space<hbm>>
          tpu.enqueue_indirect_dma source(%dma_start3A_178 : memref<150000x128xf32, #tpu.memory_space<hbm>>) target(%dma_start3A_174 : memref<64x128xf32, #tpu.memory_space<vmem>>) offsets(%dma_start3A_175 : memref<64xi32, #tpu.memory_space<vmem>>) semaphore(%arg16 : memref<!tpu.dma_semaphore, #tpu.memory_space<semaphore_mem>>)
        } else {
        }
        %dma_wait3A_128 = arith.constant 0 : i32
        %dma_wait3A_129 = arith.constant 0 : i32
        %dma_wait3A_130 = arith.constant 0 : i32
        %dma_wait3A_131 = tpu.memref_slice %arg14[%dma_wait3A_128, %dma_wait3A_129, %dma_wait3A_130] : memref<4x64x128xf32, #tpu.memory_space<vmem>> -> memref<1x64x128xf32, #tpu.memory_space<vmem>>
        %dma_wait3A_132 = tpu.memref_squeeze %dma_wait3A_131 : memref<1x64x128xf32, #tpu.memory_space<vmem>> -> memref<64x128xf32, #tpu.memory_space<vmem>>
        %dma_wait3A_133 = arith.constant 0 : i32
        %dma_wait3A_134 = arith.constant 0 : i32
        %dma_wait3A_135 = tpu.memref_slice %arg7[%dma_wait3A_133, %dma_wait3A_134] : memref<150000x128xf32, #tpu.memory_space<hbm>> -> memref<64x128xf32, #tpu.memory_space<hbm>>
        %dma_wait3A_136 = arith.constant 0 : i32
        %dma_wait3A_137 = arith.constant 0 : i32
        %dma_wait3A_138 = tpu.memref_slice %arg14[%dma_wait3A_128, %dma_wait3A_136, %dma_wait3A_137] : memref<4x64x128xf32, #tpu.memory_space<vmem>> -> memref<1x64x128xf32, #tpu.memory_space<vmem>>
        %dma_wait3A_139 = tpu.memref_squeeze %dma_wait3A_138 : memref<1x64x128xf32, #tpu.memory_space<vmem>> -> memref<64x128xf32, #tpu.memory_space<vmem>>
        %dma_wait3A_140 = arith.constant 0 : i32
        %dma_wait3A_141 = arith.constant 0 : i32
        %dma_wait3A_142 = tpu.memref_slice %arg7[%dma_wait3A_140, %dma_wait3A_141] : memref<150000x128xf32, #tpu.memory_space<hbm>> -> memref<64x128xf32, #tpu.memory_space<hbm>>
        tpu.wait_dma2 semaphore(%arg16 : memref<!tpu.dma_semaphore, #tpu.memory_space<semaphore_mem>>) src(%dma_wait3A_142 : memref<64x128xf32, #tpu.memory_space<hbm>>) dst(%dma_wait3A_139 : memref<64x128xf32, #tpu.memory_space<vmem>>)
        %scan3A_143 = arith.constant 0 : i32
        %scan3A_144 = arith.constant 0 : i32
        %scan3A_145 = arith.constant 64 : i32
        %scan3A_146 = arith.addi %scan3A_144, %scan3A_145 : i32
        %scan3A_147 = arith.constant 1 : i32
        scf.for %scan3A_159 = %scan3A_144 to %scan3A_146 step %scan3A_147  : i32 {
          %mul3A_160 = arith.constant 64 : i32
          %mul3A_161 = arith.muli %scan3A_122, %mul3A_160 : i32
          %broadcast_in_dim3A = vector.broadcast %mul3A_161 : i32 to vector<16xi32>
          %add3A_162 = vector.broadcast %scan3A_159 : i32 to vector<16xi32>
          %add3A_163 = arith.addi %broadcast_in_dim3A, %add3A_162 : vector<16xi32>
          %gather3A = tpu.vector_load_idx %arg12[%add3A_163] : memref<1024xf32, #tpu.memory_space<vmem>>[vector<16xi32>], vector<16xf32>,
          %get3A = arith.index_cast %rem3A_123 : i32 to index
          %get3A_164 = arith.index_cast %scan3A_159 : i32 to index
          %get3A_165 = arith.constant 0 : index
          %get3A_166 = tpu.vector_load %arg14[%get3A, %get3A_164, %get3A_165] {strides = array<i32>} : memref<4x64x128xf32, #tpu.memory_space<vmem>>, vector<16xf32>,
          %mul3A_167 = arith.mulf %get3A_166, %gather3A : vector<16xf32>
          %swap3A = arith.index_cast %rem3A_123 : i32 to index
          %swap3A_168 = arith.index_cast %scan3A_159 : i32 to index
          %swap3A_169 = arith.constant 0 : index
          %swap3A_170 = tpu.vector_load %arg14[%swap3A, %swap3A_168, %swap3A_169] {strides = array<i32>} : memref<4x64x128xf32, #tpu.memory_space<vmem>>, vector<16xf32>,
          tpu.vector_store %arg14[%swap3A, %swap3A_168, %swap3A_169], %mul3A_167 {strides = array<i32>} : memref<4x64x128xf32, #tpu.memory_space<vmem>>, vector<16xf32>,
          %get3A_171 = arith.index_cast %rem3A_123 : i32 to index
          %get3A_172 = arith.index_cast %scan3A_159 : i32 to index
          %get3A_173 = arith.constant 16 : index
          %get3A_174 = tpu.vector_load %arg14[%get3A_171, %get3A_172, %get3A_173] {strides = array<i32>} : memref<4x64x128xf32, #tpu.memory_space<vmem>>, vector<16xf32>,
          %mul3A_175 = arith.mulf %get3A_174, %gather3A : vector<16xf32>
          %swap3A_176 = arith.index_cast %rem3A_123 : i32 to index
          %swap3A_177 = arith.index_cast %scan3A_159 : i32 to index
          %swap3A_178 = arith.constant 16 : index
          %swap3A_179 = tpu.vector_load %arg14[%swap3A_176, %swap3A_177, %swap3A_178] {strides = array<i32>} : memref<4x64x128xf32, #tpu.memory_space<vmem>>, vector<16xf32>,
          tpu.vector_store %arg14[%swap3A_176, %swap3A_177, %swap3A_178], %mul3A_175 {strides = array<i32>} : memref<4x64x128xf32, #tpu.memory_space<vmem>>, vector<16xf32>,
          %get3A_180 = arith.index_cast %rem3A_123 : i32 to index
          %get3A_181 = arith.index_cast %scan3A_159 : i32 to index
          %get3A_182 = arith.constant 32 : index
          %get3A_183 = tpu.vector_load %arg14[%get3A_180, %get3A_181, %get3A_182] {strides = array<i32>} : memref<4x64x128xf32, #tpu.memory_space<vmem>>, vector<16xf32>,
          %mul3A_184 = arith.mulf %get3A_183, %gather3A : vector<16xf32>
          %swap3A_185 = arith.index_cast %rem3A_123 : i32 to index
          %swap3A_186 = arith.index_cast %scan3A_159 : i32 to index
          %swap3A_187 = arith.constant 32 : index
          %swap3A_188 = tpu.vector_load %arg14[%swap3A_185, %swap3A_186, %swap3A_187] {strides = array<i32>} : memref<4x64x128xf32, #tpu.memory_space<vmem>>, vector<16xf32>,
          tpu.vector_store %arg14[%swap3A_185, %swap3A_186, %swap3A_187], %mul3A_184 {strides = array<i32>} : memref<4x64x128xf32, #tpu.memory_space<vmem>>, vector<16xf32>,
          %get3A_189 = arith.index_cast %rem3A_123 : i32 to index
          %get3A_190 = arith.index_cast %scan3A_159 : i32 to index
          %get3A_191 = arith.constant 48 : index
          %get3A_192 = tpu.vector_load %arg14[%get3A_189, %get3A_190, %get3A_191] {strides = array<i32>} : memref<4x64x128xf32, #tpu.memory_space<vmem>>, vector<16xf32>,
          %mul3A_193 = arith.mulf %get3A_192, %gather3A : vector<16xf32>
          %swap3A_194 = arith.index_cast %rem3A_123 : i32 to index
          %swap3A_195 = arith.index_cast %scan3A_159 : i32 to index
          %swap3A_196 = arith.constant 48 : index
          %swap3A_197 = tpu.vector_load %arg14[%swap3A_194, %swap3A_195, %swap3A_196] {strides = array<i32>} : memref<4x64x128xf32, #tpu.memory_space<vmem>>, vector<16xf32>,
          tpu.vector_store %arg14[%swap3A_194, %swap3A_195, %swap3A_196], %mul3A_193 {strides = array<i32>} : memref<4x64x128xf32, #tpu.memory_space<vmem>>, vector<16xf32>,
          %get3A_198 = arith.index_cast %rem3A_123 : i32 to index
          %get3A_199 = arith.index_cast %scan3A_159 : i32 to index
          %get3A_200 = arith.constant 64 : index
          %get3A_201 = tpu.vector_load %arg14[%get3A_198, %get3A_199, %get3A_200] {strides = array<i32>} : memref<4x64x128xf32, #tpu.memory_space<vmem>>, vector<16xf32>,
          %mul3A_202 = arith.mulf %get3A_201, %gather3A : vector<16xf32>
          %swap3A_203 = arith.index_cast %rem3A_123 : i32 to index
          %swap3A_204 = arith.index_cast %scan3A_159 : i32 to index
          %swap3A_205 = arith.constant 64 : index
          %swap3A_206 = tpu.vector_load %arg14[%swap3A_203, %swap3A_204, %swap3A_205] {strides = array<i32>} : memref<4x64x128xf32, #tpu.memory_space<vmem>>, vector<16xf32>,
          tpu.vector_store %arg14[%swap3A_203, %swap3A_204, %swap3A_205], %mul3A_202 {strides = array<i32>} : memref<4x64x128xf32, #tpu.memory_space<vmem>>, vector<16xf32>,
          %get3A_207 = arith.index_cast %rem3A_123 : i32 to index
          %get3A_208 = arith.index_cast %scan3A_159 : i32 to index
          %get3A_209 = arith.constant 80 : index
          %get3A_210 = tpu.vector_load %arg14[%get3A_207, %get3A_208, %get3A_209] {strides = array<i32>} : memref<4x64x128xf32, #tpu.memory_space<vmem>>, vector<16xf32>,
          %mul3A_211 = arith.mulf %get3A_210, %gather3A : vector<16xf32>
          %swap3A_212 = arith.index_cast %rem3A_123 : i32 to index
          %swap3A_213 = arith.index_cast %scan3A_159 : i32 to index
          %swap3A_214 = arith.constant 80 : index
          %swap3A_215 = tpu.vector_load %arg14[%swap3A_212, %swap3A_213, %swap3A_214] {strides = array<i32>} : memref<4x64x128xf32, #tpu.memory_space<vmem>>, vector<16xf32>,
          tpu.vector_store %arg14[%swap3A_212, %swap3A_213, %swap3A_214], %mul3A_211 {strides = array<i32>} : memref<4x64x128xf32, #tpu.memory_space<vmem>>, vector<16xf32>,
          %get3A_216 = arith.index_cast %rem3A_123 : i32 to index
          %get3A_217 = arith.index_cast %scan3A_159 : i32 to index
          %get3A_218 = arith.constant 96 : index
          %get3A_219 = tpu.vector_load %arg14[%get3A_216, %get3A_217, %get3A_218] {strides = array<i32>} : memref<4x64x128xf32, #tpu.memory_space<vmem>>, vector<16xf32>,
          %mul3A_220 = arith.mulf %get3A_219, %gather3A : vector<16xf32>
          %swap3A_221 = arith.index_cast %rem3A_123 : i32 to index
          %swap3A_222 = arith.index_cast %scan3A_159 : i32 to index
          %swap3A_223 = arith.constant 96 : index
          %swap3A_224 = tpu.vector_load %arg14[%swap3A_221, %swap3A_222, %swap3A_223] {strides = array<i32>} : memref<4x64x128xf32, #tpu.memory_space<vmem>>, vector<16xf32>,
          tpu.vector_store %arg14[%swap3A_221, %swap3A_222, %swap3A_223], %mul3A_220 {strides = array<i32>} : memref<4x64x128xf32, #tpu.memory_space<vmem>>, vector<16xf32>,
          %get3A_225 = arith.index_cast %rem3A_123 : i32 to index
          %get3A_226 = arith.index_cast %scan3A_159 : i32 to index
          %get3A_227 = arith.constant 112 : index
          %get3A_228 = tpu.vector_load %arg14[%get3A_225, %get3A_226, %get3A_227] {strides = array<i32>} : memref<4x64x128xf32, #tpu.memory_space<vmem>>, vector<16xf32>,
          %mul3A_229 = arith.mulf %get3A_228, %gather3A : vector<16xf32>
          %swap3A_230 = arith.index_cast %rem3A_123 : i32 to index
          %swap3A_231 = arith.index_cast %scan3A_159 : i32 to index
          %swap3A_232 = arith.constant 112 : index
          %swap3A_233 = tpu.vector_load %arg14[%swap3A_230, %swap3A_231, %swap3A_232] {strides = array<i32>} : memref<4x64x128xf32, #tpu.memory_space<vmem>>, vector<16xf32>,
          tpu.vector_store %arg14[%swap3A_230, %swap3A_231, %swap3A_232], %mul3A_229 {strides = array<i32>} : memref<4x64x128xf32, #tpu.memory_space<vmem>>, vector<16xf32>,
        }
        %scan3A_148 = arith.constant 64 : i32
        %dma_start3A_149 = arith.constant 0 : i32
        %dma_start3A_150 = arith.constant 0 : i32
        %dma_start3A_151 = tpu.memref_slice %arg14[%rem3A_123, %dma_start3A_149, %dma_start3A_150] : memref<4x64x128xf32, #tpu.memory_space<vmem>> -> memref<1x64x128xf32, #tpu.memory_space<vmem>>
        %dma_start3A_152 = tpu.memref_squeeze %dma_start3A_151 : memref<1x64x128xf32, #tpu.memory_space<vmem>> -> memref<64x128xf32, #tpu.memory_space<vmem>>
        %dma_start3A_153 = arith.constant 0 : i32
        %dma_start3A_154 = tpu.memref_slice %arg9[%scan3A_122, %dma_start3A_153] : memref<16x64xi32, #tpu.memory_space<vmem>> -> memref<1x64xi32, #tpu.memory_space<vmem>>
        %dma_start3A_155 = tpu.memref_squeeze %dma_start3A_154 : memref<1x64xi32, #tpu.memory_space<vmem>> -> memref<64xi32, #tpu.memory_space<vmem>>
        %dma_start3A_156 = arith.constant 0 : i32
        %dma_start3A_157 = arith.constant 0 : i32
        %dma_start3A_158 = tpu.memref_slice %arg15[%dma_start3A_156, %dma_start3A_157] : memref<10240x128xf32, #tpu.memory_space<vmem_shared>> -> memref<10240x128xf32, #tpu.memory_space<vmem_shared>>
        tpu.enqueue_indirect_dma source(%dma_start3A_152 : memref<64x128xf32, #tpu.memory_space<vmem>>) target(%dma_start3A_158 : memref<10240x128xf32, #tpu.memory_space<vmem_shared>>) offsets(%dma_start3A_155 : memref<64xi32, #tpu.memory_space<vmem>>) semaphore(%arg17 : memref<!tpu.dma_semaphore, #tpu.memory_space<semaphore_mem>>) {add = true}
      }
      %scan3A_62 = arith.constant 16 : i32
      %dma_wait3A = arith.constant 0 : i32
      %dma_wait3A_63 = arith.constant 0 : i32
      %dma_wait3A_64 = arith.constant 0 : i32
      %dma_wait3A_65 = tpu.memref_slice %arg14[%dma_wait3A, %dma_wait3A_63, %dma_wait3A_64] : memref<4x64x128xf32, #tpu.memory_space<vmem>> -> memref<1x64x128xf32, #tpu.memory_space<vmem>>
      %dma_wait3A_66 = tpu.memref_squeeze %dma_wait3A_65 : memref<1x64x128xf32, #tpu.memory_space<vmem>> -> memref<64x128xf32, #tpu.memory_space<vmem>>
      %dma_wait3A_67 = arith.constant 0 : i32
      %dma_wait3A_68 = arith.constant 0 : i32
      %dma_wait3A_69 = tpu.memref_slice %arg7[%dma_wait3A_67, %dma_wait3A_68] : memref<150000x128xf32, #tpu.memory_space<hbm>> -> memref<64x128xf32, #tpu.memory_space<hbm>>
      %dma_wait3A_70 = arith.constant 0 : i32
      %dma_wait3A_71 = arith.constant 0 : i32
      %dma_wait3A_72 = tpu.memref_slice %arg14[%dma_wait3A, %dma_wait3A_70, %dma_wait3A_71] : memref<4x64x128xf32, #tpu.memory_space<vmem>> -> memref<1x64x128xf32, #tpu.memory_space<vmem>>
      %dma_wait3A_73 = tpu.memref_squeeze %dma_wait3A_72 : memref<1x64x128xf32, #tpu.memory_space<vmem>> -> memref<64x128xf32, #tpu.memory_space<vmem>>
      %dma_wait3A_74 = arith.constant 0 : i32
      %dma_wait3A_75 = arith.constant 0 : i32
      %dma_wait3A_76 = tpu.memref_slice %arg7[%dma_wait3A_74, %dma_wait3A_75] : memref<150000x128xf32, #tpu.memory_space<hbm>> -> memref<64x128xf32, #tpu.memory_space<hbm>>
      tpu.wait_dma2 semaphore(%arg17 : memref<!tpu.dma_semaphore, #tpu.memory_space<semaphore_mem>>) src(%dma_wait3A_76 : memref<64x128xf32, #tpu.memory_space<hbm>>) dst(%dma_wait3A_73 : memref<64x128xf32, #tpu.memory_space<vmem>>)
      %dma_wait3A_77 = arith.constant 0 : i32
      %dma_wait3A_78 = arith.constant 0 : i32
      %dma_wait3A_79 = arith.constant 0 : i32
      %dma_wait3A_80 = tpu.memref_slice %arg14[%dma_wait3A_77, %dma_wait3A_78, %dma_wait3A_79] : memref<4x64x128xf32, #tpu.memory_space<vmem>> -> memref<1x64x128xf32, #tpu.memory_space<vmem>>
      %dma_wait3A_81 = tpu.memref_squeeze %dma_wait3A_80 : memref<1x64x128xf32, #tpu.memory_space<vmem>> -> memref<64x128xf32, #tpu.memory_space<vmem>>
      %dma_wait3A_82 = arith.constant 0 : i32
      %dma_wait3A_83 = arith.constant 0 : i32
      %dma_wait3A_84 = tpu.memref_slice %arg7[%dma_wait3A_82, %dma_wait3A_83] : memref<150000x128xf32, #tpu.memory_space<hbm>> -> memref<64x128xf32, #tpu.memory_space<hbm>>
      %dma_wait3A_85 = arith.constant 0 : i32
      %dma_wait3A_86 = arith.constant 0 : i32
      %dma_wait3A_87 = tpu.memref_slice %arg14[%dma_wait3A_77, %dma_wait3A_85, %dma_wait3A_86] : memref<4x64x128xf32, #tpu.memory_space<vmem>> -> memref<1x64x128xf32, #tpu.memory_space<vmem>>
      %dma_wait3A_88 = tpu.memref_squeeze %dma_wait3A_87 : memref<1x64x128xf32, #tpu.memory_space<vmem>> -> memref<64x128xf32, #tpu.memory_space<vmem>>
      %dma_wait3A_89 = arith.constant 0 : i32
      %dma_wait3A_90 = arith.constant 0 : i32
      %dma_wait3A_91 = tpu.memref_slice %arg7[%dma_wait3A_89, %dma_wait3A_90] : memref<150000x128xf32, #tpu.memory_space<hbm>> -> memref<64x128xf32, #tpu.memory_space<hbm>>
      tpu.wait_dma2 semaphore(%arg17 : memref<!tpu.dma_semaphore, #tpu.memory_space<semaphore_mem>>) src(%dma_wait3A_91 : memref<64x128xf32, #tpu.memory_space<hbm>>) dst(%dma_wait3A_88 : memref<64x128xf32, #tpu.memory_space<vmem>>)
      %dma_wait3A_92 = arith.constant 0 : i32
      %dma_wait3A_93 = arith.constant 0 : i32
      %dma_wait3A_94 = arith.constant 0 : i32
      %dma_wait3A_95 = tpu.memref_slice %arg14[%dma_wait3A_92, %dma_wait3A_93, %dma_wait3A_94] : memref<4x64x128xf32, #tpu.memory_space<vmem>> -> memref<1x64x128xf32, #tpu.memory_space<vmem>>
      %dma_wait3A_96 = tpu.memref_squeeze %dma_wait3A_95 : memref<1x64x128xf32, #tpu.memory_space<vmem>> -> memref<64x128xf32, #tpu.memory_space<vmem>>
      %dma_wait3A_97 = arith.constant 0 : i32
      %dma_wait3A_98 = arith.constant 0 : i32
      %dma_wait3A_99 = tpu.memref_slice %arg7[%dma_wait3A_97, %dma_wait3A_98] : memref<150000x128xf32, #tpu.memory_space<hbm>> -> memref<64x128xf32, #tpu.memory_space<hbm>>
      %dma_wait3A_100 = arith.constant 0 : i32
      %dma_wait3A_101 = arith.constant 0 : i32
      %dma_wait3A_102 = tpu.memref_slice %arg14[%dma_wait3A_92, %dma_wait3A_100, %dma_wait3A_101] : memref<4x64x128xf32, #tpu.memory_space<vmem>> -> memref<1x64x128xf32, #tpu.memory_space<vmem>>
      %dma_wait3A_103 = tpu.memref_squeeze %dma_wait3A_102 : memref<1x64x128xf32, #tpu.memory_space<vmem>> -> memref<64x128xf32, #tpu.memory_space<vmem>>
      %dma_wait3A_104 = arith.constant 0 : i32
      %dma_wait3A_105 = arith.constant 0 : i32
      %dma_wait3A_106 = tpu.memref_slice %arg7[%dma_wait3A_104, %dma_wait3A_105] : memref<150000x128xf32, #tpu.memory_space<hbm>> -> memref<64x128xf32, #tpu.memory_space<hbm>>
      tpu.wait_dma2 semaphore(%arg17 : memref<!tpu.dma_semaphore, #tpu.memory_space<semaphore_mem>>) src(%dma_wait3A_106 : memref<64x128xf32, #tpu.memory_space<hbm>>) dst(%dma_wait3A_103 : memref<64x128xf32, #tpu.memory_space<vmem>>)
      %dma_wait3A_107 = arith.constant 0 : i32
      %dma_wait3A_108 = arith.constant 0 : i32
      %dma_wait3A_109 = arith.constant 0 : i32
      %dma_wait3A_110 = tpu.memref_slice %arg14[%dma_wait3A_107, %dma_wait3A_108, %dma_wait3A_109] : memref<4x64x128xf32, #tpu.memory_space<vmem>> -> memref<1x64x128xf32, #tpu.memory_space<vmem>>
      %dma_wait3A_111 = tpu.memref_squeeze %dma_wait3A_110 : memref<1x64x128xf32, #tpu.memory_space<vmem>> -> memref<64x128xf32, #tpu.memory_space<vmem>>
      %dma_wait3A_112 = arith.constant 0 : i32
      %dma_wait3A_113 = arith.constant 0 : i32
      %dma_wait3A_114 = tpu.memref_slice %arg7[%dma_wait3A_112, %dma_wait3A_113] : memref<150000x128xf32, #tpu.memory_space<hbm>> -> memref<64x128xf32, #tpu.memory_space<hbm>>
      %dma_wait3A_115 = arith.constant 0 : i32
      %dma_wait3A_116 = arith.constant 0 : i32
      %dma_wait3A_117 = tpu.memref_slice %arg14[%dma_wait3A_107, %dma_wait3A_115, %dma_wait3A_116] : memref<4x64x128xf32, #tpu.memory_space<vmem>> -> memref<1x64x128xf32, #tpu.memory_space<vmem>>
      %dma_wait3A_118 = tpu.memref_squeeze %dma_wait3A_117 : memref<1x64x128xf32, #tpu.memory_space<vmem>> -> memref<64x128xf32, #tpu.memory_space<vmem>>
      %dma_wait3A_119 = arith.constant 0 : i32
      %dma_wait3A_120 = arith.constant 0 : i32
      %dma_wait3A_121 = tpu.memref_slice %arg7[%dma_wait3A_119, %dma_wait3A_120] : memref<150000x128xf32, #tpu.memory_space<hbm>> -> memref<64x128xf32, #tpu.memory_space<hbm>>
      tpu.wait_dma2 semaphore(%arg17 : memref<!tpu.dma_semaphore, #tpu.memory_space<semaphore_mem>>) src(%dma_wait3A_121 : memref<64x128xf32, #tpu.memory_space<hbm>>) dst(%dma_wait3A_118 : memref<64x128xf32, #tpu.memory_space<vmem>>)
    }
    %scan3A_23 = arith.constant 10 : i32
    %barrier3A_24 = arith.constant 0 : index
    tpu.barrier barrier_id(%barrier3A_24)
    %scan3A_25 = arith.constant 0 : i32
    %scan3A_26 = arith.constant 0 : i32
    %scan3A_27 = arith.constant 10 : i32
    %scan3A_28 = arith.addi %scan3A_26, %scan3A_27 : i32
    %scan3A_29 = arith.constant 1 : i32
    scf.for %scan3A_31 = %scan3A_26 to %scan3A_28 step %scan3A_29  : i32 {
      %mul3A_32 = arith.constant 640 : i32
      %mul3A_33 = arith.muli %arg1, %mul3A_32 : i32
      %mul3A_34 = arith.constant 64 : i32
      %mul3A_35 = arith.muli %scan3A_31, %mul3A_34 : i32
      %add3A_36 = arith.addi %mul3A_33, %mul3A_35 : i32
      %run_scoped3A_37 = arith.constant 0 : i32
      "tpu.region"() ({
        %run_scoped3A_39 = tpu.sem_alloc : memref<!tpu.dma_semaphore, #tpu.memory_space<semaphore_mem>>
        %dma_start3A = arith.constant 0 : i32
        %dma_start3A_40 = arith.constant 0 : i32
        %dma_start3A_41 = tpu.memref_slice %arg14[%run_scoped3A_37, %dma_start3A, %dma_start3A_40] : memref<4x64x128xf32, #tpu.memory_space<vmem>> -> memref<1x64x128xf32, #tpu.memory_space<vmem>>
        %dma_start3A_42 = tpu.memref_squeeze %dma_start3A_41 : memref<1x64x128xf32, #tpu.memory_space<vmem>> -> memref<64x128xf32, #tpu.memory_space<vmem>>
        %dma_start3A_43 = arith.constant 0 : i32
        %dma_start3A_44 = tpu.memref_slice %arg15[%add3A_36, %dma_start3A_43] : memref<10240x128xf32, #tpu.memory_space<vmem_shared>> -> memref<64x128xf32, #tpu.memory_space<vmem_shared>>
        %dma_start3A_45 = arith.constant 0 : i32
        %dma_start3A_46 = arith.constant 0 : i32
        %dma_start3A_47 = tpu.memref_slice %arg14[%run_scoped3A_37, %dma_start3A_45, %dma_start3A_46] : memref<4x64x128xf32, #tpu.memory_space<vmem>> -> memref<1x64x128xf32, #tpu.memory_space<vmem>>
        %dma_start3A_48 = tpu.memref_squeeze %dma_start3A_47 : memref<1x64x128xf32, #tpu.memory_space<vmem>> -> memref<64x128xf32, #tpu.memory_space<vmem>>
        %dma_start3A_49 = arith.constant 0 : i32
        %dma_start3A_50 = tpu.memref_slice %arg15[%add3A_36, %dma_start3A_49] : memref<10240x128xf32, #tpu.memory_space<vmem_shared>> -> memref<64x128xf32, #tpu.memory_space<vmem_shared>>
        tpu.enqueue_dma source(%dma_start3A_50 : memref<64x128xf32, #tpu.memory_space<vmem_shared>>) target(%dma_start3A_48 : memref<64x128xf32, #tpu.memory_space<vmem>>) target_semaphore(%run_scoped3A_39 : memref<!tpu.dma_semaphore, #tpu.memory_space<semaphore_mem>>)
        %dma_wait3A = arith.constant 0 : i32
        %dma_wait3A_51 = arith.constant 0 : i32
        %dma_wait3A_52 = tpu.memref_slice %arg14[%run_scoped3A_37, %dma_wait3A, %dma_wait3A_51] : memref<4x64x128xf32, #tpu.memory_space<vmem>> -> memref<1x64x128xf32, #tpu.memory_space<vmem>>
        %dma_wait3A_53 = tpu.memref_squeeze %dma_wait3A_52 : memref<1x64x128xf32, #tpu.memory_space<vmem>> -> memref<64x128xf32, #tpu.memory_space<vmem>>
        %dma_wait3A_54 = arith.constant 0 : i32
        %dma_wait3A_55 = tpu.memref_slice %arg15[%add3A_36, %dma_wait3A_54] : memref<10240x128xf32, #tpu.memory_space<vmem_shared>> -> memref<64x128xf32, #tpu.memory_space<vmem_shared>>
        %dma_wait3A_56 = arith.constant 0 : i32
        %dma_wait3A_57 = arith.constant 0 : i32
        %dma_wait3A_58 = tpu.memref_slice %arg14[%run_scoped3A_37, %dma_wait3A_56, %dma_wait3A_57] : memref<4x64x128xf32, #tpu.memory_space<vmem>> -> memref<1x64x128xf32, #tpu.memory_space<vmem>>
        %dma_wait3A_59 = tpu.memref_squeeze %dma_wait3A_58 : memref<1x64x128xf32, #tpu.memory_space<vmem>> -> memref<64x128xf32, #tpu.memory_space<vmem>>
        %dma_wait3A_60 = arith.constant 0 : i32
        %dma_wait3A_61 = tpu.memref_slice %arg15[%add3A_36, %dma_wait3A_60] : memref<10240x128xf32, #tpu.memory_space<vmem_shared>> -> memref<64x128xf32, #tpu.memory_space<vmem_shared>>
        tpu.wait_dma2 semaphore(%run_scoped3A_39 : memref<!tpu.dma_semaphore, #tpu.memory_space<semaphore_mem>>) src(%dma_wait3A_61 : memref<64x128xf32, #tpu.memory_space<vmem_shared>>) dst(%dma_wait3A_59 : memref<64x128xf32, #tpu.memory_space<vmem>>)
        tpu.yield
      }) : () -> ()
      %run_scoped3A_38 = arith.constant 0 : i32
      "tpu.region"() ({
        %run_scoped3A_39 = tpu.sem_alloc : memref<!tpu.dma_semaphore, #tpu.memory_space<semaphore_mem>>
        %dma_start3A = arith.constant 0 : i32
        %dma_start3A_40 = arith.constant 0 : i32
        %dma_start3A_41 = tpu.memref_slice %arg14[%run_scoped3A_38, %dma_start3A, %dma_start3A_40] : memref<4x64x128xf32, #tpu.memory_space<vmem>> -> memref<1x64x128xf32, #tpu.memory_space<vmem>>
        %dma_start3A_42 = tpu.memref_squeeze %dma_start3A_41 : memref<1x64x128xf32, #tpu.memory_space<vmem>> -> memref<64x128xf32, #tpu.memory_space<vmem>>
        %dma_start3A_43 = arith.constant 0 : i32
        %dma_start3A_44 = tpu.memref_slice %arg8[%arg0, %add3A_36, %dma_start3A_43] : memref<2x10240x128xf32, #tpu.memory_space<hbm>> -> memref<1x64x128xf32, #tpu.memory_space<hbm>>
        %dma_start3A_45 = tpu.memref_squeeze %dma_start3A_44 : memref<1x64x128xf32, #tpu.memory_space<hbm>> -> memref<64x128xf32, #tpu.memory_space<hbm>>
        %dma_start3A_46 = arith.constant 0 : i32
        %dma_start3A_47 = tpu.memref_slice %arg8[%arg0, %add3A_36, %dma_start3A_46] : memref<2x10240x128xf32, #tpu.memory_space<hbm>> -> memref<1x64x128xf32, #tpu.memory_space<hbm>>
        %dma_start3A_48 = tpu.memref_squeeze %dma_start3A_47 : memref<1x64x128xf32, #tpu.memory_space<hbm>> -> memref<64x128xf32, #tpu.memory_space<hbm>>
        %dma_start3A_49 = arith.constant 0 : i32
        %dma_start3A_50 = arith.constant 0 : i32
        %dma_start3A_51 = tpu.memref_slice %arg14[%run_scoped3A_38, %dma_start3A_49, %dma_start3A_50] : memref<4x64x128xf32, #tpu.memory_space<vmem>> -> memref<1x64x128xf32, #tpu.memory_space<vmem>>
        %dma_start3A_52 = tpu.memref_squeeze %dma_start3A_51 : memref<1x64x128xf32, #tpu.memory_space<vmem>> -> memref<64x128xf32, #tpu.memory_space<vmem>>
        tpu.enqueue_dma source(%dma_start3A_52 : memref<64x128xf32, #tpu.memory_space<vmem>>) target(%dma_start3A_48 : memref<64x128xf32, #tpu.memory_space<hbm>>) target_semaphore(%run_scoped3A_39 : memref<!tpu.dma_semaphore, #tpu.memory_space<semaphore_mem>>)
        %dma_wait3A = arith.constant 0 : i32
        %dma_wait3A_53 = arith.constant 0 : i32
        %dma_wait3A_54 = tpu.memref_slice %arg14[%run_scoped3A_38, %dma_wait3A, %dma_wait3A_53] : memref<4x64x128xf32, #tpu.memory_space<vmem>> -> memref<1x64x128xf32, #tpu.memory_space<vmem>>
        %dma_wait3A_55 = tpu.memref_squeeze %dma_wait3A_54 : memref<1x64x128xf32, #tpu.memory_space<vmem>> -> memref<64x128xf32, #tpu.memory_space<vmem>>
        %dma_wait3A_56 = arith.constant 0 : i32
        %dma_wait3A_57 = tpu.memref_slice %arg8[%arg0, %add3A_36, %dma_wait3A_56] : memref<2x10240x128xf32, #tpu.memory_space<hbm>> -> memref<1x64x128xf32, #tpu.memory_space<hbm>>
        %dma_wait3A_58 = tpu.memref_squeeze %dma_wait3A_57 : memref<1x64x128xf32, #tpu.memory_space<hbm>> -> memref<64x128xf32, #tpu.memory_space<hbm>>
        %dma_wait3A_59 = arith.constant 0 : i32
        %dma_wait3A_60 = tpu.memref_slice %arg8[%arg0, %add3A_36, %dma_wait3A_59] : memref<2x10240x128xf32, #tpu.memory_space<hbm>> -> memref<1x64x128xf32, #tpu.memory_space<hbm>>
        %dma_wait3A_61 = tpu.memref_squeeze %dma_wait3A_60 : memref<1x64x128xf32, #tpu.memory_space<hbm>> -> memref<64x128xf32, #tpu.memory_space<hbm>>
        %dma_wait3A_62 = arith.constant 0 : i32
        %dma_wait3A_63 = arith.constant 0 : i32
        %dma_wait3A_64 = tpu.memref_slice %arg14[%run_scoped3A_38, %dma_wait3A_62, %dma_wait3A_63] : memref<4x64x128xf32, #tpu.memory_space<vmem>> -> memref<1x64x128xf32, #tpu.memory_space<vmem>>
        %dma_wait3A_65 = tpu.memref_squeeze %dma_wait3A_64 : memref<1x64x128xf32, #tpu.memory_space<vmem>> -> memref<64x128xf32, #tpu.memory_space<vmem>>
        tpu.wait_dma2 semaphore(%run_scoped3A_39 : memref<!tpu.dma_semaphore, #tpu.memory_space<semaphore_mem>>) src(%dma_wait3A_65 : memref<64x128xf32, #tpu.memory_space<vmem>>) dst(%dma_wait3A_61 : memref<64x128xf32, #tpu.memory_space<hbm>>)
        tpu.yield
      }) : () -> ()
    }
    %scan3A_30 = arith.constant 10 : i32
    return
  }
}

module attributes {stable_mosaic.version = 14 : i64} {
  func.func @_tables_body(%arg0: i32, %arg1: memref<10000x128xf32, #tpu.memory_space<vmem>>, %arg2: memref<16x128xf32, #tpu.memory_space<vmem>>, %arg3: memref<10000x16xf32, #tpu.memory_space<vmem>>, %arg4: memref<1x10000x128xf32, #tpu.memory_space<vmem>>) attributes {dimension_semantics = [#tpu.dimension_semantics<arbitrary>], iteration_bounds = array<i64: 15>, scalar_prefetch = 0 : i64, scratch_operands = 0 : i64, tpu.core_type = #tpu.core_type<tc>, window_params = [{pipeline_mode = #tpu.pipeline_mode<synchronous>, transform_indices = @transform_0, window_bounds = array<i64: 10000, 128>}, {pipeline_mode = #tpu.pipeline_mode<synchronous>, transform_indices = @transform_1, window_bounds = array<i64: 16, 128>}, {pipeline_mode = #tpu.pipeline_mode<synchronous>, transform_indices = @transform_2, window_bounds = array<i64: 10000, 16>}, {transform_indices = @transform_3, window_bounds = array<i64: 1, 10000, 128>}]} {
    %eq3A = arith.constant 0 : i32
    %eq3A_0 = arith.cmpi eq, %arg0, %eq3A : i32
    %convert_element_type3A = arith.extui %eq3A_0 : i1 to i32
    %cond3A = arith.constant 0 : i32
    %cond3A_1 = arith.cmpi ne, %convert_element_type3A, %cond3A : i32
    scf.if %cond3A_1 {
      %get3A_11 = arith.constant 0 : index
      %get3A_12 = arith.constant 0 : index
      %get3A_13 = vector.load %arg1[%get3A_11, %get3A_12] : memref<10000x128xf32, #tpu.memory_space<vmem>>, vector<10000x128xf32>
      %get3A_14 = arith.constant 0 : index
      %get3A_15 = arith.constant 0 : index
      %get3A_16 = vector.load %arg1[%get3A_14, %get3A_15] : memref<10000x128xf32, #tpu.memory_space<vmem>>, vector<10000x128xf32>
      %mul3A_17 = arith.mulf %get3A_13, %get3A_16 : vector<10000x128xf32>
      %get3A_18 = arith.constant 0 : index
      %get3A_19 = arith.constant 0 : index
      %get3A_20 = vector.load %arg2[%get3A_18, %get3A_19] : memref<16x128xf32, #tpu.memory_space<vmem>>, vector<16x128xf32>
      %get3A_21 = arith.constant 0 : index
      %get3A_22 = arith.constant 0 : index
      %get3A_23 = vector.load %arg2[%get3A_21, %get3A_22] : memref<16x128xf32, #tpu.memory_space<vmem>>, vector<16x128xf32>
      %mul3A_24 = arith.mulf %get3A_20, %get3A_23 : vector<16x128xf32>
      %dot_general3A = arith.constant dense<0.000000e+00> : vector<10000x16xf32>
      %dot_general3A_25 = tpu.matmul %mul3A_17, %mul3A_24, %dot_general3A {dimension_numbers = #tpu.dot_dimension_numbers<[1], [1], [0], [0], [0, 0, 1, 0], [], []>, transpose_lhs_hint = false} : vector<10000x128xf32>, vector<16x128xf32>, vector<10000x16xf32> -> vector<10000x16xf32>
      %swap3A_26 = arith.constant 0 : index
      %swap3A_27 = arith.constant 0 : index
      %swap3A_28 = vector.load %arg3[%swap3A_26, %swap3A_27] : memref<10000x16xf32, #tpu.memory_space<vmem>>, vector<10000x16xf32>
      tpu.vector_store %arg3[%swap3A_26, %swap3A_27], %dot_general3A_25 {strides = array<i32>} : memref<10000x16xf32, #tpu.memory_space<vmem>>, vector<10000x16xf32>,
    } else {
    }
    %get3A = arith.index_cast %arg0 : i32 to index
    %get3A_2 = arith.constant 0 : index
    %get3A_3 = vector.load %arg2[%get3A, %get3A_2] : memref<16x128xf32, #tpu.memory_space<vmem>>, vector<1x128xf32>
    %get3A_4 = arith.constant 0 : index
    %get3A_5 = arith.constant 0 : index
    %get3A_6 = vector.load %arg1[%get3A_4, %get3A_5] : memref<10000x128xf32, #tpu.memory_space<vmem>>, vector<10000x128xf32>
    %mul3A = vector.broadcast %get3A_3 : vector<1x128xf32> to vector<10000x128xf32>
    %mul3A_7 = arith.mulf %get3A_6, %mul3A : vector<10000x128xf32>
    %broadcast_in_dim3A = vector.shape_cast %mul3A_7 : vector<10000x128xf32> to vector<1x10000x128xf32>
    %swap3A = arith.constant 0 : index
    %swap3A_8 = arith.constant 0 : index
    %swap3A_9 = arith.constant 0 : index
    %swap3A_10 = vector.load %arg4[%swap3A, %swap3A_8, %swap3A_9] : memref<1x10000x128xf32, #tpu.memory_space<vmem>>, vector<1x10000x128xf32>
    tpu.vector_store %arg4[%swap3A, %swap3A_8, %swap3A_9], %broadcast_in_dim3A {strides = array<i32>} : memref<1x10000x128xf32, #tpu.memory_space<vmem>>, vector<1x10000x128xf32>,
    return
  }
  func.func @transform_0(%arg0: i32) -> (i32, i32) {
    %c0_i32 = arith.constant 0 : i32
    %c0_i32_0 = arith.constant 0 : i32
    %c0_i32_1 = arith.constant 0 : i32
    return %c0_i32, %c0_i32_0 : i32, i32
  }
  func.func @transform_1(%arg0: i32) -> (i32, i32) {
    %c0_i32 = arith.constant 0 : i32
    %c0_i32_0 = arith.constant 0 : i32
    %c0_i32_1 = arith.constant 0 : i32
    return %c0_i32, %c0_i32_0 : i32, i32
  }
  func.func @transform_2(%arg0: i32) -> (i32, i32) {
    %c0_i32 = arith.constant 0 : i32
    %c0_i32_0 = arith.constant 0 : i32
    %c0_i32_1 = arith.constant 0 : i32
    return %c0_i32, %c0_i32_0 : i32, i32
  }
  func.func @transform_3(%arg0: i32) -> (i32, i32, i32) {
    %c0_i32 = arith.constant 0 : i32
    %c0_i32_0 = arith.constant 0 : i32
    %c0_i32_1 = arith.constant 0 : i32
    return %arg0, %c0_i32, %c0_i32_0 : i32, i32, i32
  }
}

module attributes {stable_mosaic.version = 14 : i64} {
  func.func @_user_body(%arg0: i32, %arg1: memref<256x10000xf32, #tpu.memory_space<vmem>>, %arg2: memref<10000x128xf32, #tpu.memory_space<vmem>>, %arg3: memref<256x128xf32, #tpu.memory_space<vmem>>, %arg4: memref<16x128xf32, #tpu.memory_space<vmem>>, %arg5: memref<256x128xf32, #tpu.memory_space<vmem>>) attributes {dimension_semantics = [#tpu.dimension_semantics<arbitrary>], iteration_bounds = array<i64: 16>, scalar_prefetch = 0 : i64, scratch_operands = 0 : i64, tpu.core_type = #tpu.core_type<tc>, window_params = [{transform_indices = @transform_0, window_bounds = array<i64: 256, 10000>}, {pipeline_mode = #tpu.pipeline_mode<synchronous>, transform_indices = @transform_1, window_bounds = array<i64: 10000, 128>}, {transform_indices = @transform_2, window_bounds = array<i64: 256, 128>}, {pipeline_mode = #tpu.pipeline_mode<synchronous>, transform_indices = @transform_3, window_bounds = array<i64: 16, 128>}, {transform_indices = @transform_4, window_bounds = array<i64: 256, 128>}]} {
    %get3A = arith.constant 0 : index
    %get3A_0 = arith.constant 0 : index
    %get3A_1 = vector.load %arg1[%get3A, %get3A_0] : memref<256x10000xf32, #tpu.memory_space<vmem>>, vector<256x10000xf32>
    %get3A_2 = arith.constant 0 : index
    %get3A_3 = arith.constant 0 : index
    %get3A_4 = vector.load %arg2[%get3A_2, %get3A_3] : memref<10000x128xf32, #tpu.memory_space<vmem>>, vector<10000x128xf32>
    %dot_general3A = arith.constant dense<0.000000e+00> : vector<256x128xf32>
    %dot_general3A_5 = tpu.matmul %get3A_1, %get3A_4, %dot_general3A {dimension_numbers = #tpu.dot_dimension_numbers<[1], [0], [0], [1], [0, 0, 1, 1], [], []>, transpose_lhs_hint = false} : vector<256x10000xf32>, vector<10000x128xf32>, vector<256x128xf32> -> vector<256x128xf32>
    %get3A_6 = arith.constant 0 : index
    %get3A_7 = arith.constant 0 : index
    %get3A_8 = vector.load %arg3[%get3A_6, %get3A_7] : memref<256x128xf32, #tpu.memory_space<vmem>>, vector<256x128xf32>
    %get3A_9 = arith.constant 0 : index
    %get3A_10 = arith.constant 0 : index
    %get3A_11 = vector.load %arg4[%get3A_9, %get3A_10] : memref<16x128xf32, #tpu.memory_space<vmem>>, vector<16x128xf32>
    %dot_general3A_12 = arith.constant dense<0.000000e+00> : vector<256x16xf32>
    %dot_general3A_13 = tpu.matmul %get3A_8, %get3A_11, %dot_general3A_12 {dimension_numbers = #tpu.dot_dimension_numbers<[1], [1], [0], [0], [0, 0, 1, 0], [], []>, transpose_lhs_hint = false} : vector<256x128xf32>, vector<16x128xf32>, vector<256x16xf32> -> vector<256x16xf32>
    %iota3A = tpu.iota {dimensions = array<i32: 1>} : vector<256x16xi32>
    %lt3A = arith.constant 15 : i32
    %lt3A_14 = vector.broadcast %lt3A : i32 to vector<256x16xi32>
    %lt3A_15 = arith.cmpi slt, %iota3A, %lt3A_14 : vector<256x16xi32>
    %jit3A = arith.constant -1.000000e+30 : f32
    %broadcast_in_dim3A = vector.broadcast %jit3A : f32 to vector<256x16xf32>
    %select_n3A = arith.select %lt3A_15, %dot_general3A_13, %broadcast_in_dim3A : vector<256x16xi1>, vector<256x16xf32>
    %reduce_max3A = arith.constant dense<0xFF800000> : vector<256xf32>
    %reduce_max3A_16 = vector.multi_reduction <maximumf>, %select_n3A, %reduce_max3A [1] : vector<256x16xf32> to vector<256xf32>
    %broadcast_in_dim3A_17 = vector.shape_cast %reduce_max3A_16 : vector<256xf32> to vector<256x1xf32>
    %sub3A = vector.broadcast %broadcast_in_dim3A_17 : vector<256x1xf32> to vector<256x16xf32>
    %sub3A_18 = arith.subf %select_n3A, %sub3A : vector<256x16xf32>
    %exp3A = math.exp %sub3A_18 : vector<256x16xf32>
    %reduce_sum3A = arith.constant dense<0.000000e+00> : vector<256xf32>
    %reduce_sum3A_19 = vector.multi_reduction <add>, %exp3A, %reduce_sum3A [1] : vector<256x16xf32> to vector<256xf32>
    %broadcast_in_dim3A_20 = vector.shape_cast %reduce_sum3A_19 : vector<256xf32> to vector<256x1xf32>
    %div3A = vector.broadcast %broadcast_in_dim3A_20 : vector<256x1xf32> to vector<256x16xf32>
    %div3A_21 = arith.divf %exp3A, %div3A : vector<256x16xf32>
    %get3A_22 = arith.constant 0 : index
    %get3A_23 = arith.constant 0 : index
    %get3A_24 = vector.load %arg4[%get3A_22, %get3A_23] : memref<16x128xf32, #tpu.memory_space<vmem>>, vector<16x128xf32>
    %dot_general3A_25 = arith.constant dense<0.000000e+00> : vector<256x128xf32>
    %dot_general3A_26 = tpu.matmul %div3A_21, %get3A_24, %dot_general3A_25 {dimension_numbers = #tpu.dot_dimension_numbers<[1], [0], [0], [1], [0, 0, 1, 1], [], []>, transpose_lhs_hint = false} : vector<256x16xf32>, vector<16x128xf32>, vector<256x128xf32> -> vector<256x128xf32>
    %mul3A = arith.mulf %dot_general3A_26, %dot_general3A_5 : vector<256x128xf32>
    %add3A = arith.addf %dot_general3A_5, %mul3A : vector<256x128xf32>
    %swap3A = arith.constant 0 : index
    %swap3A_27 = arith.constant 0 : index
    %swap3A_28 = vector.load %arg5[%swap3A, %swap3A_27] : memref<256x128xf32, #tpu.memory_space<vmem>>, vector<256x128xf32>
    tpu.vector_store %arg5[%swap3A, %swap3A_27], %add3A {strides = array<i32>} : memref<256x128xf32, #tpu.memory_space<vmem>>, vector<256x128xf32>,
    return
  }
  func.func @transform_0(%arg0: i32) -> (i32, i32) {
    %c0_i32 = arith.constant 0 : i32
    %c0_i32_0 = arith.constant 0 : i32
    return %arg0, %c0_i32 : i32, i32
  }
  func.func @transform_1(%arg0: i32) -> (i32, i32) {
    %c0_i32 = arith.constant 0 : i32
    %c0_i32_0 = arith.constant 0 : i32
    %c0_i32_1 = arith.constant 0 : i32
    return %c0_i32, %c0_i32_0 : i32, i32
  }
  func.func @transform_2(%arg0: i32) -> (i32, i32) {
    %c0_i32 = arith.constant 0 : i32
    %c0_i32_0 = arith.constant 0 : i32
    return %arg0, %c0_i32 : i32, i32
  }
  func.func @transform_3(%arg0: i32) -> (i32, i32) {
    %c0_i32 = arith.constant 0 : i32
    %c0_i32_0 = arith.constant 0 : i32
    %c0_i32_1 = arith.constant 0 : i32
    return %c0_i32, %c0_i32_0 : i32, i32
  }
  func.func @transform_4(%arg0: i32) -> (i32, i32) {
    %c0_i32 = arith.constant 0 : i32
    %c0_i32_0 = arith.constant 0 : i32
    return %arg0, %c0_i32 : i32, i32
  }
}

module attributes {stable_mosaic.version = 14 : i64} {
  func.func @_combine_body(%arg0: i32, %arg1: memref<2x1000x128xf32, #tpu.memory_space<vmem>>, %arg2: memref<1000x128xf32, #tpu.memory_space<vmem>>) attributes {dimension_semantics = [#tpu.dimension_semantics<arbitrary>], iteration_bounds = array<i64: 10>, scalar_prefetch = 0 : i64, scratch_operands = 0 : i64, tpu.core_type = #tpu.core_type<tc>, window_params = [{transform_indices = @transform_0, window_bounds = array<i64: 2, 1000, 128>}, {transform_indices = @transform_1, window_bounds = array<i64: 1000, 128>}]} {
    %get3A = arith.constant 0 : index
    %get3A_0 = arith.constant 0 : index
    %get3A_1 = arith.constant 0 : index
    %get3A_2 = vector.load %arg1[%get3A, %get3A_0, %get3A_1] : memref<2x1000x128xf32, #tpu.memory_space<vmem>>, vector<1x1000x128xf32>
    %get3A_3 = vector.shape_cast %get3A_2 : vector<1x1000x128xf32> to vector<1000x128xf32>
    %get3A_4 = arith.constant 1 : index
    %get3A_5 = arith.constant 0 : index
    %get3A_6 = arith.constant 0 : index
    %get3A_7 = vector.load %arg1[%get3A_4, %get3A_5, %get3A_6] : memref<2x1000x128xf32, #tpu.memory_space<vmem>>, vector<1x1000x128xf32>
    %get3A_8 = vector.shape_cast %get3A_7 : vector<1x1000x128xf32> to vector<1000x128xf32>
    %add3A = arith.addf %get3A_3, %get3A_8 : vector<1000x128xf32>
    %swap3A = arith.constant 0 : index
    %swap3A_9 = arith.constant 0 : index
    %swap3A_10 = vector.load %arg2[%swap3A, %swap3A_9] : memref<1000x128xf32, #tpu.memory_space<vmem>>, vector<1000x128xf32>
    tpu.vector_store %arg2[%swap3A, %swap3A_9], %add3A {strides = array<i32>} : memref<1000x128xf32, #tpu.memory_space<vmem>>, vector<1000x128xf32>,
    return
  }
  func.func @transform_0(%arg0: i32) -> (i32, i32, i32) {
    %c0_i32 = arith.constant 0 : i32
    %c0_i32_0 = arith.constant 0 : i32
    %c0_i32_1 = arith.constant 0 : i32
    return %c0_i32, %arg0, %c0_i32_0 : i32, i32, i32
  }
  func.func @transform_1(%arg0: i32) -> (i32, i32) {
    %c0_i32 = arith.constant 0 : i32
    %c0_i32_0 = arith.constant 0 : i32
    return %arg0, %c0_i32 : i32, i32
  }
}

</mosaic_0001>

<sc_bundles>
// kernel: kernel.10.cloned.1.call-start
scs
__scs_entry_jumppad:
0x0: {  	(pc) =	sbr.rel $0x88, $3  }
0x1: {  	(tag) =	ssettag $0x0;
	lr =	simm.s32 $0x1  }
0x2: {  	[smem:$0x3F9B] =	sst lr;
	_ =	strace $0xD0000000  }
0x3: {  	_ = 	snop  }
0x4: {  	_ = 	snop  }
0x5: {  	_ = 	snop  }
0x6: {  	_ = 	snop  }
0x7: {  	_ = 	snop  }
__scs_overlays_trampoline_lowered:
0x8: {  	[smem:$0x3FAA] =	sst s0  }
0x9: {  	[smem:$0x3FAB] =	sst s1  }
0xa: {  	[smem:$0x3FAC] =	sst s2  }
0xb: {  	[smem:$0x3FAD] =	sst s3  }
0xc: {  	[smem:$0x3FAE] =	sst s4  }
0xd: {  	[smem:$0x3FAF] =	sst s5  }
0xe: {  	[smem:$0x3FB0] =	sst s6  }
0xf: {  	[smem:$0x3FB1] =	sst s7  }
0x10: {  	[smem:$0x3FB2] =	sst s8  }
0x11: {  	[smem:$0x3FB3] =	sst s9;
	s0 =	simm.s32 @!p0 $0x0  }
0x12: {  	s1 =	sld [smem:$0x3F99];
	s0 =	simm.s32 @p0 $0x1  }
0x13: {  	[smem:$0x3FB4] =	sst s0;
	s0 =	simm.s32 @!p1 $0x0  }
0x14: {  	s2 =	sld [smem:$0x3F98];
	s0 =	simm.s32 @p1 $0x1  }
0x15: {  	[smem:$0x3FB5] =	sst s0;
	s0 =	simm.s32 @!p2 $0x0  }
0x16: {  	s3 =	sld [smem:$0x3FDB];
	s0 =	simm.s32 @p2 $0x1  }
0x17: {  	s4 =	simm.s32 $0x1BF5;
	[smem:$0x3FB7] =	sst s0  }
0x18: {  	s0 =	sld [smem:$0x3F9A];
	_ =	swait.ge [sflag:s4], $0x0  }
0x19: {  	s7 =	sld [smem:$0x3F9B]  }
0x1a: {  	s8 =	sadd.s32 $0xFFFFE003, lr  }
0x1b: {  	s9 =	sadd.s32 $0xFFFFFEF7, lr;
	s5 =	simm.s32 $0xFFFFFFFF;
	p2 =	slt.u32 s8, $0xFFFFF086  }
0x1c: {  	p1 =	slt.u32 s9, $0xF7A;
	s5 =	simm.s32 @!p2 $0x0  }
0x1d: {  	s5 =	simm.s32 @p1 $0x1;
	p0 =	seq.s32 s7, s2  }
0x1e: {  	s7 =	smul.u32 @!p0 $0xF7A, s2;
	p2 =	seq.s32 @!p0 s5, $0x0  }
0x1f: {  	s9 =	smul.u32 $0xF7A, s1;
	s8 =	simm.s32 @!p0 $0x1BF5;
	p2 =	por !p2, p0  }
0x20: {  	[sflag:s8] =	ssyncset.s32 @!p0 $0xFFFFF086;
	s6 =	sadd.s32 @!p0 s3, s7;
	s7 =	simm.s32 @!p0 $0x108  }
0x21: {  	s3 =	sadd.s32 s3, s9;
	s6 =	sadd.s32 @!p0 $0x88, s6;
	s7 =	simm.s32 @p2 $0x1082  }
0x22: {  	[simem:s7], [sflag:s8] =	dma.local @!p0 [hbm:s6], $0xF7A  }
0x23: {  	s9 =	sor.u32 $0xD0000000, s2;
	s6 =	simm.s32 $0x108;
	_ =	swait.ge @!p0 [sflag:s8], $0x0  }
0x24: {  	s3 =	sadd.s32 $0x88, s3;
	s6 =	simm.s32 @!p1 $0x1082;
	[sflag:s4] =	ssyncset.s32 $0xFFFFF086  }
0x25: {  	[simem:s6], [sflag:s4] =	dma.local [hbm:s3], $0xF7A  }
0x26: {  	[smem:$0x3F9B] =	sst s1;
	(tag) =	ssettag s2;
	_ =	strace s9  }
0x27: {  	s1 =	sld [smem:$0x3FAB]  }
0x28: {  	s2 =	sld [smem:$0x3FAC]  }
0x29: {  	s4 =	sld [smem:$0x3FAE]  }
0x2a: {  	p0 =	seq.s32 s5, $0x0;
	s5 =	sld [smem:$0x3FAF]  }
0x2b: {  	s6 =	sld [smem:$0x3FB0]  }
0x2c: {  	s7 =	sld [smem:$0x3FB1]  }
0x2d: {  	s3 =	simm.s32 $0x108;
	s8 =	sld [smem:$0x3FB2]  }
0x2e: {  	s3 =	simm.s32 @!p0 $0x1082;
	s9 =	sld [smem:$0x3FB3]  }
0x2f: {  	lr =	sadd.s32 s0, s3;
	s0 =	sld [smem:$0x3FAA]  }
0x30: {  	s3 =	sld [smem:$0x3FAD]  }
0x31: {  	[smem:$0x3FB6] =	sst s10  }
0x32: {  	s10 =	sld [smem:$0x3FB4];
	_ =	sdelay $0x3  }
0x33: {  	p0 =	seq.s32 s10, $0x1;
	s10 =	sld [smem:$0x3FB6];
	_ =	sdelay $0x3  }
0x34: {  	[smem:$0x3FB6] =	sst s10  }
0x35: {  	s10 =	sld [smem:$0x3FB5];
	_ =	sdelay $0x3  }
0x36: {  	p1 =	seq.s32 s10, $0x1;
	s10 =	sld [smem:$0x3FB6];
	_ =	sdelay $0x3  }
0x37: {  	[smem:$0x3FB6] =	sst s10  }
0x38: {  	s10 =	sld [smem:$0x3FB7]  }
0x39: {  	_ = 	snop;
	(pc) =	sbr.ind lr, $3  }
0x3a: {  	_ = 	snop  }
0x3b: {  	_ = 	snop  }
0x3c: {  	p2 =	seq.s32 s10, $0x1;
	s10 =	sld [smem:$0x3FB6]  }
0x3d: {  	_ =	shalt  }
0x3e: {  	_ =	shalt  }
0x3f: {  	_ =	shalt  }
0x40: {  	_ =	shalt  }
0x41: {  	_ =	shalt  }
0x42: {  	_ =	shalt  }
0x43: {  	_ =	shalt  }
0x44: {  	_ =	shalt  }
0x45: {  	_ =	shalt  }
0x46: {  	_ =	shalt  }
0x47: {  	_ =	shalt  }
0x48: {  	_ =	shalt  }
0x49: {  	_ =	shalt  }
0x4a: {  	_ =	shalt  }
0x4b: {  	_ =	shalt  }
0x4c: {  	_ =	shalt  }
0x4d: {  	_ =	shalt  }
0x4e: {  	_ =	shalt  }
0x4f: {  	_ =	shalt  }
0x50: {  	_ =	shalt  }
0x51: {  	_ =	shalt  }
0x52: {  	_ =	shalt  }
0x53: {  	_ =	shalt  }
0x54: {  	_ =	shalt  }
0x55: {  	_ =	shalt  }
0x56: {  	_ =	shalt  }
0x57: {  	_ =	shalt  }
0x58: {  	_ =	shalt  }
0x59: {  	_ =	shalt  }
0x5a: {  	_ =	shalt  }
0x5b: {  	_ =	shalt  }
0x5c: {  	_ =	shalt  }
0x5d: {  	_ =	shalt  }
0x5e: {  	_ =	shalt  }
0x5f: {  	_ =	shalt  }
0x60: {  	_ =	shalt  }
0x61: {  	_ =	shalt  }
0x62: {  	_ =	shalt  }
0x63: {  	_ =	shalt  }
0x64: {  	_ =	shalt  }
0x65: {  	_ =	shalt  }
0x66: {  	_ =	shalt  }
0x67: {  	_ =	shalt  }
0x68: {  	_ =	shalt  }
0x69: {  	_ =	shalt  }
0x6a: {  	_ =	shalt  }
0x6b: {  	_ =	shalt  }
0x6c: {  	_ =	shalt  }
0x6d: {  	_ =	shalt  }
0x6e: {  	_ =	shalt  }
0x6f: {  	_ =	shalt  }
0x70: {  	_ =	shalt  }
0x71: {  	_ =	shalt  }
0x72: {  	_ =	shalt  }
0x73: {  	_ =	shalt  }
0x74: {  	_ =	shalt  }
0x75: {  	_ =	shalt  }
0x76: {  	_ =	shalt  }
0x77: {  	_ =	shalt  }
0x78: {  	_ =	shalt  }
0x79: {  	_ =	shalt  }
0x7a: {  	_ =	shalt  }
0x7b: {  	_ =	shalt  }
0x7c: {  	_ =	shalt  }
0x7d: {  	_ =	shalt  }
0x7e: {  	_ =	shalt  }
0x7f: {  	_ =	shalt  }
0x80: {  	_ =	shalt  }
0x81: {  	_ =	shalt  }
0x82: {  	_ =	shalt  }
0x83: {  	_ =	shalt  }
0x84: {  	_ =	shalt  }
0x85: {  	_ =	shalt  }
0x86: {  	_ =	shalt  }
0x87: {  	_ =	shalt  }
.Lfunc_end0:
.L_simem_size_0:
called_computation.1_lowered:
.L_overlay_start_0:
0x88: {  	s2 =	sld [smem:$0x3FD9]  }
0x89: {  	s3 =	sld [smem:$0x3FFE];
	_ =	sdelay $0x1  }
0x8a: {  	s1 =	srdreg.scid  }
0x8b: {  	s0 =	sand.u32 $0x1, s1  }
0x8c: {  	s14 =	sshll.u32 s0, $0xA;
	s2 =	sadd.s32 s3, s2  }
0x8d: {  	s2 =	sadd.s32 s2, s14  }
0x8e: {  	[smem:$0x3FC2] =	sst s2  }
0x8f: {  	_ = 	snop  }
0x90: {  	s2 =	sld [smem:$0x3FD0];
	_ =	sdelay $0x2  }
0x91: {  	s15 =	simm.s32 $0xA;
	s4 =	simm.s32 $0x10  }
0x92: {  	[smem:s4], [sflag:s15] =	dma.local [hbm:s2], $0x1  }
0x93: {  	_ =	swait.eq [sflag:s15], $0x1  }
0x94: {  	[sflag:s15] =	ssyncset.done $0x0  }
0x95: {  	[sflag:s15] =	ssyncadd.s32 $0xFFFFFFFF  }
0x96: {  	s16 =	sld [smem:$0x10];
	(tm) =	ssettm $0x1  }
0x97: {  	s17 =	sld [smem:$0x3FFB];
	_ =	sdelay $0x3  }
0x98: {  	_ =	strace s17  }
0x99: {  	s3 =	sld [smem:$0x3FFC];
	_ =	sdelay $0x3  }
0x9a: {  	_ =	strace s3  }
0x9b: {  	s3 =	sld [smem:$0x3FFD];
	_ =	sdelay $0x3  }
0x9c: {  	_ =	strace s3  }
0x9d: {  	_ =	strace $0x8FFFFFFF  }
0x9e: {  	s18 =	sld [smem:$0x3FDB];
	_ =	sdelay $0x1  }
0x9f: {  	s19 =	simm.s32 $_scs_section_size  }
0xa0: {  	s5 =	simm.s32 $_size__tile_overlayer_lowered;
	s6 =	simm.s32 $_tile_overlayer_lowered  }
0xa1: {  	s22 =	simm.s32 $0x1BFF;
	s21 =	sshll.u32 s6, $0x1;
	s3 =	sadd.s32 s19, s18  }
0xa2: {  	s7 =	simm.s32 $0x0;
	s20 =	sshll.u32 s5, $0x1;
	s5 =	sadd.s32 s21, s3  }
0xa3: {  	[timem:s7], [sflag:s22] =	dma.local [hbm:s5], s20  }
0xa4: {  	_ =	swait.ge [sflag:s22], s20  }
0xa5: {  	s4 =	ssub.s32 $0x0, s20;
	[sflag:s22] =	ssyncset.done $0x0  }
0xa6: {  	[sflag:s22] =	ssyncadd.s32 s4;
	_ =	sdelay $0x1  }
0xa7: {  	s23 =	simm.s32 $0x1B8B  }
0xa8: {  	_ =	swait.ge [sflag:s23], $0x1  }
0xa9: {  	[sflag:s23] =	ssyncset.done $0x0  }
0xaa: {  	s25 =	simm.s32 $0x1B8E;
	s24 =	sld [smem:$0x3FFE];
	[sflag:s23] =	ssyncadd.s32 $0xFFFFFFFF  }
0xab: {  	s26 =	simm.s32 $execute0_lowered;
	[smem:$0x3FD2] =	sst s25  }
0xac: {  	s5 =	sshll.u32 s26, $0x1;
	_ =	strace $0x80000049;
	[dreg:$0x1] =	wrdreg $0xFFFFFFFF  }
0xad: {  	s28 =	simm.s32 $_size_execute0_lowered;
	s3 =	sadd.s32 s3, s5;
	[dreg:$0x0] =	wrdreg $0x0  }
0xae: {  	s5 =	sshll.u32 s28, $0x1;
	[dreg:$0x2] =	wrdreg s3  }
0xaf: {  	[dreg:$0x3] =	wrdreg s5  }
0xb0: {  	[dreg:$0x4] =	wrdreg $0xC0  }
0xb1: {  	_ =	task [dreg:s7], $0x5FFFF  }
0xb2: {  	[dreg:$0x1] =	wrdreg $0xFFFFFFFF  }
0xb3: {  	[dreg:$0x0] =	wrdreg $0x60  }
0xb4: {  	[dreg:$0x2] =	wrdreg s16  }
0xb5: {  	[dreg:$0x3] =	wrdreg s24  }
0xb6: {  	[dreg:$0x4] =	wrdreg $0xBC000  }
0xb7: {  	[dreg:$0x5] =	wrdreg $0x9  }
0xb8: {  	_ =	task.clear_ibuf [dreg:s7], $0x6FFFF;
	_ =	strace $0x90000049  }
0xb9: {  	s29 =	simm.s32 $0x9;
	_ =	strace $0x8000004B  }
0xba: {  	_ =	swait.ge [sflag:s29], $0x1  }
0xbb: {  	[sflag:s29] =	ssyncadd.s32 $0xFFFFFFFF  }
0xbc: {  	_ =	strace $0x9000004B  }
0xbd: {  	_ =	sfence  }
0xbe: {  	s30 =	sld [smem:$0x0];
	_ =	sdelay $0x2  }
0xbf: {  	s31 =	sshll.u32 s1, $0xD;
	s1 =	sshrl.u32 s1, $0x2  }
0xc0: {  	s3 =	sand.u32 $0x4000, s31;
	s1 =	sadd.s32 s1, s30  }
0xc1: {  	s0 =	sor.u32 s3, s0;
	s1 =	sshll.u32 s1, $0x11  }
0xc2: {  	s0 =	sor.u32 s1, s0  }
0xc3: {  	s0 =	sadd.s32 $0x8F2B, s0  }
0xc4: {  	[sflag:s0] =	ssyncadd.remote.s32 $0x1  }
0xc5: {  	_ =	sfence.sel $0xFFFF  }
0xc6: {  	[dreg:$0x0] =	wrdreg $0xFFFFFFFF;
	(pc) =	sbr.abs _section_cstart, $3  }
0xc7: {  	[dreg:$0x1] =	wrdreg $0xFFFFFFFF  }
0xc8: {  	_ =	task.clear_ibuf [dreg:s7], $0x2FFFF;
	_ =	strace $0x9FFFFFFF  }
0xc9: {  	(tm) =	ssettm $0x7FFFFFFF  }
tec
execute0_lowered:
.L_overlay_start_1:
0x0: {  	(tag) =	ssettag $0x1  }
0x1: {  	s1 =	srdreg.scid;
	s0 =	rddreg [dreg:$0x1]  }
0x2: {  	s15 =	stileid.u32;
	s5 =	simm.s32 $0x0;
	s1 =	sand.u32 $0x1, s1  }
0x3: {  	s4 =	smul.u32 $0x14000, s15;
	[smem:$0x7FF] =	sst s5;
	s23 =	sadd.s32 $0x28FC00, s0  }
0x4: {  	s24 =	sshll.u32 s15, $0x1;
	s15 =	smul.u32 $0x50000, s15;
	s3 =	ssub.s32 $0x2, s1  }
0x5: {  	s2 =	smul.u32 $0x140000, s1;
	s1 =	sor.u32 s1, s24;
	s6 =	sshrl.u32 s3, $0x1  }
0x6: {  	s26 =	sor.u32 $0x2000, s4;
	s8 =	sadd.s32 $0x4000, s4;
	s10 =	sadd.s32 $0x6000, s4  }
0x7: {  	s3 =	ssub.s32 s3, s6;
	s7 =	sadd.s32 s2, s4;
	s11 =	sadd.s32 s2, s26  }
0x8: {  	s9 =	sadd.s32 s2, s8;
	s13 =	sadd.s32 s2, s10;
	s25 =	sshrl.u32 s7, $0x3  }
0x9: {  	s12 =	sshrl.u32 s9, $0x3;
	s14 =	sshrl.u32 s13, $0x3;
	s6 =	sadd.s32 s23, s25  }
0xa: {  	s9 =	sadd.s32 $0x8000, s4;
	[dreg:$0x4] =	wrdreg s6;
	s6 =	sshrl.u32 s11, $0x3  }
0xb: {  	s13 =	sadd.s32 $0xC000, s4;
	s16 =	sadd.s32 s2, s9;
	s6 =	sadd.s32 s23, s6  }
0xc: {  	s11 =	sadd.s32 $0xA000, s4;
	[dreg:$0x5] =	wrdreg s6;
	s6 =	sadd.s32 s23, s12  }
0xd: {  	s18 =	sadd.s32 s2, s13;
	s12 =	sadd.s32 s2, s11;
	[dreg:$0x6] =	wrdreg s6  }
0xe: {  	s6 =	sadd.s32 s23, s14;
	s17 =	sshrl.u32 s12, $0x3;
	s12 =	rddreg [dreg:$0x2]  }
0xf: {  	s19 =	sshrl.u32 s18, $0x3;
	s14 =	sadd.s32 $0xE000, s4;
	[dreg:$0x7] =	wrdreg s6  }
0x10: {  	s6 =	sshrl.u32 s16, $0x3;
	s20 =	sadd.s32 s2, s14;
	s16 =	sadd.s32 $0x10000, s4  }
0x11: {  	s4 =	sadd.s32 $0x12000, s4;
	s6 =	sadd.s32 s23, s6;
	s21 =	sadd.s32 s2, s16  }
0x12: {  	s2 =	sadd.s32 s2, s4;
	[dreg:$0x8] =	wrdreg s6;
	s6 =	sadd.s32 s23, s17  }
0x13: {  	s2 =	sshrl.u32 s2, $0x3;
	[dreg:$0x9] =	wrdreg s6;
	s6 =	sadd.s32 s23, s19  }
0x14: {  	s2 =	sadd.s32 s23, s2;
	[dreg:$0xa] =	wrdreg s6;
	s6 =	sshrl.u32 s20, $0x3  }
0x15: {  	s22 =	sshrl.u32 s21, $0x3;
	[dreg:$0xd] =	wrdreg s2;
	s6 =	sadd.s32 s23, s6  }
0x16: {  	s24 =	sadd.s32 $0x26F200, s0;
	[dreg:$0xb] =	wrdreg s6;
	s6 =	sadd.s32 s23, s22  }
0x17: {  	s25 =	smax.u32 s3, $0x1;
	s26 =	sadd.s32 s26, s12;
	[dreg:$0xc] =	wrdreg s6  }
0x18: {  	s23 =	sshrl.u32 s15, $0x2;
	_ =	strace $0x8000004A;
	[dreg:$0xf] =	wrdreg s24  }
0x19: {  	s22 =	smul.u32 $0x5000, s1;
	s31 =	sadd.s32 s23, s12;
	[dreg:$0x10] =	wrdreg s25  }
0x1a: {  	s23 =	sshll.u32 s1, $0xB;
	s1 =	sadd.s32 s8, s12;
	[dreg:$0x11] =	wrdreg s26  }
0x1b: {  	s2 =	sadd.s32 s10, s12;
	[dreg:$0x12] =	wrdreg s1  }
0x1c: {  	s3 =	sadd.s32 s9, s12;
	[dreg:$0x13] =	wrdreg s2  }
0x1d: {  	s5 =	sadd.s32 s11, s12;
	[dreg:$0x14] =	wrdreg s3  }
0x1e: {  	s6 =	sadd.s32 s13, s12;
	[dreg:$0x15] =	wrdreg s5  }
0x1f: {  	s28 =	simm.s32 $0x1400;
	s7 =	sadd.s32 s14, s12;
	[dreg:$0x16] =	wrdreg s6  }
0x20: {  	s29 =	simm.s32 $0x400;
	s8 =	sadd.s32 s16, s12;
	[dreg:$0x17] =	wrdreg s7  }
0x21: {  	s30 =	simm.s32 $0xC00;
	s9 =	sadd.s32 s4, s12;
	[dreg:$0x18] =	wrdreg s8  }
0x22: {  	s4 =	simm.s32 $0x5C00;
	s17 =	sadd.s32 $0x26FC00, s0;
	[dreg:$0x19] =	wrdreg s9  }
0x23: {  	s21 =	sadd.s32 $0x26F210, s0;
	s10 =	sadd.s32 $0x2000, s31;
	[dreg:$0xe] =	wrdreg s31  }
0x24: {  	s19 =	sadd.s32 $0x2000, s0;
	s11 =	sadd.s32 $0x4000, s31;
	[dreg:$0x1a] =	wrdreg s10  }
0x25: {  	s20 =	sadd.s32 $0x16200, s0;
	s13 =	sadd.s32 $0x6000, s31;
	[dreg:$0x1b] =	wrdreg s11  }
0x26: {  	s15 =	sadd.s32 $0x27FC00, s0;
	s14 =	sadd.s32 $0x8000, s31;
	[dreg:$0x1c] =	wrdreg s13  }
0x27: {  	s0 =	simm.s32 $0x40;
	s16 =	sadd.s32 $0xA000, s31;
	[dreg:$0x1d] =	wrdreg s14  }
0x28: {  	s18 =	sadd.s32 $0xC000, s31;
	s24 =	sadd.s32 $0xE000, s31;
	[dreg:$0x1e] =	wrdreg s16  }
0x29: {  	s25 =	sadd.s32 $0x10000, s31;
	s26 =	sadd.s32 $0x12000, s31;
	[dreg:$0x1f] =	wrdreg s18  }
0x2a: {  	s3 =	simm.s32 $0xC40;
	s5 =	simm.s32 $0x1;
	[smem:$0x7FB] =	sst s24  }
0x2b: {  	s6 =	simm.s32 $0x2;
	s2 =	simm.s32 $0x0;
	[smem:$0x7FC] =	sst s25  }
0x2c: {  	[smem:$0x7FD] =	sst s26;
	s18 =	simm.s32 $0x3C00;
	s24 =	simm.s32 $0x3  }
0x2d: {  	v0 =	vimm.f32 $0.0e+00;
	s25 =	simm.s32 $0x80;
	s26 =	simm.s32 $0x100;
	s11 =	simm.s32 $0x1000  }
.LBB2_1:
0x2e: {  	[smem:$0x7FA] =	sst s2;
	s1 =	simm.s32 $0x0;
	s2 =	simm.s32 $0x200  }
.LBB2_2:
0x2f: {  	p0 =	sne.s32 s2, $0x7E00;
	[tilespmem:s1+$0x3C70] =	vst v0  }
0x30: {  	[tilespmem:s1+$0x3C00] =	vst v0  }
0x31: {  	[tilespmem:s1+$0x3C10] =	vst v0  }
.Ltmp0:
0x32: {  	[tilespmem:s1+$0x3C20] =	vst v0;
	(pc) =	sbr.rel @p0 .LBB2_2-.Ltmp0, $4  }
0x33: {  	[tilespmem:s1+$0x3C30] =	vst v0  }
0x34: {  	[tilespmem:s1+$0x3C40] =	vst v0  }
0x35: {  	[tilespmem:s1+$0x3C50] =	vst v0  }
0x36: {  	[tilespmem:s1+$0x3C60] =	vst v0;
	s1 =	sshra.s32 s2, $0x2;
	s2 =	sadd.s32 $0x200, s2  }
0x37: {  	[tilespmem:s1+$0x3C70] =	vst v0  }
0x38: {  	[tilespmem:s1+$0x3C00] =	vst v0  }
0x39: {  	[tilespmem:s1+$0x3C10] =	vst v0  }
0x3a: {  	[tilespmem:s1+$0x3C20] =	vst v0  }
0x3b: {  	[tilespmem:s1+$0x3C30] =	vst v0  }
0x3c: {  	[tilespmem:s1+$0x3C40] =	vst v0  }
0x3d: {  	[tilespmem:s1+$0x3C50] =	vst v0  }
0x3e: {  	[tilespmem:s1+$0x3C60] =	vst v0  }
0x3f: {  	[spmem:s31] =	stream.linear.scatter [tilespmem:s18], [sflag:$0x3], $0x2000, $0x38;
	[tilespmem:$0x1FC00] =	vst v63  }
0x40: {  	_ =	swait.ge [sflag:s24], $0x2000  }
0x41: {  	[sflag:s24] =	ssyncset.done $0x0  }
0x42: {  	s31 =	rddreg [dreg:$0x1a];
	[sflag:s24] =	ssyncadd.s32 $0xFFFFE000  }
0x43: {  	[spmem:s31] =	stream.linear.scatter [tilespmem:s18], [sflag:$0x3], $0x2000, $0x38;
	[tilespmem:$0x1FC00] =	vst v63  }
0x44: {  	_ =	swait.ge [sflag:s24], $0x2000  }
0x45: {  	[sflag:s24] =	ssyncset.done $0x0  }
0x46: {  	s2 =	rddreg [dreg:$0x1b];
	[sflag:s24] =	ssyncadd.s32 $0xFFFFE000  }
0x47: {  	[spmem:s2] =	stream.linear.scatter [tilespmem:s18], [sflag:$0x3], $0x2000, $0x38;
	[tilespmem:$0x1FC00] =	vst v63  }
0x48: {  	_ =	swait.ge [sflag:s24], $0x2000  }
0x49: {  	[sflag:s24] =	ssyncset.done $0x0  }
0x4a: {  	s7 =	rddreg [dreg:$0x1c];
	[sflag:s24] =	ssyncadd.s32 $0xFFFFE000  }
0x4b: {  	[spmem:s7] =	stream.linear.scatter [tilespmem:s18], [sflag:$0x3], $0x2000, $0x38;
	[tilespmem:$0x1FC00] =	vst v63  }
0x4c: {  	_ =	swait.ge [sflag:s24], $0x2000  }
0x4d: {  	[sflag:s24] =	ssyncset.done $0x0  }
0x4e: {  	s8 =	rddreg [dreg:$0x1d];
	[sflag:s24] =	ssyncadd.s32 $0xFFFFE000  }
0x4f: {  	[spmem:s8] =	stream.linear.scatter [tilespmem:s18], [sflag:$0x3], $0x2000, $0x38;
	[tilespmem:$0x1FC00] =	vst v63  }
0x50: {  	_ =	swait.ge [sflag:s24], $0x2000  }
0x51: {  	[sflag:s24] =	ssyncset.done $0x0  }
0x52: {  	s9 =	rddreg [dreg:$0x1e];
	[sflag:s24] =	ssyncadd.s32 $0xFFFFE000  }
0x53: {  	[spmem:s9] =	stream.linear.scatter [tilespmem:s18], [sflag:$0x3], $0x2000, $0x38;
	[tilespmem:$0x1FC00] =	vst v63  }
0x54: {  	_ =	swait.ge [sflag:s24], $0x2000  }
0x55: {  	[sflag:s24] =	ssyncset.done $0x0  }
0x56: {  	s10 =	rddreg [dreg:$0x1f];
	[sflag:s24] =	ssyncadd.s32 $0xFFFFE000  }
0x57: {  	[spmem:s10] =	stream.linear.scatter [tilespmem:s18], [sflag:$0x3], $0x2000, $0x38;
	[tilespmem:$0x1FC00] =	vst v63  }
0x58: {  	_ =	swait.ge [sflag:s24], $0x2000  }
0x59: {  	s13 =	sld [smem:$0x7FB]  }
0x5a: {  	[sflag:s24] =	ssyncset.done $0x0  }
0x5b: {  	[sflag:s24] =	ssyncadd.s32 $0xFFFFE000  }
0x5c: {  	[spmem:s13] =	stream.linear.scatter [tilespmem:s18], [sflag:$0x3], $0x2000, $0x38;
	[tilespmem:$0x1FC00] =	vst v63  }
0x5d: {  	_ =	swait.ge [sflag:s24], $0x2000  }
0x5e: {  	s14 =	sld [smem:$0x7FC]  }
0x5f: {  	[sflag:s24] =	ssyncset.done $0x0  }
0x60: {  	[sflag:s24] =	ssyncadd.s32 $0xFFFFE000  }
0x61: {  	[spmem:s14] =	stream.linear.scatter [tilespmem:s18], [sflag:$0x3], $0x2000, $0x38;
	[tilespmem:$0x1FC00] =	vst v63  }
0x62: {  	_ =	swait.ge [sflag:s24], $0x2000  }
0x63: {  	s16 =	sld [smem:$0x7FD]  }
0x64: {  	[sflag:s24] =	ssyncset.done $0x0  }
0x65: {  	[sflag:s24] =	ssyncadd.s32 $0xFFFFE000  }
0x66: {  	[spmem:s16] =	stream.linear.scatter [tilespmem:s18], [sflag:$0x3], $0x2000, $0x38;
	[tilespmem:$0x1FC00] =	vst v63  }
0x67: {  	_ =	swait.ge [sflag:s24], $0x2000  }
0x68: {  	[sflag:s24] =	ssyncset.done $0x0  }
0x69: {  	[sflag:s24] =	ssyncadd.s32 $0xFFFFE000  }
0x6a: {  	[bflag:$0x0] =	sbarrier.arrive $0xFFFF  }
0x6b: {  	s31 =	rddreg [dreg:$0xf]  }
0x6c: {  	[tilespmem:s28], [sflag:$0x3] =	stream.strided.gather [hbm4b:s31+s25], $0x2800, s26, s25, $0x38;
	[tilespmem:$0x1FC00] =	vst v63  }
0x6d: {  	_ =	swait.ge [sflag:s24], $0x2800  }
0x6e: {  	[sflag:s24] =	ssyncset.done $0x0  }
0x6f: {  	s2 =	simm.s32 $0x0;
	s9 =	simm.s32 $0x0;
	[sflag:s24] =	ssyncadd.s32 $0xFFFFD800  }
.LBB2_4:
0x70: {  	s1 =	sshll.u32 s9, $0x8  }
0x71: {  	s8 =	simm.s32 $0x1000;
	s31 =	sshll.u32 s9, $0xA;
	s1 =	sadd.s32 s1, s21  }
0x72: {  	[tilespmem:s8], [sflag:$0x3] =	stream.strided.gather [hbm4b:s1+s25], $0x400, s26, s25, $0x38;
	[tilespmem:$0x1FC00] =	vst v63  }
0x73: {  	s1 =	sand.u32 $0x3FFFFC00, s31;
	_ =	swait.ge [sflag:s24], $0x400  }
0x74: {  	s7 =	sand.u32 $0x380, s2;
	s1 =	sadd.s32 $0x1400, s1;
	[sflag:s24] =	ssyncset.done $0x0  }
0x75: {  	s10 =	sand.u32 $0x70, s2;
	s7 =	sadd.s32 s7, s1;
	[sflag:s24] =	ssyncadd.s32 $0xFFFFFC00  }
0x76: {  	s7 =	sadd.s32 s10, s7;
	v1 =	vld [tilespmem:s8+$0x0]  }
0x77: {  	v2 =	vld [tilespmem:s7+$0x0];
	_ =	sdelay $0x4  }
0x78: {  	s13 =	simm.s32 $0x10;
	v1 =	vadd.f32 v1, v2  }
0x79: {  	s14 =	sand.u32 $0x380, s13;
	s10 =	simm.s32 $0x20;
	s8 =	simm.s32 $0x1010  }
.LBB2_5:
0x7a: {  	p0 =	sne.s32 s10, $0x3F0;
	s13 =	sand.u32 $0x70, s13;
	s14 =	sadd.s32 s14, s1;
	[tilespmem:s7+$0x0] =	vst v1  }
0x7b: {  	s7 =	sadd.s32 s13, s14;
	v1 =	vld [tilespmem:s8+$0x0];
	s13 =	smov.u32 s10  }
0x7c: {  	v2 =	vld [tilespmem:s7+$0x0];
	_ =	sdelay $0x1  }
.Ltmp1:
0x7d: {  	(pc) =	sbr.rel @p0 .LBB2_5-.Ltmp1, $3  }
0x7e: {  	_ =	sdelay $0x1  }
0x7f: {  	v1 =	vadd.f32 v1, v2  }
0x80: {  	s10 =	sadd.s32 $0x10, s10;
	s8 =	sadd.s32 $0x10, s8;
	s14 =	sand.u32 $0x380, s13  }
0x81: {  	s10 =	sand.u32 $0x70, s13;
	s1 =	sadd.s32 s14, s1;
	[tilespmem:s7+$0x0] =	vst v1  }
0x82: {  	s1 =	sadd.s32 s10, s1;
	v1 =	vld [tilespmem:s8+$0x0]  }
0x83: {  	v2 =	vld [tilespmem:s1+$0x0]  }
0x84: {  	s9 =	sadd.s32 $0x1, s9  }
0x85: {  	p0 =	sne.s32 s9, $0xA  }
.Ltmp2:
0x86: {  	_ = 	snop;
	(pc) =	sbr.rel @p0 .LBB2_4-.Ltmp2, $3  }
0x87: {  	_ = 	snop  }
0x88: {  	v1 =	vadd.f32 v1, v2;
	_ =	sdelay $0x1  }
0x89: {  	s8 =	simm.s32 $0x0;
	[tilespmem:s1+$0x0] =	vst v1  }
0x8a: {  	s9 =	simm.s32 $0x0  }
.LBB2_8:
0x8b: {  	s1 =	sshll.u32 s9, $0xB  }
0x8c: {  	s1 =	sadd.s32 s22, s1  }
0x8d: {  	s2 =	rddreg [dreg:$0x0];
	s1 =	sshrl.u32 s1, $0x3  }
0x8e: {  	s14 =	sshll.u32 s9, $0x7;
	s1 =	sadd.s32 s2, s1  }
0x8f: {  	[tilespmem:s8], [sflag:$0x3] =	stream.linear.gather [hbm4b:s1+s8], $0x800, $0x38;
	[tilespmem:$0x1FC00] =	vst v63  }
0x90: {  	s16 =	sshll.u32 s9, $0x4;
	s1 =	sand.u32 $0x400, s14  }
0x91: {  	s2 =	sand.u32 $0x70, s16;
	_ =	swait.ge [sflag:s24], $0x800;
	s1 =	sor.u32 s23, s1  }
0x92: {  	[sflag:s24] =	ssyncset.done $0x0;
	s1 =	sor.u32 s2, s1  }
0x93: {  	[sflag:s24] =	ssyncadd.s32 $0xFFFFF800;
	s2 =	sadd.s32 s15, s1  }
0x94: {  	[tilespmem:s30], [sflag:$0x3] =	stream.strided.gather [hbm4b:s2+s25], $0x400, s29, s25, $0x38;
	[tilespmem:$0x1FC00] =	vst v63  }
0x95: {  	_ =	swait.ge [sflag:s24], $0x400  }
0x96: {  	[sflag:s24] =	ssyncset.done $0x0  }
0x97: {  	s7 =	simm.s32 $0x800;
	s31 =	sadd.s32 s17, s1;
	[sflag:s24] =	ssyncadd.s32 $0xFFFFFC00  }
0x98: {  	[tilespmem:s7], [sflag:$0x3] =	stream.strided.gather [hbm4b:s31+s25], $0x400, s29, s25, $0x38;
	[tilespmem:$0x1FC00] =	vst v63  }
0x99: {  	_ =	swait.ge [sflag:s24], $0x400  }
0x9a: {  	[sflag:s24] =	ssyncset.done $0x0  }
0x9b: {  	s1 =	sadd.s32 s19, s1;
	[sflag:s24] =	ssyncadd.s32 $0xFFFFFC00  }
0x9c: {  	[tilespmem:s11], [sflag:$0x3] =	stream.strided.gather [hbm4b:s1+s25], $0x400, s29, s25, $0x38;
	[tilespmem:$0x1FC00] =	vst v63  }
0x9d: {  	_ =	swait.ge [sflag:s24], $0x400  }
0x9e: {  	[sflag:s24] =	ssyncset.done $0x0  }
0x9f: {  	s10 =	simm.s32 $0x0;
	[sflag:s24] =	ssyncadd.s32 $0xFFFFFC00  }
0xa0: {  	v1 =	vld [tilespmem:s10+$0x800];
	_ =	sdelay $0x1  }
0xa1: {  	v2 =	vld [tilespmem:s10+$0xC00];
	_ =	sdelay $0x2  }
0xa2: {  	v1 =	vmul.u32 $0x2710, v1;
	_ =	sdelay $0x1  }
0xa3: {  	v1 =	vadd.s32 v2, v1  }
0xa4: {  	v1 =	vadd.s32 $0xFFFFD8F0, v1  }
0xa5: {  	s13 =	simm.s32 $0x20;
	[tilespmem:s10+$0xC00] =	vst v1  }
0xa6: {  	v1 =	vld [tilespmem:s13+$0xFFFFFFE0];
	_ =	sdelay $0x7  }
0xa7: {  	v1 =	vld.idx.msk [tilespmem:v1+s28+$0x0], $0xffff;
	_ =	sdelay $0x4  }
0xa8: {  	v1 =	vadd.f32 $1.000000020e-16, v1;
	_ =	sdelay $0x1  }
0xa9: {  	(erf) = vrcp.f32 v1;
	_ =	sdelay $0x1  }
0xaa: {  	v1 =	vld [tilespmem:s10+$0x810];
	_ =	sdelay $0x1  }
0xab: {  	v2 =	vld [tilespmem:s10+$0xC10]  }
0xac: {  	v3 =	vld [tilespmem:s10+$0x1000];
	_ =	sdelay $0x1  }
0xad: {  	v1 =	vmul.u32 $0x2710, v1;
	_ =	sdelay $0x1  }
0xae: {  	v1 =	vadd.s32 v2, v1;
	v2 =	vpop (erf)  }
0xaf: {  	v1 =	vadd.s32 $0xFFFFD8F0, v1;
	v2 =	vmul.f32 v2, v3  }
0xb0: {  	[tilespmem:s10+$0xC10] =	vst v1  }
0xb1: {  	[tilespmem:s10+$0x1000] =	vst v2  }
0xb2: {  	v1 =	vld [tilespmem:s13+$0xFFFFFFF0];
	_ =	sdelay $0x7  }
0xb3: {  	v1 =	vld.idx.msk [tilespmem:v1+s28+$0x0], $0xffff;
	_ =	sdelay $0x4  }
0xb4: {  	v1 =	vadd.f32 $1.000000020e-16, v1;
	_ =	sdelay $0x1  }
0xb5: {  	(erf) = vrcp.f32 v1;
	_ =	sdelay $0x1  }
0xb6: {  	v1 =	vld [tilespmem:s10+$0x820];
	_ =	sdelay $0x1  }
0xb7: {  	v2 =	vld [tilespmem:s10+$0xC20]  }
0xb8: {  	v3 =	vld [tilespmem:s10+$0x1010];
	_ =	sdelay $0x1  }
0xb9: {  	v1 =	vmul.u32 $0x2710, v1;
	_ =	sdelay $0x1  }
0xba: {  	v1 =	vadd.s32 v2, v1;
	v2 =	vpop (erf)  }
0xbb: {  	v1 =	vadd.s32 $0xFFFFD8F0, v1;
	v2 =	vmul.f32 v2, v3  }
0xbc: {  	[tilespmem:s10+$0xC20] =	vst v1  }
0xbd: {  	[tilespmem:s10+$0x1010] =	vst v2  }
0xbe: {  	v1 =	vld [tilespmem:s13+$0x0];
	_ =	sdelay $0x7  }
0xbf: {  	v1 =	vld.idx.msk [tilespmem:v1+s28+$0x0], $0xffff;
	_ =	sdelay $0x4  }
0xc0: {  	v1 =	vadd.f32 $1.000000020e-16, v1;
	_ =	sdelay $0x1  }
0xc1: {  	(erf) = vrcp.f32 v1;
	_ =	sdelay $0x1  }
0xc2: {  	v1 =	vld [tilespmem:s10+$0x830];
	_ =	sdelay $0x1  }
0xc3: {  	v2 =	vld [tilespmem:s10+$0xC30]  }
0xc4: {  	v3 =	vld [tilespmem:s10+$0x1020];
	_ =	sdelay $0x1  }
0xc5: {  	v1 =	vmul.u32 $0x2710, v1;
	_ =	sdelay $0x1  }
0xc6: {  	v1 =	vadd.s32 v2, v1;
	v2 =	vpop (erf)  }
0xc7: {  	v1 =	vadd.s32 $0xFFFFD8F0, v1;
	v2 =	vmul.f32 v2, v3  }
0xc8: {  	s16 =	simm.s32 $0x40;
	[tilespmem:s10+$0xC30] =	vst v1  }
0xc9: {  	v1 =	vld [tilespmem:s16+$0x800];
	[tilespmem:s10+$0x1020] =	vst v2  }
0xca: {  	v2 =	vld [tilespmem:s13+$0x10];
	_ =	sdelay $0x7  }
0xcb: {  	v2 =	vld.idx.msk [tilespmem:v2+s28+$0x0], $0xffff;
	_ =	sdelay $0x1  }
0xcc: {  	v3 =	vld [tilespmem:s16+$0xC00];
	_ =	sdelay $0x2  }
0xcd: {  	v1 =	vmul.u32 $0x2710, v1;
	v2 =	vadd.f32 $1.000000020e-16, v2;
	_ =	sdelay $0x1  }
0xce: {  	v1 =	vadd.s32 v3, v1;
	(erf) = vrcp.f32 v2  }
0xcf: {  	v1 =	vadd.s32 $0xFFFFD8F0, v1  }
0xd0: {  	s14 =	simm.s32 $0x200;
	[tilespmem:s16+$0xC00] =	vst v1  }
.LBB2_9:
0xd1: {  	p0 =	sne.s32 s14, $0xF00;
	_ =	sdelay $0x1  }
0xd2: {  	v1 =	vld [tilespmem:s10+$0x1030];
	_ =	sdelay $0x3  }
0xd3: {  	v2 =	vpop (erf)  }
0xd4: {  	v1 =	vmul.f32 v2, v1;
	_ =	sdelay $0x1  }
0xd5: {  	s13 =	sadd.s32 $0x80, s13;
	[tilespmem:s10+$0x1030] =	vst v1;
	s10 =	smov.u32 s16  }
0xd6: {  	v1 =	vld [tilespmem:s13+$0xFFFFFFE0];
	_ =	sdelay $0x7  }
0xd7: {  	v1 =	vld.idx.msk [tilespmem:v1+s28+$0x0], $0xffff;
	_ =	sdelay $0x5  }
0xd8: {  	v1 =	vadd.f32 $1.000000020e-16, v1;
	_ =	sdelay $0x1  }
0xd9: {  	(erf) = vrcp.f32 v1;
	_ =	sdelay $0x1  }
0xda: {  	v1 =	vld [tilespmem:s10+$0x810];
	_ =	sdelay $0x1  }
0xdb: {  	v2 =	vld [tilespmem:s10+$0xC10]  }
0xdc: {  	v3 =	vld [tilespmem:s10+$0x1000];
	_ =	sdelay $0x1  }
0xdd: {  	v1 =	vmul.u32 $0x2710, v1;
	_ =	sdelay $0x1  }
0xde: {  	v1 =	vadd.s32 v2, v1;
	v2 =	vpop (erf)  }
0xdf: {  	v2 =	vmul.f32 v2, v3;
	v1 =	vadd.s32 $0xFFFFD8F0, v1  }
0xe0: {  	[tilespmem:s10+$0xC10] =	vst v1  }
0xe1: {  	[tilespmem:s10+$0x1000] =	vst v2  }
0xe2: {  	v1 =	vld [tilespmem:s13+$0xFFFFFFF0];
	_ =	sdelay $0x7  }
0xe3: {  	v1 =	vld.idx.msk [tilespmem:v1+s28+$0x0], $0xffff;
	_ =	sdelay $0x5  }
0xe4: {  	v1 =	vadd.f32 $1.000000020e-16, v1;
	_ =	sdelay $0x1  }
0xe5: {  	(erf) = vrcp.f32 v1;
	_ =	sdelay $0x1  }
0xe6: {  	v1 =	vld [tilespmem:s10+$0x820];
	_ =	sdelay $0x1  }
0xe7: {  	v2 =	vld [tilespmem:s10+$0xC20]  }
0xe8: {  	v3 =	vld [tilespmem:s10+$0x1010];
	_ =	sdelay $0x1  }
0xe9: {  	v1 =	vmul.u32 $0x2710, v1;
	_ =	sdelay $0x1  }
0xea: {  	v1 =	vadd.s32 v2, v1;
	v2 =	vpop (erf)  }
0xeb: {  	v2 =	vmul.f32 v2, v3;
	v1 =	vadd.s32 $0xFFFFD8F0, v1  }
0xec: {  	[tilespmem:s10+$0xC20] =	vst v1  }
0xed: {  	[tilespmem:s10+$0x1010] =	vst v2  }
0xee: {  	v1 =	vld [tilespmem:s13+$0x0];
	_ =	sdelay $0x7  }
0xef: {  	v1 =	vld.idx.msk [tilespmem:v1+s28+$0x0], $0xffff;
	_ =	sdelay $0x5  }
0xf0: {  	v1 =	vadd.f32 $1.000000020e-16, v1;
	_ =	sdelay $0x1  }
0xf1: {  	(erf) = vrcp.f32 v1;
	_ =	sdelay $0x1  }
0xf2: {  	v1 =	vld [tilespmem:s10+$0x830];
	_ =	sdelay $0x1  }
0xf3: {  	v2 =	vld [tilespmem:s10+$0xC30]  }
0xf4: {  	v3 =	vld [tilespmem:s10+$0x1020];
	_ =	sdelay $0x1  }
0xf5: {  	v1 =	vmul.u32 $0x2710, v1;
	_ =	sdelay $0x1  }
0xf6: {  	v1 =	vadd.s32 v2, v1;
	v2 =	vpop (erf)  }
0xf7: {  	v2 =	vmul.f32 v2, v3;
	v1 =	vadd.s32 $0xFFFFD8F0, v1  }
0xf8: {  	s16 =	sshra.s32 s14, $0x2;
	[tilespmem:s10+$0xC30] =	vst v1  }
0xf9: {  	v1 =	vld [tilespmem:s16+$0x800];
	[tilespmem:s10+$0x1020] =	vst v2  }
0xfa: {  	v2 =	vld [tilespmem:s13+$0x10];
	_ =	sdelay $0x1  }
0xfb: {  	v3 =	vld [tilespmem:s16+$0xC00];
	_ =	sdelay $0x2  }
0xfc: {  	v1 =	vmul.u32 $0x2710, v1;
	_ =	sdelay $0x1  }
0xfd: {  	v1 =	vadd.s32 v3, v1  }
0xfe: {  	v1 =	vadd.s32 $0xFFFFD8F0, v1;
	v2 =	vld.idx.msk [tilespmem:v2+s28+$0x0], $0xffff  }
0xff: {  	[tilespmem:s16+$0xC00] =	vst v1;
	_ =	sdelay $0x4  }
.Ltmp3:
0x100: {  	v1 =	vadd.f32 $1.000000020e-16, v2;
	(pc) =	sbr.rel @p0 .LBB2_9-.Ltmp3, $3  }
0x101: {  	_ = 	snop  }
0x102: {  	(erf) = vrcp.f32 v1;
	_ =	sdelay $0x1  }
0x103: {  	s14 =	sadd.s32 $0x100, s14  }
0x104: {  	_ =	sdelay $0x1  }
0x105: {  	v1 =	vld [tilespmem:s10+$0x1030];
	_ =	sdelay $0x3  }
0x106: {  	v2 =	vpop (erf)  }
0x107: {  	v1 =	vmul.f32 v2, v1;
	_ =	sdelay $0x1  }
0x108: {  	s1 =	sadd.s32 $0x80, s13;
	[tilespmem:s10+$0x1030] =	vst v1  }
0x109: {  	v1 =	vld [tilespmem:s1+$0xFFFFFFE0];
	_ =	sdelay $0x7  }
0x10a: {  	v1 =	vld.idx.msk [tilespmem:v1+s28+$0x0], $0xffff;
	_ =	sdelay $0x4  }
0x10b: {  	v1 =	vadd.f32 $1.000000020e-16, v1;
	_ =	sdelay $0x1  }
0x10c: {  	(erf) = vrcp.f32 v1;
	_ =	sdelay $0x1  }
0x10d: {  	v1 =	vld [tilespmem:s16+$0x810];
	_ =	sdelay $0x1  }
0x10e: {  	v2 =	vld [tilespmem:s16+$0xC10]  }
0x10f: {  	v3 =	vld [tilespmem:s16+$0x1000];
	_ =	sdelay $0x1  }
0x110: {  	v1 =	vmul.u32 $0x2710, v1;
	_ =	sdelay $0x1  }
0x111: {  	v1 =	vadd.s32 v2, v1;
	v2 =	vpop (erf)  }
0x112: {  	v1 =	vadd.s32 $0xFFFFD8F0, v1;
	v2 =	vmul.f32 v2, v3  }
0x113: {  	[tilespmem:s16+$0xC10] =	vst v1  }
0x114: {  	[tilespmem:s16+$0x1000] =	vst v2  }
0x115: {  	v1 =	vld [tilespmem:s1+$0xFFFFFFF0];
	_ =	sdelay $0x7  }
0x116: {  	v1 =	vld.idx.msk [tilespmem:v1+s28+$0x0], $0xffff;
	_ =	sdelay $0x4  }
0x117: {  	v1 =	vadd.f32 $1.000000020e-16, v1;
	_ =	sdelay $0x1  }
0x118: {  	(erf) = vrcp.f32 v1;
	_ =	sdelay $0x1  }
0x119: {  	v1 =	vld [tilespmem:s16+$0x820];
	_ =	sdelay $0x1  }
0x11a: {  	v2 =	vld [tilespmem:s16+$0xC20]  }
0x11b: {  	v3 =	vld [tilespmem:s16+$0x1010];
	_ =	sdelay $0x1  }
0x11c: {  	v1 =	vmul.u32 $0x2710, v1;
	_ =	sdelay $0x1  }
0x11d: {  	v1 =	vadd.s32 v2, v1;
	v2 =	vpop (erf)  }
0x11e: {  	v1 =	vadd.s32 $0xFFFFD8F0, v1;
	v2 =	vmul.f32 v2, v3  }
0x11f: {  	[tilespmem:s16+$0xC20] =	vst v1  }
0x120: {  	[tilespmem:s16+$0x1010] =	vst v2  }
0x121: {  	v1 =	vld [tilespmem:s1+$0x0];
	_ =	sdelay $0x7  }
0x122: {  	v1 =	vld.idx.msk [tilespmem:v1+s28+$0x0], $0xffff;
	_ =	sdelay $0x4  }
0x123: {  	v1 =	vadd.f32 $1.000000020e-16, v1;
	_ =	sdelay $0x1  }
0x124: {  	(erf) = vrcp.f32 v1;
	_ =	sdelay $0x1  }
0x125: {  	v1 =	vld [tilespmem:s16+$0x830];
	_ =	sdelay $0x1  }
0x126: {  	v2 =	vld [tilespmem:s16+$0xC30]  }
0x127: {  	v3 =	vld [tilespmem:s16+$0x1020];
	_ =	sdelay $0x1  }
0x128: {  	v1 =	vmul.u32 $0x2710, v1;
	_ =	sdelay $0x1  }
0x129: {  	v1 =	vadd.s32 v2, v1;
	v2 =	vpop (erf)  }
0x12a: {  	v1 =	vadd.s32 $0xFFFFD8F0, v1;
	v2 =	vmul.f32 v2, v3  }
0x12b: {  	[tilespmem:s16+$0xC30] =	vst v1  }
0x12c: {  	[tilespmem:s16+$0x1020] =	vst v2  }
0x12d: {  	v1 =	vld [tilespmem:s1+$0x10];
	_ =	sdelay $0x7  }
0x12e: {  	v1 =	vld.idx.msk [tilespmem:v1+s28+$0x0], $0xffff;
	_ =	sdelay $0x4  }
0x12f: {  	v1 =	vadd.f32 $1.000000020e-16, v1;
	_ =	sdelay $0x1  }
0x130: {  	(erf) = vrcp.f32 v1;
	_ =	sdelay $0x4  }
0x131: {  	v1 =	vld [tilespmem:s16+$0x1030];
	_ =	sdelay $0x3  }
0x132: {  	v2 =	vpop (erf)  }
0x133: {  	v1 =	vmul.f32 v2, v1;
	_ =	sdelay $0x1  }
0x134: {  	[tilespmem:s16+$0x1030] =	vst v1  }
0x135: {  	[tilespmem:s18], [sflag:$0x1] =	stream.indirect.gather [hbm4b:s20+s0], $0x80, s30, s0, $0xb8;
	[tilespmem:$0x1FC00] =	vst v63  }
0x136: {  	s13 =	simm.s32 $0x0;
	s10 =	simm.s32 $0x0  }
0x137: {  	[tilespmem:s4], [sflag:$0x1] =	stream.indirect.gather [hbm4b:s20+s0], $0x80, s3, s0, $0xb8;
	[tilespmem:$0x1FC00] =	vst v63  }
.LBB2_11:
0x138: {  	p0 =	sgt.u32 s13, $0xD  }
0x139: {  	p1 =	slt.u32 @!p0 s13, $0x2  }
0x13a: {  	p1 =	por p1, p0  }
0x13b: {  	s1 =	simm.s32 @!p1 $0x2  }
0x13c: {  	s2 =	sadd.s32 $0x2, s13;
	s16 =	sshll.u32 s13, $0x6;
	_ =	swait.ge @!p1 [sflag:s1], $0x2000  }
0x13d: {  	s7 =	sshll.u32 @!p0 s2, $0xD;
	s2 =	sshll.u32 @!p0 s2, $0x6;
	[sflag:s1] =	ssyncset.done @!p1 $0x0  }
0x13e: {  	s2 =	sand.u32 @!p0 $0x3FFFFFC0, s2;
	[sflag:s1] =	ssyncadd.s32 @!p1 $0xFFFFE000;
	s1 =	sand.u32 @!p0 $0x6000, s7  }
0x13f: {  	s2 =	sadd.s32 @!p0 $0xC00, s2;
	s7 =	simm.s32 @!p0 $0x40;
	s1 =	sadd.s32 @!p0 $0x3C00, s1  }
0x140: {  	[tilespmem:s1], [sflag:$0x1] =	stream.indirect.gather @!p0 [hbm4b:s20+s7], $0x80, s2, s7, $0xb8;
	[tilespmem:$0x1FC00] =	vst v63  }
0x141: {  	s14 =	sadd.s32 $0x0, s16;
	s7 =	sand.u32 $0x3, s10;
	_ =	swait.ge [sflag:s5], $0x2000  }
0x142: {  	v1 =	vmov s14;
	s1 =	sshll.u32 s7, $0xD;
	[sflag:s5] =	ssyncset.done $0x0  }
0x143: {  	s1 =	sadd.s32 $0x3C40, s1;
	[sflag:s5] =	ssyncadd.s32 $0xFFFFE000  }
0x144: {  	v5 =	vld [tilespmem:s1+$0x30]  }
0x145: {  	v8 =	vld [tilespmem:s1+$0x10]  }
0x146: {  	v6 =	vld [tilespmem:s1+$0xFFFFFFC0]  }
0x147: {  	v2 =	vld.idx.msk [tilespmem:v1+s11+$0x0], $0xffff  }
0x148: {  	v10 =	vld [tilespmem:s1+$0xFFFFFFE0]  }
0x149: {  	v1 =	vld [tilespmem:s1+$0xFFFFFFF0]  }
0x14a: {  	v3 =	vld [tilespmem:s1+$0x20]  }
0x14b: {  	v4 =	vld [tilespmem:s1+$0xFFFFFFD0]  }
0x14c: {  	s31 =	sshll.u32 s13, $0xD;
	v9 =	vmul.f32 v5, v2;
	v5 =	vld [tilespmem:s1+$0x0]  }
0x14d: {  	s2 =	sand.u32 $0x6000, s31;
	v7 =	vmul.f32 v6, v2  }
0x14e: {  	s2 =	sadd.s32 $0x3C00, s2;
	s7 =	simm.s32 $0x1;
	s14 =	smov.u32 s1;
	v6 =	vmul.f32 v10, v2;
	v8 =	vmul.f32 v8, v2  }
.LBB2_12:
0x14f: {  	p0 =	sne.s32 s7, $0x3F  }
0x150: {  	v4 =	vmul.f32 v4, v2;
	v3 =	vmul.f32 v3, v2;
	[tilespmem:s1+$0x30] =	vst v9;
	s14 =	sadd.s32 $0x80, s14;
	s31 =	smov.u32 s7;
	s7 =	sadd.s32 $0x1, s7  }
0x151: {  	[tilespmem:s1+$0xFFFFFFC0] =	vst v7;
	v7 =	vmul.f32 v1, v2;
	v2 =	vmul.f32 v5, v2  }
0x152: {  	s31 =	sadd.s32 s16, s31;
	[tilespmem:s1+$0x10] =	vst v8  }
0x153: {  	v5 =	vmov s31;
	[tilespmem:s1+$0xFFFFFFE0] =	vst v6  }
0x154: {  	v1 =	vld [tilespmem:s14+$0xFFFFFFF0];
	[tilespmem:s1+$0xFFFFFFF0] =	vst v7  }
0x155: {  	v6 =	vld [tilespmem:s14+$0x30];
	[tilespmem:s1+$0x0] =	vst v2  }
0x156: {  	v8 =	vld [tilespmem:s14+$0x10];
	[tilespmem:s1+$0x20] =	vst v3  }
0x157: {  	v7 =	vld [tilespmem:s14+$0xFFFFFFC0];
	[tilespmem:s1+$0xFFFFFFD0] =	vst v4;
	s1 =	smov.u32 s14  }
0x158: {  	v2 =	vld.idx.msk [tilespmem:v5+s11+$0x0], $0xffff  }
0x159: {  	v10 =	vld [tilespmem:s14+$0xFFFFFFE0]  }
0x15a: {  	v3 =	vld [tilespmem:s14+$0x20]  }
.Ltmp4:
0x15b: {  	v4 =	vld [tilespmem:s14+$0xFFFFFFD0];
	(pc) =	sbr.rel @p0 .LBB2_12-.Ltmp4, $3  }
0x15c: {  	v5 =	vld [tilespmem:s14+$0x0];
	_ =	sdelay $0x1  }
0x15d: {  	v7 =	vmul.f32 v7, v2;
	v9 =	vmul.f32 v6, v2  }
0x15e: {  	v8 =	vmul.f32 v8, v2;
	v6 =	vmul.f32 v10, v2  }
0x15f: {  	[tilespmem:s1+$0x30] =	vst v9  }
0x160: {  	[tilespmem:s1+$0xFFFFFFC0] =	vst v7  }
0x161: {  	v1 =	vmul.f32 v1, v2;
	s7 =	sshll.u32 s13, $0x7;
	s13 =	sadd.s32 $0x1, s13;
	[tilespmem:s1+$0x10] =	vst v8  }
0x162: {  	v3 =	vmul.f32 v3, v2;
	[tilespmem:s1+$0xFFFFFFE0] =	vst v6;
	p0 =	sne.s32 s13, $0x10  }
.Ltmp5:
0x163: {  	v5 =	vmul.f32 v5, v2;
	[tilespmem:s1+$0xFFFFFFF0] =	vst v1;
	(pc) =	sbr.rel @p0 .LBB2_11-.Ltmp5, $4  }
0x164: {  	v1 =	vmul.f32 v4, v2;
	[tilespmem:s1+$0x20] =	vst v3  }
0x165: {  	[tilespmem:s1+$0x0] =	vst v5  }
0x166: {  	s10 =	sadd.s32 $0x1, s10;
	s31 =	sand.u32 $0x3FFFFF80, s7;
	[tilespmem:s1+$0xFFFFFFD0] =	vst v1  }
0x167: {  	[spmem:s12] =	stream.indirect.scatter.add.f32 [tilespmem:s2], [sflag:$0x2], $0x80, s31, s0, $0xb8;
	[tilespmem:$0x1FC00] =	vst v63  }
0x168: {  	_ =	swait.ge [sflag:s6], $0x2000  }
0x169: {  	[sflag:s6] =	ssyncset.done $0x0  }
0x16a: {  	[sflag:s6] =	ssyncadd.s32 $0xFFFFE000  }
0x16b: {  	_ =	swait.ge [sflag:s6], $0x2000  }
0x16c: {  	[sflag:s6] =	ssyncset.done $0x0  }
0x16d: {  	s9 =	sadd.s32 $0x1, s9;
	[sflag:s6] =	ssyncadd.s32 $0xFFFFE000  }
0x16e: {  	p0 =	sne.s32 s9, $0xA;
	_ =	swait.ge [sflag:s6], $0x2000  }
.Ltmp6:
0x16f: {  	[sflag:s6] =	ssyncset.done $0x0;
	(pc) =	sbr.rel @p0 .LBB2_8-.Ltmp6, $4  }
0x170: {  	[sflag:s6] =	ssyncadd.s32 $0xFFFFE000  }
0x171: {  	_ =	swait.ge [sflag:s6], $0x2000  }
0x172: {  	[sflag:s6] =	ssyncset.done $0x0  }
0x173: {  	[sflag:s6] =	ssyncadd.s32 $0xFFFFE000  }
0x174: {  	[bflag:$0x0] =	sbarrier.arrive $0xFFFF  }
0x175: {  	s31 =	rddreg [dreg:$0xe]  }
0x176: {  	[tilespmem:s18], [sflag:$0x3] =	stream.linear.gather [spmem:s31], $0x2000, $0x38;
	[tilespmem:$0x1FC00] =	vst v63  }
0x177: {  	_ =	swait.ge [sflag:s24], $0x2000  }
0x178: {  	[sflag:s24] =	ssyncset.done $0x0  }
0x179: {  	s1 =	simm.s32 $0x0;
	s2 =	rddreg [dreg:$0x4];
	[sflag:s24] =	ssyncadd.s32 $0xFFFFE000  }
0x17a: {  	[hbm4b:s2+s1] =	stream.linear.scatter [tilespmem:s18], [sflag:$0x3], $0x2000, $0x38;
	[tilespmem:$0x1FC00] =	vst v63  }
0x17b: {  	_ =	swait.ge [sflag:s24], $0x2000  }
0x17c: {  	[sflag:s24] =	ssyncset.done $0x0  }
0x17d: {  	s8 =	rddreg [dreg:$0x11];
	[sflag:s24] =	ssyncadd.s32 $0xFFFFE000  }
0x17e: {  	[tilespmem:s18], [sflag:$0x3] =	stream.linear.gather [spmem:s8], $0x2000, $0x38;
	[tilespmem:$0x1FC00] =	vst v63  }
0x17f: {  	_ =	swait.ge [sflag:s24], $0x2000  }
0x180: {  	[sflag:s24] =	ssyncset.done $0x0  }
0x181: {  	s9 =	rddreg [dreg:$0x5];
	[sflag:s24] =	ssyncadd.s32 $0xFFFFE000  }
0x182: {  	[hbm4b:s9+s1] =	stream.linear.scatter [tilespmem:s18], [sflag:$0x3], $0x2000, $0x38;
	[tilespmem:$0x1FC00] =	vst v63  }
0x183: {  	_ =	swait.ge [sflag:s24], $0x2000  }
0x184: {  	[sflag:s24] =	ssyncset.done $0x0  }
0x185: {  	s10 =	rddreg [dreg:$0x12];
	[sflag:s24] =	ssyncadd.s32 $0xFFFFE000  }
0x186: {  	[tilespmem:s18], [sflag:$0x3] =	stream.linear.gather [spmem:s10], $0x2000, $0x38;
	[tilespmem:$0x1FC00] =	vst v63  }
0x187: {  	_ =	swait.ge [sflag:s24], $0x2000  }
0x188: {  	[sflag:s24] =	ssyncset.done $0x0  }
0x189: {  	s13 =	rddreg [dreg:$0x6];
	[sflag:s24] =	ssyncadd.s32 $0xFFFFE000  }
0x18a: {  	[hbm4b:s13+s1] =	stream.linear.scatter [tilespmem:s18], [sflag:$0x3], $0x2000, $0x38;
	[tilespmem:$0x1FC00] =	vst v63  }
0x18b: {  	_ =	swait.ge [sflag:s24], $0x2000  }
0x18c: {  	[sflag:s24] =	ssyncset.done $0x0  }
0x18d: {  	s14 =	rddreg [dreg:$0x13];
	[sflag:s24] =	ssyncadd.s32 $0xFFFFE000  }
0x18e: {  	[tilespmem:s18], [sflag:$0x3] =	stream.linear.gather [spmem:s14], $0x2000, $0x38;
	[tilespmem:$0x1FC00] =	vst v63  }
0x18f: {  	_ =	swait.ge [sflag:s24], $0x2000  }
0x190: {  	[sflag:s24] =	ssyncset.done $0x0  }
0x191: {  	s16 =	rddreg [dreg:$0x7];
	[sflag:s24] =	ssyncadd.s32 $0xFFFFE000  }
0x192: {  	[hbm4b:s16+s1] =	stream.linear.scatter [tilespmem:s18], [sflag:$0x3], $0x2000, $0x38;
	[tilespmem:$0x1FC00] =	vst v63  }
0x193: {  	_ =	swait.ge [sflag:s24], $0x2000  }
0x194: {  	[sflag:s24] =	ssyncset.done $0x0  }
0x195: {  	s7 =	rddreg [dreg:$0x14];
	[sflag:s24] =	ssyncadd.s32 $0xFFFFE000  }
0x196: {  	[tilespmem:s18], [sflag:$0x3] =	stream.linear.gather [spmem:s7], $0x2000, $0x38;
	[tilespmem:$0x1FC00] =	vst v63  }
0x197: {  	_ =	swait.ge [sflag:s24], $0x2000  }
0x198: {  	[sflag:s24] =	ssyncset.done $0x0  }
0x199: {  	s8 =	rddreg [dreg:$0x8];
	[sflag:s24] =	ssyncadd.s32 $0xFFFFE000  }
0x19a: {  	[hbm4b:s8+s1] =	stream.linear.scatter [tilespmem:s18], [sflag:$0x3], $0x2000, $0x38;
	[tilespmem:$0x1FC00] =	vst v63  }
0x19b: {  	_ =	swait.ge [sflag:s24], $0x2000  }
0x19c: {  	[sflag:s24] =	ssyncset.done $0x0  }
0x19d: {  	s9 =	rddreg [dreg:$0x15];
	[sflag:s24] =	ssyncadd.s32 $0xFFFFE000  }
0x19e: {  	[tilespmem:s18], [sflag:$0x3] =	stream.linear.gather [spmem:s9], $0x2000, $0x38;
	[tilespmem:$0x1FC00] =	vst v63  }
0x19f: {  	_ =	swait.ge [sflag:s24], $0x2000  }
0x1a0: {  	[sflag:s24] =	ssyncset.done $0x0  }
0x1a1: {  	s10 =	rddreg [dreg:$0x9];
	[sflag:s24] =	ssyncadd.s32 $0xFFFFE000  }
0x1a2: {  	[hbm4b:s10+s1] =	stream.linear.scatter [tilespmem:s18], [sflag:$0x3], $0x2000, $0x38;
	[tilespmem:$0x1FC00] =	vst v63  }
0x1a3: {  	_ =	swait.ge [sflag:s24], $0x2000  }
0x1a4: {  	[sflag:s24] =	ssyncset.done $0x0  }
0x1a5: {  	s13 =	rddreg [dreg:$0x16];
	[sflag:s24] =	ssyncadd.s32 $0xFFFFE000  }
0x1a6: {  	[tilespmem:s18], [sflag:$0x3] =	stream.linear.gather [spmem:s13], $0x2000, $0x38;
	[tilespmem:$0x1FC00] =	vst v63  }
0x1a7: {  	_ =	swait.ge [sflag:s24], $0x2000  }
0x1a8: {  	[sflag:s24] =	ssyncset.done $0x0  }
0x1a9: {  	s14 =	rddreg [dreg:$0xa];
	[sflag:s24] =	ssyncadd.s32 $0xFFFFE000  }
0x1aa: {  	[hbm4b:s14+s1] =	stream.linear.scatter [tilespmem:s18], [sflag:$0x3], $0x2000, $0x38;
	[tilespmem:$0x1FC00] =	vst v63  }
0x1ab: {  	_ =	swait.ge [sflag:s24], $0x2000  }
0x1ac: {  	[sflag:s24] =	ssyncset.done $0x0  }
0x1ad: {  	s16 =	rddreg [dreg:$0x17];
	[sflag:s24] =	ssyncadd.s32 $0xFFFFE000  }
0x1ae: {  	[tilespmem:s18], [sflag:$0x3] =	stream.linear.gather [spmem:s16], $0x2000, $0x38;
	[tilespmem:$0x1FC00] =	vst v63  }
0x1af: {  	_ =	swait.ge [sflag:s24], $0x2000  }
0x1b0: {  	[sflag:s24] =	ssyncset.done $0x0  }
0x1b1: {  	s7 =	rddreg [dreg:$0xb];
	[sflag:s24] =	ssyncadd.s32 $0xFFFFE000  }
0x1b2: {  	[hbm4b:s7+s1] =	stream.linear.scatter [tilespmem:s18], [sflag:$0x3], $0x2000, $0x38;
	[tilespmem:$0x1FC00] =	vst v63  }
0x1b3: {  	_ =	swait.ge [sflag:s24], $0x2000  }
0x1b4: {  	[sflag:s24] =	ssyncset.done $0x0  }
0x1b5: {  	s8 =	rddreg [dreg:$0x18];
	[sflag:s24] =	ssyncadd.s32 $0xFFFFE000  }
0x1b6: {  	[tilespmem:s18], [sflag:$0x3] =	stream.linear.gather [spmem:s8], $0x2000, $0x38;
	[tilespmem:$0x1FC00] =	vst v63  }
0x1b7: {  	_ =	swait.ge [sflag:s24], $0x2000  }
0x1b8: {  	[sflag:s24] =	ssyncset.done $0x0  }
0x1b9: {  	s9 =	rddreg [dreg:$0xc];
	[sflag:s24] =	ssyncadd.s32 $0xFFFFE000  }
0x1ba: {  	[hbm4b:s9+s1] =	stream.linear.scatter [tilespmem:s18], [sflag:$0x3], $0x2000, $0x38;
	[tilespmem:$0x1FC00] =	vst v63  }
0x1bb: {  	_ =	swait.ge [sflag:s24], $0x2000  }
0x1bc: {  	[sflag:s24] =	ssyncset.done $0x0  }
0x1bd: {  	s10 =	rddreg [dreg:$0x19];
	[sflag:s24] =	ssyncadd.s32 $0xFFFFE000  }
0x1be: {  	[tilespmem:s18], [sflag:$0x3] =	stream.linear.gather [spmem:s10], $0x2000, $0x38;
	[tilespmem:$0x1FC00] =	vst v63  }
0x1bf: {  	_ =	swait.ge [sflag:s24], $0x2000  }
0x1c0: {  	[sflag:s24] =	ssyncset.done $0x0  }
0x1c1: {  	s13 =	rddreg [dreg:$0xd];
	[sflag:s24] =	ssyncadd.s32 $0xFFFFE000  }
0x1c2: {  	[hbm4b:s13+s1] =	stream.linear.scatter [tilespmem:s18], [sflag:$0x3], $0x2000, $0x38;
	[tilespmem:$0x1FC00] =	vst v63  }
0x1c3: {  	_ =	swait.ge [sflag:s24], $0x2000  }
0x1c4: {  	s14 =	sld [smem:$0x7FA];
	_ =	sdelay $0x2  }
0x1c5: {  	s16 =	rddreg [dreg:$0x10];
	s2 =	sadd.s32 $0x1, s14  }
0x1c6: {  	p0 =	sne.s32 s2, s16  }
.Ltmp7:
0x1c7: {  	_ = 	snop;
	(pc) =	sbr.rel @p0 .LBB2_1-.Ltmp7, $3  }
0x1c8: {  	_ =	sdelay $0x1  }
0x1c9: {  	[sflag:s24] =	ssyncset.done $0x0  }
0x1ca: {  	[sflag:s24] =	ssyncadd.s32 $0xFFFFE000  }
0x1cb: {  	_ =	sfence.sel $0x180000  }
0x1cc: {  	[bflag:$0x0] =	sbarrier.arrive $0xFFFF  }
0x1cd: {  	_ =	strace $0x9000004A  }
0x1ce: {  	s0 =	stileid.u32;
	[bflag:$0x2] =	sbarrier.arrive $0xFFFF  }
0x1cf: {  	p0 =	sne.s32 s0, $0x0;
	s0 =	rddreg [dreg:$0x3]  }
0x1d0: {  	s0 =	sadd.s32 @!p0 $0x100000, s0  }
0x1d1: {  	[sflag:s0] =	ssyncadd.tile.s32 @!p0 $0x1;
	_ =	shalt  }
.Lfunc_end2:
_tile_overlayer_lowered:
.L_overlay_start_2:
0x1d2: {  	(tag) =	ssettag $0x2  }
0x1d3: {  	s0 =	rddreg [dreg:$0x0];
	s2 =	stileid.u32  }
0x1d4: {  	s1 =	rddreg [dreg:$0x1];
	p0 =	sne.s32 s2, $0x0  }
0x1d5: {  	s3 =	rddreg [dreg:$0x2];
	[bflag:$0x3] =	sbarrier.arrive $0xFFFF;
	s2 =	simm.s32 @!p0 $0x1C03  }
0x1d6: {  	[timem:s3], [sflag:s2] =	dma.local @!p0 [hbm:s0], s1  }
0x1d7: {  	s0 =	simm.s32 @!p0 $0x3  }
0x1d8: {  	_ =	swait.ge @!p0 [sflag:s0], s1  }
0x1d9: {  	s1 =	ssub.s32 @!p0 $0x0, s1;
	[sflag:s0] =	ssyncset.done @!p0 $0x0  }
0x1da: {  	[sflag:s0] =	ssyncadd.s32 @!p0 s1  }
0x1db: {  	[bflag:$0x3] =	sbarrier.arrive $0xFFFF  }
0x1dc: {  	_ =	shalt  }

// kernel: kernel.7.cloned.1.call-start
scs
__scs_entry_jumppad:
0x0: {  	(pc) =	sbr.rel $0x88, $3  }
0x1: {  	(tag) =	ssettag $0x0;
	lr =	simm.s32 $0x1  }
0x2: {  	[smem:$0x3F9B] =	sst lr;
	_ =	strace $0xD0000000  }
0x3: {  	_ = 	snop  }
0x4: {  	_ = 	snop  }
0x5: {  	_ = 	snop  }
0x6: {  	_ = 	snop  }
0x7: {  	_ = 	snop  }
__scs_overlays_trampoline_lowered:
0x8: {  	[smem:$0x3FAA] =	sst s0  }
0x9: {  	[smem:$0x3FAB] =	sst s1  }
0xa: {  	[smem:$0x3FAC] =	sst s2  }
0xb: {  	[smem:$0x3FAD] =	sst s3  }
0xc: {  	[smem:$0x3FAE] =	sst s4  }
0xd: {  	[smem:$0x3FAF] =	sst s5  }
0xe: {  	[smem:$0x3FB0] =	sst s6  }
0xf: {  	[smem:$0x3FB1] =	sst s7  }
0x10: {  	[smem:$0x3FB2] =	sst s8  }
0x11: {  	[smem:$0x3FB3] =	sst s9;
	s0 =	simm.s32 @!p0 $0x0  }
0x12: {  	s1 =	sld [smem:$0x3F99];
	s0 =	simm.s32 @p0 $0x1  }
0x13: {  	[smem:$0x3FB4] =	sst s0;
	s0 =	simm.s32 @!p1 $0x0  }
0x14: {  	s2 =	sld [smem:$0x3F98];
	s0 =	simm.s32 @p1 $0x1  }
0x15: {  	[smem:$0x3FB5] =	sst s0;
	s0 =	simm.s32 @!p2 $0x0  }
0x16: {  	s3 =	sld [smem:$0x3FDB];
	s0 =	simm.s32 @p2 $0x1  }
0x17: {  	s4 =	simm.s32 $0x1BF5;
	[smem:$0x3FB7] =	sst s0  }
0x18: {  	s0 =	sld [smem:$0x3F9A];
	_ =	swait.ge [sflag:s4], $0x0  }
0x19: {  	s7 =	sld [smem:$0x3F9B]  }
0x1a: {  	s8 =	sadd.s32 $0xFFFFE003, lr  }
0x1b: {  	s9 =	sadd.s32 $0xFFFFFEF7, lr;
	s5 =	simm.s32 $0xFFFFFFFF;
	p2 =	slt.u32 s8, $0xFFFFF086  }
0x1c: {  	p1 =	slt.u32 s9, $0xF7A;
	s5 =	simm.s32 @!p2 $0x0  }
0x1d: {  	s5 =	simm.s32 @p1 $0x1;
	p0 =	seq.s32 s7, s2  }
0x1e: {  	s7 =	smul.u32 @!p0 $0xF7A, s2;
	p2 =	seq.s32 @!p0 s5, $0x0  }
0x1f: {  	s9 =	smul.u32 $0xF7A, s1;
	s8 =	simm.s32 @!p0 $0x1BF5;
	p2 =	por !p2, p0  }
0x20: {  	[sflag:s8] =	ssyncset.s32 @!p0 $0xFFFFF086;
	s6 =	sadd.s32 @!p0 s3, s7;
	s7 =	simm.s32 @!p0 $0x108  }
0x21: {  	s3 =	sadd.s32 s3, s9;
	s6 =	sadd.s32 @!p0 $0x88, s6;
	s7 =	simm.s32 @p2 $0x1082  }
0x22: {  	[simem:s7], [sflag:s8] =	dma.local @!p0 [hbm:s6], $0xF7A  }
0x23: {  	s9 =	sor.u32 $0xD0000000, s2;
	s6 =	simm.s32 $0x108;
	_ =	swait.ge @!p0 [sflag:s8], $0x0  }
0x24: {  	s3 =	sadd.s32 $0x88, s3;
	s6 =	simm.s32 @!p1 $0x1082;
	[sflag:s4] =	ssyncset.s32 $0xFFFFF086  }
0x25: {  	[simem:s6], [sflag:s4] =	dma.local [hbm:s3], $0xF7A  }
0x26: {  	[smem:$0x3F9B] =	sst s1;
	(tag) =	ssettag s2;
	_ =	strace s9  }
0x27: {  	s1 =	sld [smem:$0x3FAB]  }
0x28: {  	s2 =	sld [smem:$0x3FAC]  }
0x29: {  	s4 =	sld [smem:$0x3FAE]  }
0x2a: {  	p0 =	seq.s32 s5, $0x0;
	s5 =	sld [smem:$0x3FAF]  }
0x2b: {  	s6 =	sld [smem:$0x3FB0]  }
0x2c: {  	s7 =	sld [smem:$0x3FB1]  }
0x2d: {  	s3 =	simm.s32 $0x108;
	s8 =	sld [smem:$0x3FB2]  }
0x2e: {  	s3 =	simm.s32 @!p0 $0x1082;
	s9 =	sld [smem:$0x3FB3]  }
0x2f: {  	lr =	sadd.s32 s0, s3;
	s0 =	sld [smem:$0x3FAA]  }
0x30: {  	s3 =	sld [smem:$0x3FAD]  }
0x31: {  	[smem:$0x3FB6] =	sst s10  }
0x32: {  	s10 =	sld [smem:$0x3FB4];
	_ =	sdelay $0x3  }
0x33: {  	p0 =	seq.s32 s10, $0x1;
	s10 =	sld [smem:$0x3FB6];
	_ =	sdelay $0x3  }
0x34: {  	[smem:$0x3FB6] =	sst s10  }
0x35: {  	s10 =	sld [smem:$0x3FB5];
	_ =	sdelay $0x3  }
0x36: {  	p1 =	seq.s32 s10, $0x1;
	s10 =	sld [smem:$0x3FB6];
	_ =	sdelay $0x3  }
0x37: {  	[smem:$0x3FB6] =	sst s10  }
0x38: {  	s10 =	sld [smem:$0x3FB7]  }
0x39: {  	_ = 	snop;
	(pc) =	sbr.ind lr, $3  }
0x3a: {  	_ = 	snop  }
0x3b: {  	_ = 	snop  }
0x3c: {  	p2 =	seq.s32 s10, $0x1;
	s10 =	sld [smem:$0x3FB6]  }
0x3d: {  	_ =	shalt  }
0x3e: {  	_ =	shalt  }
0x3f: {  	_ =	shalt  }
0x40: {  	_ =	shalt  }
0x41: {  	_ =	shalt  }
0x42: {  	_ =	shalt  }
0x43: {  	_ =	shalt  }
0x44: {  	_ =	shalt  }
0x45: {  	_ =	shalt  }
0x46: {  	_ =	shalt  }
0x47: {  	_ =	shalt  }
0x48: {  	_ =	shalt  }
0x49: {  	_ =	shalt  }
0x4a: {  	_ =	shalt  }
0x4b: {  	_ =	shalt  }
0x4c: {  	_ =	shalt  }
0x4d: {  	_ =	shalt  }
0x4e: {  	_ =	shalt  }
0x4f: {  	_ =	shalt  }
0x50: {  	_ =	shalt  }
0x51: {  	_ =	shalt  }
0x52: {  	_ =	shalt  }
0x53: {  	_ =	shalt  }
0x54: {  	_ =	shalt  }
0x55: {  	_ =	shalt  }
0x56: {  	_ =	shalt  }
0x57: {  	_ =	shalt  }
0x58: {  	_ =	shalt  }
0x59: {  	_ =	shalt  }
0x5a: {  	_ =	shalt  }
0x5b: {  	_ =	shalt  }
0x5c: {  	_ =	shalt  }
0x5d: {  	_ =	shalt  }
0x5e: {  	_ =	shalt  }
0x5f: {  	_ =	shalt  }
0x60: {  	_ =	shalt  }
0x61: {  	_ =	shalt  }
0x62: {  	_ =	shalt  }
0x63: {  	_ =	shalt  }
0x64: {  	_ =	shalt  }
0x65: {  	_ =	shalt  }
0x66: {  	_ =	shalt  }
0x67: {  	_ =	shalt  }
0x68: {  	_ =	shalt  }
0x69: {  	_ =	shalt  }
0x6a: {  	_ =	shalt  }
0x6b: {  	_ =	shalt  }
0x6c: {  	_ =	shalt  }
0x6d: {  	_ =	shalt  }
0x6e: {  	_ =	shalt  }
0x6f: {  	_ =	shalt  }
0x70: {  	_ =	shalt  }
0x71: {  	_ =	shalt  }
0x72: {  	_ =	shalt  }
0x73: {  	_ =	shalt  }
0x74: {  	_ =	shalt  }
0x75: {  	_ =	shalt  }
0x76: {  	_ =	shalt  }
0x77: {  	_ =	shalt  }
0x78: {  	_ =	shalt  }
0x79: {  	_ =	shalt  }
0x7a: {  	_ =	shalt  }
0x7b: {  	_ =	shalt  }
0x7c: {  	_ =	shalt  }
0x7d: {  	_ =	shalt  }
0x7e: {  	_ =	shalt  }
0x7f: {  	_ =	shalt  }
0x80: {  	_ =	shalt  }
0x81: {  	_ =	shalt  }
0x82: {  	_ =	shalt  }
0x83: {  	_ =	shalt  }
0x84: {  	_ =	shalt  }
0x85: {  	_ =	shalt  }
0x86: {  	_ =	shalt  }
0x87: {  	_ =	shalt  }
.Lfunc_end0:
.L_simem_size_0:
called_computation_lowered:
.L_overlay_start_0:
0x88: {  	s2 =	sld [smem:$0x3FD9]  }
0x89: {  	s3 =	sld [smem:$0x3FFE];
	_ =	sdelay $0x1  }
0x8a: {  	s1 =	srdreg.scid  }
0x8b: {  	s0 =	sand.u32 $0x1, s1  }
0x8c: {  	s14 =	sshll.u32 s0, $0xA;
	s2 =	sadd.s32 s3, s2  }
0x8d: {  	s2 =	sadd.s32 s2, s14  }
0x8e: {  	[smem:$0x3FC2] =	sst s2  }
0x8f: {  	_ = 	snop  }
0x90: {  	s2 =	sld [smem:$0x3FD0];
	_ =	sdelay $0x2  }
0x91: {  	s15 =	simm.s32 $0xA;
	s4 =	simm.s32 $0x10  }
0x92: {  	[smem:s4], [sflag:s15] =	dma.local [hbm:s2], $0x1  }
0x93: {  	_ =	swait.eq [sflag:s15], $0x1  }
0x94: {  	[sflag:s15] =	ssyncset.done $0x0  }
0x95: {  	[sflag:s15] =	ssyncadd.s32 $0xFFFFFFFF  }
0x96: {  	s16 =	sld [smem:$0x11];
	(tm) =	ssettm $0x1  }
0x97: {  	s17 =	sld [smem:$0x3FFB];
	_ =	sdelay $0x3  }
0x98: {  	_ =	strace s17  }
0x99: {  	s3 =	sld [smem:$0x3FFC];
	_ =	sdelay $0x3  }
0x9a: {  	_ =	strace s3  }
0x9b: {  	s3 =	sld [smem:$0x3FFD];
	_ =	sdelay $0x3  }
0x9c: {  	_ =	strace s3  }
0x9d: {  	_ =	strace $0x8FFFFFFF  }
0x9e: {  	s18 =	sld [smem:$0x3FDB];
	_ =	sdelay $0x1  }
0x9f: {  	s19 =	simm.s32 $_scs_section_size  }
0xa0: {  	s5 =	simm.s32 $_size__tile_overlayer_lowered;
	s6 =	simm.s32 $_tile_overlayer_lowered  }
0xa1: {  	s22 =	simm.s32 $0x1BFF;
	s21 =	sshll.u32 s6, $0x1;
	s3 =	sadd.s32 s19, s18  }
0xa2: {  	s7 =	simm.s32 $0x0;
	s20 =	sshll.u32 s5, $0x1;
	s5 =	sadd.s32 s21, s3  }
0xa3: {  	[timem:s7], [sflag:s22] =	dma.local [hbm:s5], s20  }
0xa4: {  	_ =	swait.ge [sflag:s22], s20  }
0xa5: {  	s4 =	ssub.s32 $0x0, s20;
	[sflag:s22] =	ssyncset.done $0x0  }
0xa6: {  	[sflag:s22] =	ssyncadd.s32 s4;
	_ =	sdelay $0x1  }
0xa7: {  	s23 =	simm.s32 $0x1B8B  }
0xa8: {  	_ =	swait.ge [sflag:s23], $0x1  }
0xa9: {  	[sflag:s23] =	ssyncset.done $0x0  }
0xaa: {  	s25 =	simm.s32 $0x1B8E;
	s24 =	sld [smem:$0x3FFE];
	[sflag:s23] =	ssyncadd.s32 $0xFFFFFFFF  }
0xab: {  	s26 =	simm.s32 $execute0_lowered;
	[smem:$0x3FD2] =	sst s25  }
0xac: {  	s5 =	sshll.u32 s26, $0x1;
	_ =	strace $0x80000046;
	[dreg:$0x1] =	wrdreg $0xFFFFFFFF  }
0xad: {  	s28 =	simm.s32 $_size_execute0_lowered;
	s3 =	sadd.s32 s3, s5;
	[dreg:$0x0] =	wrdreg $0x0  }
0xae: {  	s5 =	sshll.u32 s28, $0x1;
	[dreg:$0x2] =	wrdreg s3  }
0xaf: {  	[dreg:$0x3] =	wrdreg s5  }
0xb0: {  	[dreg:$0x4] =	wrdreg $0xC0  }
0xb1: {  	_ =	task [dreg:s7], $0x5FFFF  }
0xb2: {  	[dreg:$0x1] =	wrdreg $0xFFFFFFFF  }
0xb3: {  	[dreg:$0x0] =	wrdreg $0x60  }
0xb4: {  	[dreg:$0x2] =	wrdreg s16  }
0xb5: {  	[dreg:$0x3] =	wrdreg s24  }
0xb6: {  	[dreg:$0x4] =	wrdreg $0x11A800  }
0xb7: {  	[dreg:$0x5] =	wrdreg $0x9  }
0xb8: {  	_ =	task.clear_ibuf [dreg:s7], $0x6FFFF;
	_ =	strace $0x90000046  }
0xb9: {  	s29 =	simm.s32 $0x9;
	_ =	strace $0x80000048  }
0xba: {  	_ =	swait.ge [sflag:s29], $0x1  }
0xbb: {  	[sflag:s29] =	ssyncadd.s32 $0xFFFFFFFF  }
0xbc: {  	_ =	strace $0x90000048  }
0xbd: {  	_ =	sfence  }
0xbe: {  	s30 =	sld [smem:$0x0];
	_ =	sdelay $0x2  }
0xbf: {  	s31 =	sshll.u32 s1, $0xD;
	s1 =	sshrl.u32 s1, $0x2  }
0xc0: {  	s3 =	sand.u32 $0x4000, s31;
	s1 =	sadd.s32 s1, s30  }
0xc1: {  	s0 =	sor.u32 s3, s0;
	s1 =	sshll.u32 s1, $0x11  }
0xc2: {  	s0 =	sor.u32 s1, s0  }
0xc3: {  	s0 =	sadd.s32 $0x8F2B, s0  }
0xc4: {  	[sflag:s0] =	ssyncadd.remote.s32 $0x1  }
0xc5: {  	_ =	sfence.sel $0xFFFF  }
0xc6: {  	[dreg:$0x0] =	wrdreg $0xFFFFFFFF;
	(pc) =	sbr.abs _section_cstart, $3  }
0xc7: {  	[dreg:$0x1] =	wrdreg $0xFFFFFFFF  }
0xc8: {  	_ =	task.clear_ibuf [dreg:s7], $0x2FFFF;
	_ =	strace $0x9FFFFFFF  }
0xc9: {  	(tm) =	ssettm $0x7FFFFFFF  }
tec
execute0_lowered:
.L_overlay_start_1:
0x0: {  	(tag) =	ssettag $0x1  }
0x1: {  	s6 =	rddreg [dreg:$0x0]  }
0x2: {  	s5 =	rddreg [dreg:$0x1]  }
0x3: {  	s2 =	rddreg [dreg:$0x2]  }
0x4: {  	s0 =	rddreg [dreg:$0x3]  }
0x5: {  	s4 =	srdreg.scid;
	s1 =	stileid.u32  }
0x6: {  	s3 =	simm.s32 $0x0;
	s14 =	simm.s32 $0x2800;
	s15 =	simm.s32 $0x5000  }
0x7: {  	s16 =	simm.s32 $0x80;
	s17 =	simm.s32 $0x1;
	s18 =	simm.s32 $0xC800  }
0x8: {  	s19 =	simm.s32 $0x2;
	s20 =	simm.s32 $0x100;
	s21 =	simm.s32 $0x0  }
0x9: {  	s7 =	sand.u32 $0x1, s4;
	s28 =	sshll.u32 s1, $0x1;
	s8 =	smul.u32 $0x500, s1  }
0xa: {  	[smem:$0x7FF] =	sst s3;
	s29 =	smul.u32 $0xA00, s1;
	s4 =	sor.u32 s7, s28  }
0xb: {  	_ =	strace $0x80000047;
	s10 =	sshll.u32 s7, $0x7;
	s7 =	ssub.s32 $0x2, s7  }
0xc: {  	s9 =	smul.u32 $0x500, s4;
	s4 =	sadd.s32 $0x260200, s5;
	s8 =	sor.u32 s10, s8  }
0xd: {  	s30 =	sshrl.u32 s7, $0x1;
	s31 =	sshrl.u32 s29, $0x2;
	s8 =	sshrl.u32 s8, $0x3  }
0xe: {  	s13 =	ssub.s32 s7, s30;
	s11 =	sadd.s32 s9, s5;
	s12 =	sadd.s32 s8, s5  }
0xf: {  	s5 =	sadd.s32 s31, s2;
	s7 =	sadd.s32 $0xC000, s11;
	s8 =	sadd.s32 $0x2000, s11  }
0x10: {  	s6 =	sadd.s32 s6, s9;
	s9 =	sadd.s32 $0x265200, s11;
	s10 =	sadd.s32 $0x26F200, s12  }
0x11: {  	v0 =	vimm.f32 $0.0e+00;
	s11 =	smax.u32 s13, $0x1;
	s12 =	simm.s32 $0x11800;
	s13 =	simm.s32 $0x3  }
.LBB2_1:
0x12: {  	[tilespmem:$0x11800] =	vst v0  }
0x13: {  	[tilespmem:$0x11810] =	vst v0  }
0x14: {  	[tilespmem:$0x11820] =	vst v0  }
0x15: {  	[tilespmem:$0x11830] =	vst v0  }
0x16: {  	[tilespmem:$0x11840] =	vst v0  }
0x17: {  	[tilespmem:$0x11850] =	vst v0  }
0x18: {  	[tilespmem:$0x11860] =	vst v0  }
0x19: {  	[tilespmem:$0x11870] =	vst v0  }
0x1a: {  	[tilespmem:$0x11880] =	vst v0  }
0x1b: {  	[tilespmem:$0x11890] =	vst v0  }
0x1c: {  	[tilespmem:$0x118A0] =	vst v0  }
0x1d: {  	[tilespmem:$0x118B0] =	vst v0  }
0x1e: {  	[tilespmem:$0x118C0] =	vst v0  }
0x1f: {  	[tilespmem:$0x118D0] =	vst v0  }
0x20: {  	[tilespmem:$0x118E0] =	vst v0  }
0x21: {  	[tilespmem:$0x118F0] =	vst v0  }
0x22: {  	[tilespmem:$0x11900] =	vst v0  }
0x23: {  	[tilespmem:$0x11910] =	vst v0  }
0x24: {  	[tilespmem:$0x11920] =	vst v0  }
0x25: {  	[tilespmem:$0x11930] =	vst v0  }
0x26: {  	[tilespmem:$0x11940] =	vst v0  }
0x27: {  	[tilespmem:$0x11950] =	vst v0  }
0x28: {  	[tilespmem:$0x11960] =	vst v0  }
0x29: {  	[tilespmem:$0x11970] =	vst v0  }
0x2a: {  	[tilespmem:$0x11980] =	vst v0  }
0x2b: {  	[tilespmem:$0x11990] =	vst v0  }
0x2c: {  	[tilespmem:$0x119A0] =	vst v0  }
0x2d: {  	[tilespmem:$0x119B0] =	vst v0  }
0x2e: {  	[tilespmem:$0x119C0] =	vst v0  }
0x2f: {  	[tilespmem:$0x119D0] =	vst v0  }
0x30: {  	[tilespmem:$0x119E0] =	vst v0  }
0x31: {  	[tilespmem:$0x119F0] =	vst v0  }
0x32: {  	[tilespmem:$0x11A00] =	vst v0  }
0x33: {  	[tilespmem:$0x11A10] =	vst v0  }
0x34: {  	[tilespmem:$0x11A20] =	vst v0  }
0x35: {  	[tilespmem:$0x11A30] =	vst v0  }
0x36: {  	[tilespmem:$0x11A40] =	vst v0  }
0x37: {  	[tilespmem:$0x11A50] =	vst v0  }
0x38: {  	[tilespmem:$0x11A60] =	vst v0  }
0x39: {  	[tilespmem:$0x11A70] =	vst v0  }
0x3a: {  	[spmem:s5] =	stream.linear.scatter [tilespmem:s12], [sflag:$0x3], $0x280, $0x38;
	[tilespmem:$0x11D00] =	vst v63  }
0x3b: {  	_ =	swait.ge [sflag:s13], $0x280  }
0x3c: {  	[sflag:s13] =	ssyncset.done $0x0  }
0x3d: {  	[sflag:s13] =	ssyncadd.s32 $0xFFFFFD80  }
0x3e: {  	[bflag:$0x0] =	sbarrier.arrive $0xFFFF  }
0x3f: {  	[tilespmem:s3], [sflag:$0x3] =	stream.linear.gather [hbm4b:s6+s3], $0x2800, $0x38;
	[tilespmem:$0x11D00] =	vst v63  }
0x40: {  	_ =	swait.ge [sflag:s13], $0x2800  }
0x41: {  	[sflag:s13] =	ssyncset.done $0x0  }
0x42: {  	[sflag:s13] =	ssyncadd.s32 $0xFFFFD800  }
0x43: {  	[tilespmem:s14], [sflag:$0x3] =	stream.linear.gather [hbm4b:s7+s3], $0x2800, $0x38;
	[tilespmem:$0x11D00] =	vst v63  }
0x44: {  	_ =	swait.ge [sflag:s13], $0x2800  }
0x45: {  	[sflag:s13] =	ssyncset.done $0x0  }
0x46: {  	[sflag:s13] =	ssyncadd.s32 $0xFFFFD800  }
0x47: {  	[tilespmem:s15], [sflag:$0x3] =	stream.linear.gather [hbm4b:s8+s3], $0x2800, $0x38;
	[tilespmem:$0x11D00] =	vst v63  }
0x48: {  	_ =	swait.ge [sflag:s13], $0x2800  }
0x49: {  	[sflag:s13] =	ssyncset.done $0x0  }
0x4a: {  	s22 =	simm.s32 $0x0;
	[sflag:s13] =	ssyncadd.s32 $0xFFFFD800  }
0x4b: {  	v1 =	vld [tilespmem:s22+$0x5070]  }
0x4c: {  	v2 =	vld [tilespmem:s22+$0x2870]  }
0x4d: {  	v3 =	vld [tilespmem:s22+$0x5000]  }
0x4e: {  	v4 =	vld [tilespmem:s22+$0x0]  }
0x4f: {  	v5 =	vld [tilespmem:s22+$0x2800]  }
0x50: {  	v6 =	vld [tilespmem:s22+$0x5010]  }
0x51: {  	v7 =	vld [tilespmem:s22+$0x10]  }
0x52: {  	v8 =	vld [tilespmem:s22+$0x2810];
	v1 =	vadd.s32 $0xFFFFFFFF, v1;
	v2 =	vshll.u32 v2, $0x4  }
0x53: {  	v9 =	vld [tilespmem:s22+$0x5020];
	v3 =	vadd.s32 $0xFFFFFFFF, v3;
	v4 =	vshll.u32 v4, $0x4;
	v2 =	vadd.s32 v1, v2  }
0x54: {  	v5 =	vshll.u32 v5, $0x4;
	[tilespmem:s22+$0xA070] =	vst v2;
	v2 =	vadd.s32 v3, v4;
	v4 =	vld [tilespmem:s22+$0x20]  }
0x55: {  	[tilespmem:s22+$0x7800] =	vst v2;
	v2 =	vadd.s32 v3, v5;
	v3 =	vld [tilespmem:s22+$0x2820]  }
0x56: {  	v5 =	vshll.u32 v7, $0x4;
	v7 =	vld [tilespmem:s22+$0x30];
	[tilespmem:s22+$0xA000] =	vst v2;
	v2 =	vadd.s32 $0xFFFFFFFF, v6  }
0x57: {  	v6 =	vld [tilespmem:s22+$0x5030];
	v5 =	vadd.s32 v2, v5  }
0x58: {  	v8 =	vshll.u32 v8, $0x4;
	[tilespmem:s22+$0x7810] =	vst v5;
	v5 =	vld [tilespmem:s22+$0x2830]  }
0x59: {  	v2 =	vadd.s32 v2, v8;
	v8 =	vld [tilespmem:s22+$0x5040]  }
0x5a: {  	[tilespmem:s22+$0xA010] =	vst v2;
	v2 =	vadd.s32 $0xFFFFFFFF, v9;
	v9 =	vld [tilespmem:s22+$0x40];
	v4 =	vshll.u32 v4, $0x4;
	v3 =	vshll.u32 v3, $0x4  }
0x5b: {  	v10 =	vld [tilespmem:s22+$0x2840];
	v4 =	vadd.s32 v2, v4;
	v2 =	vadd.s32 v2, v3  }
0x5c: {  	v11 =	vld [tilespmem:s22+$0x50];
	v3 =	vshll.u32 v7, $0x4;
	[tilespmem:s22+$0xA020] =	vst v2;
	v2 =	vadd.s32 $0xFFFFFFFF, v6  }
0x5d: {  	[tilespmem:s22+$0x7820] =	vst v4;
	v6 =	vld [tilespmem:s22+$0x5050];
	v3 =	vadd.s32 v2, v3;
	v4 =	vshll.u32 v5, $0x4  }
0x5e: {  	v12 =	vld [tilespmem:s22+$0x2850];
	[tilespmem:s22+$0x7830] =	vst v3;
	v2 =	vadd.s32 v2, v4  }
0x5f: {  	v4 =	vshll.u32 v9, $0x4;
	v3 =	vld [tilespmem:s22+$0x5060];
	[tilespmem:s22+$0xA030] =	vst v2;
	v2 =	vadd.s32 $0xFFFFFFFF, v8  }
0x60: {  	v7 =	vshll.u32 v10, $0x4;
	v5 =	vadd.s32 v2, v4;
	v4 =	vld [tilespmem:s22+$0x60]  }
0x61: {  	v2 =	vadd.s32 v2, v7;
	[tilespmem:s22+$0x7840] =	vst v5;
	v5 =	vld [tilespmem:s22+$0x2860]  }
0x62: {  	s23 =	simm.s32 $0x80;
	v8 =	vshll.u32 v11, $0x4;
	[tilespmem:s22+$0xA040] =	vst v2;
	v7 =	vadd.s32 $0xFFFFFFFF, v6;
	v6 =	vld [tilespmem:s22+$0x70]  }
0x63: {  	s24 =	simm.s32 $0x400;
	v9 =	vshll.u32 v12, $0x4;
	v2 =	vld [tilespmem:s23+$0x5070];
	v8 =	vadd.s32 v7, v8  }
.LBB2_2:
0x64: {  	p0 =	sne.s32 s24, $0x9E00;
	v10 =	vld [tilespmem:s23+$0x2870];
	[tilespmem:s22+$0x7850] =	vst v8;
	v7 =	vadd.s32 v7, v9;
	v3 =	vadd.s32 $0xFFFFFFFF, v3  }
0x65: {  	v8 =	vld [tilespmem:s23+$0x5000];
	[tilespmem:s22+$0xA050] =	vst v7;
	v4 =	vshll.u32 v4, $0x4  }
0x66: {  	v7 =	vld [tilespmem:s23+$0x0];
	v4 =	vadd.s32 v3, v4;
	v5 =	vshll.u32 v5, $0x4  }
0x67: {  	v9 =	vld [tilespmem:s23+$0x2800];
	[tilespmem:s22+$0x7860] =	vst v4;
	v3 =	vadd.s32 v3, v5;
	v4 =	vshll.u32 v6, $0x4  }
0x68: {  	v5 =	vld [tilespmem:s23+$0x5010];
	[tilespmem:s22+$0xA060] =	vst v3;
	v3 =	vadd.s32 v1, v4  }
0x69: {  	v1 =	vadd.s32 $0xFFFFFFFF, v2;
	v4 =	vld [tilespmem:s23+$0x10];
	v2 =	vshll.u32 v10, $0x4;
	[tilespmem:s22+$0x7870] =	vst v3;
	s22 =	smov.u32 s23  }
0x6a: {  	v3 =	vadd.s32 $0xFFFFFFFF, v8;
	v6 =	vld [tilespmem:s22+$0x2810];
	v2 =	vadd.s32 v1, v2  }
0x6b: {  	v7 =	vshll.u32 v7, $0x4;
	v8 =	vld [tilespmem:s22+$0x5020];
	[tilespmem:s22+$0xA070] =	vst v2  }
0x6c: {  	v2 =	vadd.s32 v3, v7;
	v7 =	vshll.u32 v9, $0x4;
	v9 =	vld [tilespmem:s22+$0x20]  }
0x6d: {  	[tilespmem:s22+$0x7800] =	vst v2;
	v2 =	vadd.s32 v3, v7;
	v3 =	vadd.s32 $0xFFFFFFFF, v5;
	v5 =	vld [tilespmem:s22+$0x2820]  }
0x6e: {  	[tilespmem:s22+$0xA000] =	vst v2;
	v2 =	vshll.u32 v4, $0x4;
	v4 =	vld [tilespmem:s22+$0x5030]  }
0x6f: {  	v2 =	vadd.s32 v3, v2;
	v6 =	vshll.u32 v6, $0x4;
	v7 =	vld [tilespmem:s22+$0x30]  }
0x70: {  	[tilespmem:s22+$0x7810] =	vst v2;
	v2 =	vadd.s32 v3, v6;
	v3 =	vadd.s32 $0xFFFFFFFF, v8;
	v6 =	vld [tilespmem:s22+$0x2830]  }
0x71: {  	[tilespmem:s22+$0xA010] =	vst v2;
	v2 =	vshll.u32 v9, $0x4;
	v8 =	vld [tilespmem:s22+$0x5040]  }
0x72: {  	v2 =	vadd.s32 v3, v2;
	v5 =	vshll.u32 v5, $0x4;
	v9 =	vld [tilespmem:s22+$0x40]  }
0x73: {  	[tilespmem:s22+$0x7820] =	vst v2;
	v2 =	vadd.s32 v3, v5;
	v3 =	vadd.s32 $0xFFFFFFFF, v4;
	v4 =	vld [tilespmem:s22+$0x2840]  }
0x74: {  	[tilespmem:s22+$0xA020] =	vst v2;
	v2 =	vshll.u32 v7, $0x4;
	v5 =	vld [tilespmem:s22+$0x5050]  }
0x75: {  	v2 =	vadd.s32 v3, v2;
	v6 =	vshll.u32 v6, $0x4;
	v10 =	vld [tilespmem:s22+$0x50]  }
0x76: {  	[tilespmem:s22+$0x7830] =	vst v2;
	v2 =	vadd.s32 v3, v6;
	v6 =	vadd.s32 $0xFFFFFFFF, v8;
	v11 =	vld [tilespmem:s22+$0x2850]  }
.Ltmp0:
0x77: {  	[tilespmem:s22+$0xA030] =	vst v2;
	v2 =	vshll.u32 v9, $0x4;
	v3 =	vld [tilespmem:s22+$0x5060];
	(pc) =	sbr.rel @p0 .LBB2_2-.Ltmp0, $4  }
0x78: {  	v2 =	vadd.s32 v6, v2;
	v7 =	vshll.u32 v4, $0x4;
	v4 =	vld [tilespmem:s22+$0x60]  }
0x79: {  	[tilespmem:s22+$0x7840] =	vst v2;
	v2 =	vadd.s32 v6, v7;
	v7 =	vadd.s32 $0xFFFFFFFF, v5;
	v5 =	vld [tilespmem:s22+$0x2860]  }
0x7a: {  	s23 =	sshra.s32 s24, $0x2;
	[tilespmem:s22+$0xA040] =	vst v2;
	v8 =	vshll.u32 v10, $0x4;
	v6 =	vld [tilespmem:s22+$0x70]  }
0x7b: {  	s24 =	sadd.s32 $0x200, s24;
	v2 =	vld [tilespmem:s23+$0x5070];
	v8 =	vadd.s32 v7, v8;
	v9 =	vshll.u32 v11, $0x4  }
0x7c: {  	v10 =	vld [tilespmem:s23+$0x2870];
	[tilespmem:s22+$0x7850] =	vst v8;
	v7 =	vadd.s32 v7, v9  }
0x7d: {  	v3 =	vadd.s32 $0xFFFFFFFF, v3;
	v8 =	vld [tilespmem:s23+$0x5000];
	[tilespmem:s22+$0xA050] =	vst v7;
	v4 =	vshll.u32 v4, $0x4  }
0x7e: {  	v7 =	vld [tilespmem:s23+$0x0];
	v4 =	vadd.s32 v3, v4;
	v5 =	vshll.u32 v5, $0x4  }
0x7f: {  	v41 =	vld [tilespmem:s23+$0x2800];
	[tilespmem:s22+$0x7860] =	vst v4;
	v3 =	vadd.s32 v3, v5;
	v42 =	vshll.u32 v6, $0x4  }
0x80: {  	v4 =	vld [tilespmem:s23+$0x5010];
	[tilespmem:s22+$0xA060] =	vst v3;
	v1 =	vadd.s32 v1, v42  }
0x81: {  	v3 =	vld [tilespmem:s23+$0x10];
	[tilespmem:s22+$0x7870] =	vst v1  }
0x82: {  	v43 =	vld [tilespmem:s23+$0x2810]  }
0x83: {  	v1 =	vadd.s32 $0xFFFFFFFF, v2;
	v2 =	vshll.u32 v10, $0x4;
	v44 =	vld [tilespmem:s23+$0x5020]  }
0x84: {  	v2 =	vadd.s32 v1, v2;
	v8 =	vadd.s32 $0xFFFFFFFF, v8;
	v45 =	vld [tilespmem:s23+$0x20];
	v7 =	vshll.u32 v7, $0x4  }
0x85: {  	v46 =	vld [tilespmem:s23+$0x2820];
	[tilespmem:s23+$0xA070] =	vst v2;
	v9 =	vshll.u32 v41, $0x4;
	v2 =	vadd.s32 v8, v7  }
0x86: {  	v47 =	vld [tilespmem:s23+$0x5030];
	[tilespmem:s23+$0x7800] =	vst v2;
	v2 =	vadd.s32 v8, v9  }
0x87: {  	v48 =	vld [tilespmem:s23+$0x30];
	[tilespmem:s23+$0xA000] =	vst v2;
	v2 =	vadd.s32 $0xFFFFFFFF, v4;
	v3 =	vshll.u32 v3, $0x4  }
0x88: {  	v50 =	vld [tilespmem:s23+$0x5040];
	v3 =	vadd.s32 v2, v3  }
0x89: {  	[tilespmem:s23+$0x7810] =	vst v3;
	v3 =	vld [tilespmem:s23+$0x2830]  }
0x8a: {  	v51 =	vld [tilespmem:s23+$0x40];
	v5 =	vshll.u32 v43, $0x4  }
0x8b: {  	v52 =	vld [tilespmem:s23+$0x2840];
	v2 =	vadd.s32 v2, v5  }
0x8c: {  	v54 =	vld [tilespmem:s23+$0x5050];
	v49 =	vshll.u32 v45, $0x4;
	v8 =	vshll.u32 v46, $0x4;
	[tilespmem:s23+$0xA010] =	vst v2;
	v2 =	vadd.s32 $0xFFFFFFFF, v44  }
0x8d: {  	v55 =	vld [tilespmem:s23+$0x50];
	v5 =	vadd.s32 v2, v49;
	v2 =	vadd.s32 v2, v8  }
0x8e: {  	v57 =	vld [tilespmem:s23+$0x5060];
	v53 =	vshll.u32 v48, $0x4;
	[tilespmem:s23+$0xA020] =	vst v2;
	v2 =	vadd.s32 $0xFFFFFFFF, v47;
	v3 =	vshll.u32 v3, $0x4  }
0x8f: {  	[tilespmem:s23+$0x7820] =	vst v5;
	v4 =	vadd.s32 v2, v53;
	v2 =	vadd.s32 v2, v3;
	v3 =	vld [tilespmem:s23+$0x2850]  }
0x90: {  	v58 =	vld [tilespmem:s23+$0x60];
	v56 =	vshll.u32 v51, $0x4;
	v5 =	vshll.u32 v52, $0x4;
	[tilespmem:s23+$0xA030] =	vst v2;
	v2 =	vadd.s32 $0xFFFFFFFF, v50  }
0x91: {  	v59 =	vld [tilespmem:s23+$0x2860];
	[tilespmem:s23+$0x7830] =	vst v4;
	v4 =	vadd.s32 v2, v56;
	v2 =	vadd.s32 v2, v5  }
0x92: {  	v60 =	vadd.s32 $0xFFFFFFFF, v54;
	v61 =	vshll.u32 v55, $0x4;
	[tilespmem:s23+$0xA040] =	vst v2;
	v2 =	vld [tilespmem:s23+$0x70]  }
0x93: {  	v8 =	vadd.s32 v60, v61  }
0x94: {  	[tilespmem:s23+$0x7850] =	vst v8;
	v3 =	vshll.u32 v3, $0x4  }
0x95: {  	v62 =	vadd.s32 $0xFFFFFFFF, v57;
	v63 =	vshll.u32 v58, $0x4;
	[tilespmem:s23+$0x7840] =	vst v4;
	v3 =	vadd.s32 v60, v3  }
0x96: {  	v4 =	vshll.u32 v59, $0x4;
	[tilespmem:s23+$0xA050] =	vst v3;
	v3 =	vadd.s32 v62, v63  }
0x97: {  	[tilespmem:s23+$0x7860] =	vst v3;
	v3 =	vadd.s32 v62, v4;
	v2 =	vshll.u32 v2, $0x4  }
0x98: {  	s30 =	simm.s32 $0xC800;
	s31 =	simm.s32 $0x7800;
	[tilespmem:s23+$0xA060] =	vst v3;
	v1 =	vadd.s32 v1, v2  }
0x99: {  	s24 =	simm.s32 $0xA000;
	s22 =	simm.s32 $0x200;
	[tilespmem:s23+$0x7870] =	vst v1;
	s23 =	simm.s32 $0xF000  }
0x9a: {  	[tilespmem:s30], [sflag:$0x1] =	stream.indirect.gather [hbm4b:s4+s16], $0x1, s31, s16, $0xb8;
	[tilespmem:$0x11D00] =	vst v63  }
.LBB2_4:
0x9b: {  	[tilespmem:s23], [sflag:$0x1] =	stream.indirect.gather [hbm4b:s4+s16], $0x1, s24, s16, $0xb8;
	[tilespmem:$0x11D00] =	vst v63  }
0x9c: {  	s23 =	smov.u32 s22;
	p0 =	sne.s32 s22, $0x9E00  }
.Ltmp1:
0x9d: {  	s22 =	sadd.s32 $0x200, s22;
	(pc) =	sbr.rel @p0 .LBB2_4-.Ltmp1, $4  }
0x9e: {  	s24 =	sshra.s32 s23, $0x2  }
0x9f: {  	s23 =	sadd.s32 $0xC800, s24;
	s25 =	sadd.s32 $0x7800, s24  }
0xa0: {  	[tilespmem:s23], [sflag:$0x1] =	stream.indirect.gather [hbm4b:s4+s16], $0x1, s25, s16, $0xb8;
	[tilespmem:$0x11D00] =	vst v63  }
0xa1: {  	s23 =	sadd.s32 $0xF000, s24;
	s24 =	sadd.s32 $0xA000, s24  }
0xa2: {  	[tilespmem:s23], [sflag:$0x1] =	stream.indirect.gather [hbm4b:s4+s16], $0x1, s24, s16, $0xb8;
	[tilespmem:$0x11D00] =	vst v63  }
0xa3: {  	_ =	swait.ge [sflag:s17], $0x2800  }
0xa4: {  	[sflag:s17] =	ssyncset.done $0x0  }
0xa5: {  	[sflag:s17] =	ssyncadd.s32 $0xFFFFD800  }
0xa6: {  	_ =	swait.ge [sflag:s17], $0x2800  }
0xa7: {  	[sflag:s17] =	ssyncset.done $0x0  }
0xa8: {  	s22 =	simm.s32 $0x0;
	[sflag:s17] =	ssyncadd.s32 $0xFFFFD800  }
0xa9: {  	v1 =	vld [tilespmem:s22+$0xF020]  }
0xaa: {  	v2 =	vld [tilespmem:s22+$0xF050]  }
0xab: {  	v3 =	vld [tilespmem:s22+$0xF070]  }
0xac: {  	v4 =	vld [tilespmem:s22+$0xF030]  }
0xad: {  	v5 =	vld [tilespmem:s22+$0xF010]  }
0xae: {  	v6 =	vld [tilespmem:s22+$0xC820]  }
0xaf: {  	v7 =	vld [tilespmem:s22+$0xC850]  }
0xb0: {  	v8 =	vld [tilespmem:s22+$0xC870]  }
0xb1: {  	v9 =	vld [tilespmem:s22+$0xF000]  }
0xb2: {  	v11 =	vld [tilespmem:s22+$0xC800]  }
0xb3: {  	v10 =	vld [tilespmem:s22+$0xF040];
	v1 =	vmul.f32 v1, v6  }
0xb4: {  	v6 =	vld [tilespmem:s22+$0xC840];
	v2 =	vmul.f32 v2, v7  }
0xb5: {  	v7 =	vld [tilespmem:s22+$0xC830];
	v1 =	vmul.f32 $1.442695020e+00, v1  }
0xb6: {  	v3 =	vmul.f32 v3, v8;
	v8 =	vld [tilespmem:s22+$0xC810];
	v2 =	vmul.f32 $1.442695020e+00, v2  }
0xb7: {  	v9 =	vmul.f32 v9, v11;
	(erf) = vpow2.f32 v1  }
0xb8: {  	v3 =	vmul.f32 $1.442695020e+00, v3;
	(erf) = vpow2.f32 v2  }
0xb9: {  	v1 =	vld [tilespmem:s22+$0xF060];
	v10 =	vmul.f32 v10, v6;
	v6 =	vmul.f32 $1.442695020e+00, v9  }
0xba: {  	v4 =	vmul.f32 v4, v7;
	v2 =	vld [tilespmem:s22+$0xC860];
	(erf) = vpow2.f32 v3  }
0xbb: {  	s24 =	simm.s32 $0x200;
	s23 =	simm.s32 $0x400;
	v3 =	vmul.f32 v5, v8;
	v5 =	vmul.f32 $1.442695020e+00, v10  }
.LBB2_6:
0xbc: {  	p0 =	sne.s32 s23, $0x9E00  }
0xbd: {  	s25 =	sshra.s32 s24, $0x2;
	v4 =	vmul.f32 $1.442695020e+00, v4;
	(erf) = vpow2.f32 v6;
	s24 =	smov.u32 s23;
	s23 =	sadd.s32 $0x200, s23  }
0xbe: {  	v6 =	vld [tilespmem:s25+$0xF020];
	v3 =	vmul.f32 $1.442695020e+00, v3;
	(erf) = vpow2.f32 v5  }
0xbf: {  	v5 =	vld [tilespmem:s25+$0xF050];
	v1 =	vmul.f32 v1, v2;
	(erf) = vpow2.f32 v4  }
0xc0: {  	v2 =	vld [tilespmem:s25+$0xF070];
	(erf) = vpow2.f32 v3  }
0xc1: {  	v3 =	vld [tilespmem:s25+$0xF030];
	v9 =	vmul.f32 $1.442695020e+00, v1;
	v4 =	vpop (erf)  }
0xc2: {  	v7 =	vld [tilespmem:s25+$0xF010];
	[tilespmem:s22+$0xC820] =	vst v4;
	v4 =	vpop (erf)  }
0xc3: {  	v8 =	vld [tilespmem:s25+$0xC820];
	[tilespmem:s22+$0xC850] =	vst v4;
	(erf) = vpow2.f32 v9;
	v1 =	vpop (erf)  }
0xc4: {  	v4 =	vld [tilespmem:s25+$0xC850];
	[tilespmem:s22+$0xC870] =	vst v1  }
0xc5: {  	v1 =	vld [tilespmem:s25+$0xC870]  }
0xc6: {  	v9 =	vld [tilespmem:s25+$0xF000];
	v10 =	vpop (erf)  }
0xc7: {  	v11 =	vld [tilespmem:s25+$0xF040];
	[tilespmem:s22+$0xC800] =	vst v10;
	v10 =	vpop (erf)  }
0xc8: {  	v12 =	vld [tilespmem:s25+$0xC800];
	v6 =	vmul.f32 v6, v8;
	[tilespmem:s22+$0xC840] =	vst v10;
	v8 =	vpop (erf)  }
0xc9: {  	v10 =	vld [tilespmem:s25+$0xC840];
	v4 =	vmul.f32 v5, v4;
	[tilespmem:s22+$0xC830] =	vst v8;
	v5 =	vpop (erf)  }
0xca: {  	v13 =	vmul.f32 $1.442695020e+00, v6;
	v8 =	vld [tilespmem:s25+$0xC830];
	v1 =	vmul.f32 v2, v1;
	[tilespmem:s22+$0xC810] =	vst v5  }
0xcb: {  	v5 =	vld [tilespmem:s25+$0xC810];
	v2 =	vmul.f32 $1.442695020e+00, v4  }
.Ltmp2:
0xcc: {  	v4 =	vmul.f32 $1.442695020e+00, v1;
	(erf) = vpow2.f32 v13;
	v6 =	vpop (erf);
	(pc) =	sbr.rel @p0 .LBB2_6-.Ltmp2, $4  }
0xcd: {  	v9 =	vmul.f32 v9, v12;
	v1 =	vld [tilespmem:s25+$0xF060];
	(erf) = vpow2.f32 v2;
	[tilespmem:s22+$0xC860] =	vst v6;
	s22 =	smov.u32 s25  }
0xce: {  	v10 =	vmul.f32 v11, v10;
	v2 =	vld [tilespmem:s22+$0xC860];
	(erf) = vpow2.f32 v4  }
0xcf: {  	v6 =	vmul.f32 $1.442695020e+00, v9;
	v4 =	vmul.f32 v3, v8  }
0xd0: {  	v3 =	vmul.f32 v7, v5;
	v5 =	vmul.f32 $1.442695020e+00, v10  }
0xd1: {  	(erf) = vpow2.f32 v6  }
0xd2: {  	s23 =	sshra.s32 s24, $0x2;
	v4 =	vmul.f32 $1.442695020e+00, v4;
	(erf) = vpow2.f32 v5  }
0xd3: {  	v7 =	vld [tilespmem:s23+$0xF020];
	v3 =	vmul.f32 $1.442695020e+00, v3;
	v1 =	vmul.f32 v1, v2  }
0xd4: {  	v8 =	vld [tilespmem:s23+$0xF050];
	(erf) = vpow2.f32 v4  }
0xd5: {  	v9 =	vld [tilespmem:s23+$0xF070];
	(erf) = vpow2.f32 v3;
	v1 =	vmul.f32 $1.442695020e+00, v1  }
0xd6: {  	v57 =	vld [tilespmem:s23+$0xF030];
	v10 =	vpop (erf)  }
0xd7: {  	v11 =	vld [tilespmem:s23+$0xF010];
	[tilespmem:s22+$0xC820] =	vst v10;
	v58 =	vpop (erf);
	(erf) = vpow2.f32 v1  }
0xd8: {  	v10 =	vld [tilespmem:s23+$0xC820];
	[tilespmem:s22+$0xC850] =	vst v58;
	v2 =	vpop (erf)  }
0xd9: {  	v59 =	vld [tilespmem:s23+$0xC850];
	[tilespmem:s22+$0xC870] =	vst v2  }
0xda: {  	v2 =	vld [tilespmem:s23+$0xC870]  }
0xdb: {  	v3 =	vld [tilespmem:s23+$0xF000];
	v1 =	vpop (erf)  }
0xdc: {  	v5 =	vld [tilespmem:s23+$0xF040];
	[tilespmem:s22+$0xC800] =	vst v1;
	v1 =	vpop (erf)  }
0xdd: {  	v12 =	vld [tilespmem:s23+$0xC800];
	[tilespmem:s22+$0xC840] =	vst v1;
	v1 =	vpop (erf)  }
0xde: {  	v7 =	vmul.f32 v7, v10;
	v13 =	vld [tilespmem:s23+$0xC840];
	[tilespmem:s22+$0xC830] =	vst v1;
	v1 =	vpop (erf)  }
0xdf: {  	v14 =	vld [tilespmem:s23+$0xC830];
	[tilespmem:s22+$0xC810] =	vst v1;
	v1 =	vmul.f32 v8, v59;
	v2 =	vmul.f32 v9, v2  }
0xe0: {  	v7 =	vmul.f32 $1.442695020e+00, v7;
	v60 =	vld [tilespmem:s23+$0xC810];
	v61 =	vpop (erf)  }
0xe1: {  	v62 =	vld [tilespmem:s23+$0xF060];
	v1 =	vmul.f32 $1.442695020e+00, v1;
	v2 =	vmul.f32 $1.442695020e+00, v2;
	[tilespmem:s22+$0xC860] =	vst v61  }
0xe2: {  	(erf) = vpow2.f32 v7;
	v3 =	vmul.f32 v3, v12;
	v63 =	vld [tilespmem:s23+$0xC860]  }
0xe3: {  	(erf) = vpow2.f32 v1;
	v1 =	vmul.f32 v5, v13  }
0xe4: {  	(erf) = vpow2.f32 v2;
	v2 =	vmul.f32 v57, v14  }
0xe5: {  	v3 =	vmul.f32 $1.442695020e+00, v3;
	v4 =	vmul.f32 v11, v60  }
0xe6: {  	v1 =	vmul.f32 $1.442695020e+00, v1;
	v2 =	vmul.f32 $1.442695020e+00, v2  }
0xe7: {  	(erf) = vpow2.f32 v3;
	v3 =	vmul.f32 v62, v63  }
0xe8: {  	v4 =	vmul.f32 $1.442695020e+00, v4;
	(erf) = vpow2.f32 v1  }
0xe9: {  	(erf) = vpow2.f32 v2;
	v1 =	vmul.f32 $1.442695020e+00, v3  }
0xea: {  	(erf) = vpow2.f32 v4  }
0xeb: {  	(erf) = vpow2.f32 v1;
	_ =	sdelay $0x1  }
0xec: {  	v1 =	vpop (erf)  }
0xed: {  	[tilespmem:s23+$0xC820] =	vst v1;
	v1 =	vpop (erf)  }
0xee: {  	[tilespmem:s23+$0xC850] =	vst v1;
	v1 =	vpop (erf)  }
0xef: {  	[tilespmem:s23+$0xC870] =	vst v1;
	v1 =	vpop (erf)  }
0xf0: {  	[tilespmem:s23+$0xC800] =	vst v1;
	v1 =	vpop (erf)  }
0xf1: {  	[tilespmem:s23+$0xC840] =	vst v1;
	v1 =	vpop (erf)  }
0xf2: {  	[tilespmem:s23+$0xC830] =	vst v1;
	v1 =	vpop (erf)  }
0xf3: {  	[tilespmem:s23+$0xC810] =	vst v1;
	v1 =	vpop (erf)  }
0xf4: {  	s31 =	simm.s32 $0x0;
	[tilespmem:s23+$0xC860] =	vst v1  }
0xf5: {  	[hbm4b:s9+s31] =	stream.linear.scatter [tilespmem:s18], [sflag:$0x3], $0x2800, $0x38;
	[tilespmem:$0x11D00] =	vst v63  }
0xf6: {  	_ =	swait.ge [sflag:s13], $0x2800  }
0xf7: {  	s24 =	simm.s32 $0xC800;
	[sflag:s13] =	ssyncset.done $0x0  }
0xf8: {  	s22 =	simm.s32 $0x200;
	s23 =	simm.s32 $0x0;
	[sflag:s13] =	ssyncadd.s32 $0xFFFFD800  }
.LBB2_8:
0xf9: {  	[spmem:s2] =	stream.indirect.scatter.add.f32 [tilespmem:s24], [sflag:$0x2], $0x1, s23, s16, $0xb8;
	[tilespmem:$0x11D00] =	vst v63  }
0xfa: {  	s23 =	smov.u32 s22;
	p0 =	sne.s32 s22, $0x9E00  }
.Ltmp3:
0xfb: {  	s22 =	sadd.s32 $0x200, s22;
	(pc) =	sbr.rel @p0 .LBB2_8-.Ltmp3, $3  }
0xfc: {  	_ =	sdelay $0x1  }
0xfd: {  	s23 =	sshra.s32 s23, $0x2  }
0xfe: {  	s24 =	sadd.s32 $0xC800, s23  }
0xff: {  	[spmem:s2] =	stream.indirect.scatter.add.f32 [tilespmem:s24], [sflag:$0x2], $0x1, s23, s16, $0xb8;
	[tilespmem:$0x11D00] =	vst v63  }
0x100: {  	_ =	swait.ge [sflag:s19], $0x2800  }
0x101: {  	[sflag:s19] =	ssyncset.done $0x0  }
0x102: {  	[sflag:s19] =	ssyncadd.s32 $0xFFFFD800  }
0x103: {  	[bflag:$0x0] =	sbarrier.arrive $0xFFFF  }
0x104: {  	[tilespmem:s12], [sflag:$0x3] =	stream.linear.gather [spmem:s5], $0x280, $0x38;
	[tilespmem:$0x11D00] =	vst v63  }
0x105: {  	s21 =	sadd.s32 $0x1, s21;
	_ =	swait.ge [sflag:s13], $0x280  }
0x106: {  	p0 =	sne.s32 s21, s11;
	[sflag:s13] =	ssyncset.done $0x0  }
.Ltmp4:
0x107: {  	[sflag:s13] =	ssyncadd.s32 $0xFFFFFD80;
	(pc) =	sbr.rel @p0 .LBB2_1-.Ltmp4, $4  }
0x108: {  	[hbm4b:s10+s16] =	stream.strided.scatter [tilespmem:s12], [sflag:$0x3], $0x280, s20, s16, $0x38;
	[tilespmem:$0x11D00] =	vst v63  }
0x109: {  	_ =	swait.ge [sflag:s13], $0x280  }
0x10a: {  	[sflag:s13] =	ssyncset.done $0x0  }
0x10b: {  	[sflag:s13] =	ssyncadd.s32 $0xFFFFFD80  }
0x10c: {  	_ =	sfence.sel $0x180000  }
0x10d: {  	[bflag:$0x0] =	sbarrier.arrive $0xFFFF  }
0x10e: {  	p0 =	sne.s32 s1, $0x0;
	_ =	strace $0x90000047  }
0x10f: {  	s0 =	sadd.s32 @!p0 $0x100000, s0;
	[bflag:$0x2] =	sbarrier.arrive $0xFFFF  }
0x110: {  	[sflag:s0] =	ssyncadd.tile.s32 @!p0 $0x1;
	_ =	shalt  }
.Lfunc_end2:
_tile_overlayer_lowered:
.L_overlay_start_2:
0x111: {  	(tag) =	ssettag $0x2  }
0x112: {  	s0 =	rddreg [dreg:$0x0];
	s2 =	stileid.u32  }
0x113: {  	s1 =	rddreg [dreg:$0x1];
	p0 =	sne.s32 s2, $0x0  }
0x114: {  	s3 =	rddreg [dreg:$0x2];
	[bflag:$0x3] =	sbarrier.arrive $0xFFFF;
	s2 =	simm.s32 @!p0 $0x1C03  }
0x115: {  	[timem:s3], [sflag:s2] =	dma.local @!p0 [hbm:s0], s1  }
0x116: {  	s0 =	simm.s32 @!p0 $0x3  }
0x117: {  	_ =	swait.ge @!p0 [sflag:s0], s1  }
0x118: {  	s1 =	ssub.s32 @!p0 $0x0, s1;
	[sflag:s0] =	ssyncset.done @!p0 $0x0  }
0x119: {  	[sflag:s0] =	ssyncadd.s32 @!p0 s1  }
0x11a: {  	[bflag:$0x3] =	sbarrier.arrive $0xFFFF  }
0x11b: {  	_ =	shalt  }

</sc_bundles>
